<compile_context>
chip_gen: v7x
topology: tpu7x:2x2x1
jax: 0.10.2.dev20260603
libtpu: 0.0.44.dev20260713+nightly
codegen_flags: <defaults>
</compile_context>

<pallas_src>
import jax
import jax.numpy as jnp
from jax import lax
from jax.experimental import pallas as pl
from jax.experimental.pallas import tpu as pltpu
from jax.experimental.pallas import tpu_sc as plsc

_B, _C, _H, _W, _K = 16, 64, 128, 128, 128
_HW = _H * _W
_NC, _NS, _L = 2, 16, 16
_NW = _NC * _NS
_KCHUNK = (_B * _K) // _NW
_KG = _KCHUNK // _L
_NROW = (_KCHUNK * _C) // 128
_GROUP = 8


def _body(feat_hbm, tgt_hbm, ind_hbm, mask_hbm, out_hbm,
          ind_v, mask_v, idx_v, tgt_v, pred_v, out_v,
          sem0, sem1, sem2, sem3, sem_t, sem_i):
  wid = lax.axis_index("s") * _NC + lax.axis_index("c")
  b = wid // 2

  cp_ind = pltpu.make_async_copy(
      ind_hbm.at[pl.ds(wid * _KCHUNK, _KCHUNK)], ind_v, sem_i)
  cp_ind.start()
  cp_tgt = pltpu.make_async_copy(
      tgt_hbm.at[pl.ds(wid * _KCHUNK * _C, _KCHUNK * _C)], tgt_v, sem_t)
  cp_tgt.start()
  cp_mask = pltpu.make_async_copy(
      mask_hbm.at[pl.ds(wid * _KCHUNK, _KCHUNK)], mask_v, sem_t)
  cp_mask.start()
  cp_ind.wait()

  iota = lax.iota(jnp.int32, _L)
  base = b * _C * _HW

  def build(j, carry):
    for h in range(2):
      off = base + (2 * j + h) * _HW
      for kg in range(_KG):
        kv = ind_v[pl.ds(kg * _L, _L)]
        idx_v[j, pl.ds(h * 64 + kg * _L, _L)] = kv + off
    return carry

  sems = (sem0, sem1, sem2, sem3)
  ngroups = _NROW // _GROUP

  waves = [[pltpu.make_async_copy(feat_hbm.at[idx_v.at[g * _GROUP + i]],
                                  pred_v.at[g * _GROUP + i], sems[g])
            for i in range(_GROUP)]
           for g in range(ngroups)]
  for g in range(ngroups):
    lax.fori_loop(g * _GROUP, (g + 1) * _GROUP, build, 0)
    for cp in waves[g]:
      cp.start()

  cp_tgt.wait()
  cp_mask.wait()

  kbase = [(iota + kg * _L) * _C for kg in range(_KG)]

  def cbody(j, accs):
    a = list(accs)
    for h in range(2):
      cc = 2 * j + h
      for kg in range(_KG):
        pv = pred_v[j, pl.ds(h * 64 + kg * _L, _L)]
        tv = plsc.load_gather(tgt_v, [kbase[kg] + cc])
        a[kg] = a[kg] + jnp.abs(pv - tv)
    return tuple(a)

  z = jnp.zeros((_L,), jnp.float32)
  accs = (z,) * _KG
  for g in range(ngroups):
    for cp in waves[g]:
      cp.wait()
    accs = lax.fori_loop(g * _GROUP, (g + 1) * _GROUP, cbody, accs,
                         unroll=2)

  num = jnp.float32(0.0)
  den = jnp.float32(0.0)
  for kg in range(_KG):
    mv = mask_v[pl.ds(kg * _L, _L)]
    num = num + jnp.sum(accs[kg] * jnp.abs(mv))
    den = den + jnp.sum(mv)

  out_v[...] = jnp.where(iota == 0, num, jnp.where(iota == 1, den, 0.0))
  pltpu.sync_copy(out_v, out_hbm.at[wid])


_SC_LOSS = pl.kernel(
    _body,
    out_type=jax.ShapeDtypeStruct((_NW, _L), jnp.float32),
    mesh=plsc.VectorSubcoreMesh(core_axis_name="c", subcore_axis_name="s"),
    compiler_params=pltpu.CompilerParams(needs_layout_passes=False),
    scratch_types=[
        pltpu.VMEM((_KCHUNK,), jnp.int32),
        pltpu.VMEM((_KCHUNK,), jnp.float32),
        pltpu.VMEM((_NROW, 128), jnp.int32),
        pltpu.VMEM((_KCHUNK * _C,), jnp.float32),
        pltpu.VMEM((_NROW, 128), jnp.float32),
        pltpu.VMEM((_L,), jnp.float32),
        pltpu.SemaphoreType.DMA,
        pltpu.SemaphoreType.DMA,
        pltpu.SemaphoreType.DMA,
        pltpu.SemaphoreType.DMA,
        pltpu.SemaphoreType.DMA,
        pltpu.SemaphoreType.DMA,
    ],
)


@jax.jit
def kernel(output, mask, ind, target, freq_mask, hm):
  feat = output.reshape(_B * _C * _HW)
  tgt = target.reshape(_B * _K * _C)
  indf = ind.reshape(_B * _K)
  maskf = mask.reshape(_B * _K)
  parts = _SC_LOSS(feat, tgt, indf, maskf)
  tot = jnp.sum(parts, axis=0)
  return tot[0] / (_C * tot[1] + 1e-4)

# --- scband reference (transcript-rebuilt; emitter-appended) ---
"""Pipeline reference for scband-reg-l1-poly-loss-22471268893274 (READ-ONLY COPY).

The authoritative reference and input builder live on the scoring server;
editing this copy changes nothing except your own understanding.
"""

import jax, jax.numpy as jnp
import numpy as np

B, C, H, W, K = 16, 64, 128, 128, 128


def setup_inputs(seed: int = 0) -> dict:
    key = jax.random.key(seed)
    k1, k2, k3 = jax.random.split(key, 3)
    output = jax.random.normal(k1, (B, C, H, W), dtype=jnp.float32)
    mask = jnp.ones((B, K), dtype=jnp.float32)
    ind = jax.random.randint(k2, (B, K), 0, H * W, dtype=jnp.int32)
    target = jax.random.normal(k3, (B, K, C), dtype=jnp.float32)
    freq_mask = jnp.ones((B, K), dtype=jnp.float32)
    hm = jnp.zeros((B,), dtype=jnp.float32)
    return {"output": output, "mask": mask, "ind": ind, "target": target, "freq_mask": freq_mask, "hm": hm}


def _transpose_and_gather_feat(feat, ind):
    # feat: [B, C, H, W] -> [B, H*W, C], gather along dim 1 at ind -> [B, K, C]
    b, c, h, w = feat.shape
    feat = feat.reshape(b, c, h * w)
    feat = jnp.transpose(feat, (0, 2, 1))  # [B, HW, C]
    idx = jnp.broadcast_to(ind[:, :, None], (b, ind.shape[1], c))
    return jnp.take_along_axis(feat, idx, axis=1)


def reference(output, mask, ind, target, freq_mask, hm=None):
    pred = _transpose_and_gather_feat(output, ind)  # [B, K, C]
    m = jnp.broadcast_to(mask[:, :, None], pred.shape).astype(jnp.float32)
    loss = jnp.sum(jnp.abs(pred * m - target * m))
    loss = loss / (jnp.sum(m) + 0.0001)
    if hm is not None:
        loss = loss + jnp.sum(hm) * 0.0
    return loss

if __name__ == "__main__":
    import jax
    _d = setup_inputs()
    print(jax.jit(kernel)(*tuple(_d.values())))

</pallas_src>

<mosaic_0001>
#map = affine_map<(d0, d1) -> (0)>
#map1 = affine_map<(d0, d1) -> (0, 0)>
module attributes {stable_mosaic.version = 14 : i64} {
  func.func @_body(%arg0: i32, %arg1: i32, %arg2: memref<16777216xf32, #tpu.memory_space<hbm>>, %arg3: memref<131072xf32, #tpu.memory_space<hbm>>, %arg4: memref<2048xi32, #tpu.memory_space<hbm>>, %arg5: memref<2048xf32, #tpu.memory_space<hbm>>, %arg6: memref<32x16xf32, #tpu.memory_space<hbm>>, %arg7: memref<64xi32, #tpu.memory_space<vmem>>, %arg8: memref<64xf32, #tpu.memory_space<vmem>>, %arg9: memref<32x128xi32, #tpu.memory_space<vmem>>, %arg10: memref<4096xf32, #tpu.memory_space<vmem>>, %arg11: memref<32x128xf32, #tpu.memory_space<vmem>>, %arg12: memref<16xf32, #tpu.memory_space<vmem>>, %arg13: memref<!tpu.dma_semaphore, #tpu.memory_space<semaphore_mem>>, %arg14: memref<!tpu.dma_semaphore, #tpu.memory_space<semaphore_mem>>, %arg15: memref<!tpu.dma_semaphore, #tpu.memory_space<semaphore_mem>>, %arg16: memref<!tpu.dma_semaphore, #tpu.memory_space<semaphore_mem>>, %arg17: memref<!tpu.dma_semaphore, #tpu.memory_space<semaphore_mem>>, %arg18: memref<!tpu.dma_semaphore, #tpu.memory_space<semaphore_mem>>) attributes {dimension_semantics = [#tpu.dimension_semantics<core_parallel>, #tpu.dimension_semantics<subcore_parallel>], iteration_bounds = array<i64: 2, 16>, scalar_prefetch = 0 : i64, scratch_operands = 12 : i64, tpu.core_type = #tpu.core_type<sc_vector_subcore>, window_params = [{transform_indices = #map}, {transform_indices = #map}, {transform_indices = #map}, {transform_indices = #map}, {transform_indices = #map1}]} {
    %mul3A = arith.constant 2 : i32
    %mul3A_0 = arith.muli %arg1, %mul3A : i32
    %add3A = arith.addi %mul3A_0, %arg0 : i32
    %jit3A = arith.constant 2 : i32
    %div3A = arith.divsi %add3A, %jit3A : i32
    %sign3A = arith.constant 0 : i32
    %sign3A_1 = arith.cmpi sgt, %add3A, %sign3A : i32
    %sign3A_2 = arith.extui %sign3A_1 : i1 to i32
    %sign3A_3 = arith.constant 0 : i32
    %sign3A_4 = arith.cmpi slt, %add3A, %sign3A_3 : i32
    %sign3A_5 = arith.extui %sign3A_4 : i1 to i32
    %sign3A_6 = arith.subi %sign3A_2, %sign3A_5 : i32
    %sign3A_7 = arith.constant 0 : i32
    %sign3A_8 = arith.cmpi sgt, %jit3A, %sign3A_7 : i32
    %sign3A_9 = arith.extui %sign3A_8 : i1 to i32
    %sign3A_10 = arith.constant 0 : i32
    %sign3A_11 = arith.cmpi slt, %jit3A, %sign3A_10 : i32
    %sign3A_12 = arith.extui %sign3A_11 : i1 to i32
    %sign3A_13 = arith.subi %sign3A_9, %sign3A_12 : i32
    %ne3A = arith.cmpi ne, %sign3A_6, %sign3A_13 : i32
    %rem3A = arith.remsi %add3A, %jit3A : i32
    %ne3A_14 = arith.constant 0 : i32
    %ne3A_15 = arith.cmpi ne, %rem3A, %ne3A_14 : i32
    %and3A = arith.andi %ne3A, %ne3A_15 : i1
    %sub3A = arith.constant 1 : i32
    %sub3A_16 = arith.subi %div3A, %sub3A : i32
    %select_n3A = arith.select %and3A, %sub3A_16, %div3A : i32
    %mul3A_17 = arith.constant 64 : i32
    %mul3A_18 = arith.muli %add3A, %mul3A_17 : i32
    %dma_start3A = tpu.memref_slice %arg4[%mul3A_18] : memref<2048xi32, #tpu.memory_space<hbm>> -> memref<64xi32, #tpu.memory_space<hbm>>
    %dma_start3A_19 = tpu.memref_slice %arg4[%mul3A_18] : memref<2048xi32, #tpu.memory_space<hbm>> -> memref<64xi32, #tpu.memory_space<hbm>>
    tpu.enqueue_dma source(%dma_start3A_19 : memref<64xi32, #tpu.memory_space<hbm>>) target(%arg7 : memref<64xi32, #tpu.memory_space<vmem>>) target_semaphore(%arg18 : memref<!tpu.dma_semaphore, #tpu.memory_space<semaphore_mem>>)
    %mul3A_20 = arith.constant 64 : i32
    %mul3A_21 = arith.muli %add3A, %mul3A_20 : i32
    %mul3A_22 = arith.constant 64 : i32
    %mul3A_23 = arith.muli %mul3A_21, %mul3A_22 : i32
    %dma_start3A_24 = tpu.memref_slice %arg3[%mul3A_23] : memref<131072xf32, #tpu.memory_space<hbm>> -> memref<4096xf32, #tpu.memory_space<hbm>>
    %dma_start3A_25 = tpu.memref_slice %arg3[%mul3A_23] : memref<131072xf32, #tpu.memory_space<hbm>> -> memref<4096xf32, #tpu.memory_space<hbm>>
    tpu.enqueue_dma source(%dma_start3A_25 : memref<4096xf32, #tpu.memory_space<hbm>>) target(%arg10 : memref<4096xf32, #tpu.memory_space<vmem>>) target_semaphore(%arg17 : memref<!tpu.dma_semaphore, #tpu.memory_space<semaphore_mem>>)
    %mul3A_26 = arith.constant 64 : i32
    %mul3A_27 = arith.muli %add3A, %mul3A_26 : i32
    %dma_start3A_28 = tpu.memref_slice %arg5[%mul3A_27] : memref<2048xf32, #tpu.memory_space<hbm>> -> memref<64xf32, #tpu.memory_space<hbm>>
    %dma_start3A_29 = tpu.memref_slice %arg5[%mul3A_27] : memref<2048xf32, #tpu.memory_space<hbm>> -> memref<64xf32, #tpu.memory_space<hbm>>
    tpu.enqueue_dma source(%dma_start3A_29 : memref<64xf32, #tpu.memory_space<hbm>>) target(%arg8 : memref<64xf32, #tpu.memory_space<vmem>>) target_semaphore(%arg17 : memref<!tpu.dma_semaphore, #tpu.memory_space<semaphore_mem>>)
    %dma_wait3A = tpu.memref_slice %arg4[%mul3A_18] : memref<2048xi32, #tpu.memory_space<hbm>> -> memref<64xi32, #tpu.memory_space<hbm>>
    %dma_wait3A_30 = tpu.memref_slice %arg4[%mul3A_18] : memref<2048xi32, #tpu.memory_space<hbm>> -> memref<64xi32, #tpu.memory_space<hbm>>
    tpu.wait_dma2 semaphore(%arg18 : memref<!tpu.dma_semaphore, #tpu.memory_space<semaphore_mem>>) src(%dma_wait3A_30 : memref<64xi32, #tpu.memory_space<hbm>>) dst(%arg7 : memref<64xi32, #tpu.memory_space<vmem>>)
    %iota3A = tpu.iota {dimensions = array<i32: 0>} : vector<16xi32>
    %mul3A_31 = arith.constant 64 : i32
    %mul3A_32 = arith.muli %select_n3A, %mul3A_31 : i32
    %mul3A_33 = arith.constant 16384 : i32
    %mul3A_34 = arith.muli %mul3A_32, %mul3A_33 : i32
    %scan3A = arith.constant 0 : i32
    %scan3A_35 = arith.constant 0 : i32
    %scan3A_36 = arith.constant 8 : i32
    %scan3A_37 = arith.addi %scan3A_35, %scan3A_36 : i32
    %scan3A_38 = arith.constant 1 : i32
    scf.for %scan3A_818 = %scan3A_35 to %scan3A_37 step %scan3A_38  : i32 {
      %mul3A_819 = arith.constant 2 : i32
      %mul3A_820 = arith.muli %mul3A_819, %scan3A_818 : i32
      %add3A_821 = arith.constant 0 : i32
      %add3A_822 = arith.addi %mul3A_820, %add3A_821 : i32
      %mul3A_823 = arith.constant 16384 : i32
      %mul3A_824 = arith.muli %add3A_822, %mul3A_823 : i32
      %add3A_825 = arith.addi %mul3A_34, %mul3A_824 : i32
      %get3A_826 = arith.constant 0 : index
      %get3A_827 = tpu.vector_load %arg7[%get3A_826] {strides = array<i32>} : memref<64xi32, #tpu.memory_space<vmem>>, vector<16xi32>,
      %add3A_828 = vector.broadcast %add3A_825 : i32 to vector<16xi32>
      %add3A_829 = arith.addi %get3A_827, %add3A_828 : vector<16xi32>
      %swap3A_830 = arith.index_cast %scan3A_818 : i32 to index
      %swap3A_831 = arith.constant 0 : index
      %swap3A_832 = tpu.vector_load %arg9[%swap3A_830, %swap3A_831] {strides = array<i32>} : memref<32x128xi32, #tpu.memory_space<vmem>>, vector<16xi32>,
      tpu.vector_store %arg9[%swap3A_830, %swap3A_831], %add3A_829 {strides = array<i32>} : memref<32x128xi32, #tpu.memory_space<vmem>>, vector<16xi32>,
      %get3A_833 = arith.constant 16 : index
      %get3A_834 = tpu.vector_load %arg7[%get3A_833] {strides = array<i32>} : memref<64xi32, #tpu.memory_space<vmem>>, vector<16xi32>,
      %add3A_835 = vector.broadcast %add3A_825 : i32 to vector<16xi32>
      %add3A_836 = arith.addi %get3A_834, %add3A_835 : vector<16xi32>
      %swap3A_837 = arith.index_cast %scan3A_818 : i32 to index
      %swap3A_838 = arith.constant 16 : index
      %swap3A_839 = tpu.vector_load %arg9[%swap3A_837, %swap3A_838] {strides = array<i32>} : memref<32x128xi32, #tpu.memory_space<vmem>>, vector<16xi32>,
      tpu.vector_store %arg9[%swap3A_837, %swap3A_838], %add3A_836 {strides = array<i32>} : memref<32x128xi32, #tpu.memory_space<vmem>>, vector<16xi32>,
      %get3A_840 = arith.constant 32 : index
      %get3A_841 = tpu.vector_load %arg7[%get3A_840] {strides = array<i32>} : memref<64xi32, #tpu.memory_space<vmem>>, vector<16xi32>,
      %add3A_842 = vector.broadcast %add3A_825 : i32 to vector<16xi32>
      %add3A_843 = arith.addi %get3A_841, %add3A_842 : vector<16xi32>
      %swap3A_844 = arith.index_cast %scan3A_818 : i32 to index
      %swap3A_845 = arith.constant 32 : index
      %swap3A_846 = tpu.vector_load %arg9[%swap3A_844, %swap3A_845] {strides = array<i32>} : memref<32x128xi32, #tpu.memory_space<vmem>>, vector<16xi32>,
      tpu.vector_store %arg9[%swap3A_844, %swap3A_845], %add3A_843 {strides = array<i32>} : memref<32x128xi32, #tpu.memory_space<vmem>>, vector<16xi32>,
      %get3A_847 = arith.constant 48 : index
      %get3A_848 = tpu.vector_load %arg7[%get3A_847] {strides = array<i32>} : memref<64xi32, #tpu.memory_space<vmem>>, vector<16xi32>,
      %add3A_849 = vector.broadcast %add3A_825 : i32 to vector<16xi32>
      %add3A_850 = arith.addi %get3A_848, %add3A_849 : vector<16xi32>
      %swap3A_851 = arith.index_cast %scan3A_818 : i32 to index
      %swap3A_852 = arith.constant 48 : index
      %swap3A_853 = tpu.vector_load %arg9[%swap3A_851, %swap3A_852] {strides = array<i32>} : memref<32x128xi32, #tpu.memory_space<vmem>>, vector<16xi32>,
      tpu.vector_store %arg9[%swap3A_851, %swap3A_852], %add3A_850 {strides = array<i32>} : memref<32x128xi32, #tpu.memory_space<vmem>>, vector<16xi32>,
      %mul3A_854 = arith.constant 2 : i32
      %mul3A_855 = arith.muli %mul3A_854, %scan3A_818 : i32
      %add3A_856 = arith.constant 1 : i32
      %add3A_857 = arith.addi %mul3A_855, %add3A_856 : i32
      %mul3A_858 = arith.constant 16384 : i32
      %mul3A_859 = arith.muli %add3A_857, %mul3A_858 : i32
      %add3A_860 = arith.addi %mul3A_34, %mul3A_859 : i32
      %get3A_861 = arith.constant 0 : index
      %get3A_862 = tpu.vector_load %arg7[%get3A_861] {strides = array<i32>} : memref<64xi32, #tpu.memory_space<vmem>>, vector<16xi32>,
      %add3A_863 = vector.broadcast %add3A_860 : i32 to vector<16xi32>
      %add3A_864 = arith.addi %get3A_862, %add3A_863 : vector<16xi32>
      %swap3A_865 = arith.index_cast %scan3A_818 : i32 to index
      %swap3A_866 = arith.constant 64 : index
      %swap3A_867 = tpu.vector_load %arg9[%swap3A_865, %swap3A_866] {strides = array<i32>} : memref<32x128xi32, #tpu.memory_space<vmem>>, vector<16xi32>,
      tpu.vector_store %arg9[%swap3A_865, %swap3A_866], %add3A_864 {strides = array<i32>} : memref<32x128xi32, #tpu.memory_space<vmem>>, vector<16xi32>,
      %get3A_868 = arith.constant 16 : index
      %get3A_869 = tpu.vector_load %arg7[%get3A_868] {strides = array<i32>} : memref<64xi32, #tpu.memory_space<vmem>>, vector<16xi32>,
      %add3A_870 = vector.broadcast %add3A_860 : i32 to vector<16xi32>
      %add3A_871 = arith.addi %get3A_869, %add3A_870 : vector<16xi32>
      %swap3A_872 = arith.index_cast %scan3A_818 : i32 to index
      %swap3A_873 = arith.constant 80 : index
      %swap3A_874 = tpu.vector_load %arg9[%swap3A_872, %swap3A_873] {strides = array<i32>} : memref<32x128xi32, #tpu.memory_space<vmem>>, vector<16xi32>,
      tpu.vector_store %arg9[%swap3A_872, %swap3A_873], %add3A_871 {strides = array<i32>} : memref<32x128xi32, #tpu.memory_space<vmem>>, vector<16xi32>,
      %get3A_875 = arith.constant 32 : index
      %get3A_876 = tpu.vector_load %arg7[%get3A_875] {strides = array<i32>} : memref<64xi32, #tpu.memory_space<vmem>>, vector<16xi32>,
      %add3A_877 = vector.broadcast %add3A_860 : i32 to vector<16xi32>
      %add3A_878 = arith.addi %get3A_876, %add3A_877 : vector<16xi32>
      %swap3A_879 = arith.index_cast %scan3A_818 : i32 to index
      %swap3A_880 = arith.constant 96 : index
      %swap3A_881 = tpu.vector_load %arg9[%swap3A_879, %swap3A_880] {strides = array<i32>} : memref<32x128xi32, #tpu.memory_space<vmem>>, vector<16xi32>,
      tpu.vector_store %arg9[%swap3A_879, %swap3A_880], %add3A_878 {strides = array<i32>} : memref<32x128xi32, #tpu.memory_space<vmem>>, vector<16xi32>,
      %get3A_882 = arith.constant 48 : index
      %get3A_883 = tpu.vector_load %arg7[%get3A_882] {strides = array<i32>} : memref<64xi32, #tpu.memory_space<vmem>>, vector<16xi32>,
      %add3A_884 = vector.broadcast %add3A_860 : i32 to vector<16xi32>
      %add3A_885 = arith.addi %get3A_883, %add3A_884 : vector<16xi32>
      %swap3A_886 = arith.index_cast %scan3A_818 : i32 to index
      %swap3A_887 = arith.constant 112 : index
      %swap3A_888 = tpu.vector_load %arg9[%swap3A_886, %swap3A_887] {strides = array<i32>} : memref<32x128xi32, #tpu.memory_space<vmem>>, vector<16xi32>,
      tpu.vector_store %arg9[%swap3A_886, %swap3A_887], %add3A_885 {strides = array<i32>} : memref<32x128xi32, #tpu.memory_space<vmem>>, vector<16xi32>,
    }
    %scan3A_39 = arith.constant 8 : i32
    %dma_start3A_40 = arith.constant 0 : i32
    %dma_start3A_41 = arith.constant 0 : i32
    %dma_start3A_42 = arith.constant 0 : i32
    %dma_start3A_43 = tpu.memref_slice %arg11[%dma_start3A_41, %dma_start3A_42] : memref<32x128xf32, #tpu.memory_space<vmem>> -> memref<1x128xf32, #tpu.memory_space<vmem>>
    %dma_start3A_44 = tpu.memref_squeeze %dma_start3A_43 : memref<1x128xf32, #tpu.memory_space<vmem>> -> memref<128xf32, #tpu.memory_space<vmem>>
    %dma_start3A_45 = arith.constant 0 : i32
    %dma_start3A_46 = tpu.memref_slice %arg9[%dma_start3A_40, %dma_start3A_45] : memref<32x128xi32, #tpu.memory_space<vmem>> -> memref<1x128xi32, #tpu.memory_space<vmem>>
    %dma_start3A_47 = tpu.memref_squeeze %dma_start3A_46 : memref<1x128xi32, #tpu.memory_space<vmem>> -> memref<128xi32, #tpu.memory_space<vmem>>
    %dma_start3A_48 = arith.constant 0 : i32
    %dma_start3A_49 = tpu.memref_slice %arg2[%dma_start3A_48] : memref<16777216xf32, #tpu.memory_space<hbm>> -> memref<16777216xf32, #tpu.memory_space<hbm>>
    tpu.enqueue_indirect_dma source(%dma_start3A_49 : memref<16777216xf32, #tpu.memory_space<hbm>>) target(%dma_start3A_44 : memref<128xf32, #tpu.memory_space<vmem>>) offsets(%dma_start3A_47 : memref<128xi32, #tpu.memory_space<vmem>>) semaphore(%arg13 : memref<!tpu.dma_semaphore, #tpu.memory_space<semaphore_mem>>)
    %dma_start3A_50 = arith.constant 1 : i32
    %dma_start3A_51 = arith.constant 1 : i32
    %dma_start3A_52 = arith.constant 0 : i32
    %dma_start3A_53 = tpu.memref_slice %arg11[%dma_start3A_51, %dma_start3A_52] : memref<32x128xf32, #tpu.memory_space<vmem>> -> memref<1x128xf32, #tpu.memory_space<vmem>>
    %dma_start3A_54 = tpu.memref_squeeze %dma_start3A_53 : memref<1x128xf32, #tpu.memory_space<vmem>> -> memref<128xf32, #tpu.memory_space<vmem>>
    %dma_start3A_55 = arith.constant 0 : i32
    %dma_start3A_56 = tpu.memref_slice %arg9[%dma_start3A_50, %dma_start3A_55] : memref<32x128xi32, #tpu.memory_space<vmem>> -> memref<1x128xi32, #tpu.memory_space<vmem>>
    %dma_start3A_57 = tpu.memref_squeeze %dma_start3A_56 : memref<1x128xi32, #tpu.memory_space<vmem>> -> memref<128xi32, #tpu.memory_space<vmem>>
    %dma_start3A_58 = arith.constant 0 : i32
    %dma_start3A_59 = tpu.memref_slice %arg2[%dma_start3A_58] : memref<16777216xf32, #tpu.memory_space<hbm>> -> memref<16777216xf32, #tpu.memory_space<hbm>>
    tpu.enqueue_indirect_dma source(%dma_start3A_59 : memref<16777216xf32, #tpu.memory_space<hbm>>) target(%dma_start3A_54 : memref<128xf32, #tpu.memory_space<vmem>>) offsets(%dma_start3A_57 : memref<128xi32, #tpu.memory_space<vmem>>) semaphore(%arg13 : memref<!tpu.dma_semaphore, #tpu.memory_space<semaphore_mem>>)
    %dma_start3A_60 = arith.constant 2 : i32
    %dma_start3A_61 = arith.constant 2 : i32
    %dma_start3A_62 = arith.constant 0 : i32
    %dma_start3A_63 = tpu.memref_slice %arg11[%dma_start3A_61, %dma_start3A_62] : memref<32x128xf32, #tpu.memory_space<vmem>> -> memref<1x128xf32, #tpu.memory_space<vmem>>
    %dma_start3A_64 = tpu.memref_squeeze %dma_start3A_63 : memref<1x128xf32, #tpu.memory_space<vmem>> -> memref<128xf32, #tpu.memory_space<vmem>>
    %dma_start3A_65 = arith.constant 0 : i32
    %dma_start3A_66 = tpu.memref_slice %arg9[%dma_start3A_60, %dma_start3A_65] : memref<32x128xi32, #tpu.memory_space<vmem>> -> memref<1x128xi32, #tpu.memory_space<vmem>>
    %dma_start3A_67 = tpu.memref_squeeze %dma_start3A_66 : memref<1x128xi32, #tpu.memory_space<vmem>> -> memref<128xi32, #tpu.memory_space<vmem>>
    %dma_start3A_68 = arith.constant 0 : i32
    %dma_start3A_69 = tpu.memref_slice %arg2[%dma_start3A_68] : memref<16777216xf32, #tpu.memory_space<hbm>> -> memref<16777216xf32, #tpu.memory_space<hbm>>
    tpu.enqueue_indirect_dma source(%dma_start3A_69 : memref<16777216xf32, #tpu.memory_space<hbm>>) target(%dma_start3A_64 : memref<128xf32, #tpu.memory_space<vmem>>) offsets(%dma_start3A_67 : memref<128xi32, #tpu.memory_space<vmem>>) semaphore(%arg13 : memref<!tpu.dma_semaphore, #tpu.memory_space<semaphore_mem>>)
    %dma_start3A_70 = arith.constant 3 : i32
    %dma_start3A_71 = arith.constant 3 : i32
    %dma_start3A_72 = arith.constant 0 : i32
    %dma_start3A_73 = tpu.memref_slice %arg11[%dma_start3A_71, %dma_start3A_72] : memref<32x128xf32, #tpu.memory_space<vmem>> -> memref<1x128xf32, #tpu.memory_space<vmem>>
    %dma_start3A_74 = tpu.memref_squeeze %dma_start3A_73 : memref<1x128xf32, #tpu.memory_space<vmem>> -> memref<128xf32, #tpu.memory_space<vmem>>
    %dma_start3A_75 = arith.constant 0 : i32
    %dma_start3A_76 = tpu.memref_slice %arg9[%dma_start3A_70, %dma_start3A_75] : memref<32x128xi32, #tpu.memory_space<vmem>> -> memref<1x128xi32, #tpu.memory_space<vmem>>
    %dma_start3A_77 = tpu.memref_squeeze %dma_start3A_76 : memref<1x128xi32, #tpu.memory_space<vmem>> -> memref<128xi32, #tpu.memory_space<vmem>>
    %dma_start3A_78 = arith.constant 0 : i32
    %dma_start3A_79 = tpu.memref_slice %arg2[%dma_start3A_78] : memref<16777216xf32, #tpu.memory_space<hbm>> -> memref<16777216xf32, #tpu.memory_space<hbm>>
    tpu.enqueue_indirect_dma source(%dma_start3A_79 : memref<16777216xf32, #tpu.memory_space<hbm>>) target(%dma_start3A_74 : memref<128xf32, #tpu.memory_space<vmem>>) offsets(%dma_start3A_77 : memref<128xi32, #tpu.memory_space<vmem>>) semaphore(%arg13 : memref<!tpu.dma_semaphore, #tpu.memory_space<semaphore_mem>>)
    %dma_start3A_80 = arith.constant 4 : i32
    %dma_start3A_81 = arith.constant 4 : i32
    %dma_start3A_82 = arith.constant 0 : i32
    %dma_start3A_83 = tpu.memref_slice %arg11[%dma_start3A_81, %dma_start3A_82] : memref<32x128xf32, #tpu.memory_space<vmem>> -> memref<1x128xf32, #tpu.memory_space<vmem>>
    %dma_start3A_84 = tpu.memref_squeeze %dma_start3A_83 : memref<1x128xf32, #tpu.memory_space<vmem>> -> memref<128xf32, #tpu.memory_space<vmem>>
    %dma_start3A_85 = arith.constant 0 : i32
    %dma_start3A_86 = tpu.memref_slice %arg9[%dma_start3A_80, %dma_start3A_85] : memref<32x128xi32, #tpu.memory_space<vmem>> -> memref<1x128xi32, #tpu.memory_space<vmem>>
    %dma_start3A_87 = tpu.memref_squeeze %dma_start3A_86 : memref<1x128xi32, #tpu.memory_space<vmem>> -> memref<128xi32, #tpu.memory_space<vmem>>
    %dma_start3A_88 = arith.constant 0 : i32
    %dma_start3A_89 = tpu.memref_slice %arg2[%dma_start3A_88] : memref<16777216xf32, #tpu.memory_space<hbm>> -> memref<16777216xf32, #tpu.memory_space<hbm>>
    tpu.enqueue_indirect_dma source(%dma_start3A_89 : memref<16777216xf32, #tpu.memory_space<hbm>>) target(%dma_start3A_84 : memref<128xf32, #tpu.memory_space<vmem>>) offsets(%dma_start3A_87 : memref<128xi32, #tpu.memory_space<vmem>>) semaphore(%arg13 : memref<!tpu.dma_semaphore, #tpu.memory_space<semaphore_mem>>)
    %dma_start3A_90 = arith.constant 5 : i32
    %dma_start3A_91 = arith.constant 5 : i32
    %dma_start3A_92 = arith.constant 0 : i32
    %dma_start3A_93 = tpu.memref_slice %arg11[%dma_start3A_91, %dma_start3A_92] : memref<32x128xf32, #tpu.memory_space<vmem>> -> memref<1x128xf32, #tpu.memory_space<vmem>>
    %dma_start3A_94 = tpu.memref_squeeze %dma_start3A_93 : memref<1x128xf32, #tpu.memory_space<vmem>> -> memref<128xf32, #tpu.memory_space<vmem>>
    %dma_start3A_95 = arith.constant 0 : i32
    %dma_start3A_96 = tpu.memref_slice %arg9[%dma_start3A_90, %dma_start3A_95] : memref<32x128xi32, #tpu.memory_space<vmem>> -> memref<1x128xi32, #tpu.memory_space<vmem>>
    %dma_start3A_97 = tpu.memref_squeeze %dma_start3A_96 : memref<1x128xi32, #tpu.memory_space<vmem>> -> memref<128xi32, #tpu.memory_space<vmem>>
    %dma_start3A_98 = arith.constant 0 : i32
    %dma_start3A_99 = tpu.memref_slice %arg2[%dma_start3A_98] : memref<16777216xf32, #tpu.memory_space<hbm>> -> memref<16777216xf32, #tpu.memory_space<hbm>>
    tpu.enqueue_indirect_dma source(%dma_start3A_99 : memref<16777216xf32, #tpu.memory_space<hbm>>) target(%dma_start3A_94 : memref<128xf32, #tpu.memory_space<vmem>>) offsets(%dma_start3A_97 : memref<128xi32, #tpu.memory_space<vmem>>) semaphore(%arg13 : memref<!tpu.dma_semaphore, #tpu.memory_space<semaphore_mem>>)
    %dma_start3A_100 = arith.constant 6 : i32
    %dma_start3A_101 = arith.constant 6 : i32
    %dma_start3A_102 = arith.constant 0 : i32
    %dma_start3A_103 = tpu.memref_slice %arg11[%dma_start3A_101, %dma_start3A_102] : memref<32x128xf32, #tpu.memory_space<vmem>> -> memref<1x128xf32, #tpu.memory_space<vmem>>
    %dma_start3A_104 = tpu.memref_squeeze %dma_start3A_103 : memref<1x128xf32, #tpu.memory_space<vmem>> -> memref<128xf32, #tpu.memory_space<vmem>>
    %dma_start3A_105 = arith.constant 0 : i32
    %dma_start3A_106 = tpu.memref_slice %arg9[%dma_start3A_100, %dma_start3A_105] : memref<32x128xi32, #tpu.memory_space<vmem>> -> memref<1x128xi32, #tpu.memory_space<vmem>>
    %dma_start3A_107 = tpu.memref_squeeze %dma_start3A_106 : memref<1x128xi32, #tpu.memory_space<vmem>> -> memref<128xi32, #tpu.memory_space<vmem>>
    %dma_start3A_108 = arith.constant 0 : i32
    %dma_start3A_109 = tpu.memref_slice %arg2[%dma_start3A_108] : memref<16777216xf32, #tpu.memory_space<hbm>> -> memref<16777216xf32, #tpu.memory_space<hbm>>
    tpu.enqueue_indirect_dma source(%dma_start3A_109 : memref<16777216xf32, #tpu.memory_space<hbm>>) target(%dma_start3A_104 : memref<128xf32, #tpu.memory_space<vmem>>) offsets(%dma_start3A_107 : memref<128xi32, #tpu.memory_space<vmem>>) semaphore(%arg13 : memref<!tpu.dma_semaphore, #tpu.memory_space<semaphore_mem>>)
    %dma_start3A_110 = arith.constant 7 : i32
    %dma_start3A_111 = arith.constant 7 : i32
    %dma_start3A_112 = arith.constant 0 : i32
    %dma_start3A_113 = tpu.memref_slice %arg11[%dma_start3A_111, %dma_start3A_112] : memref<32x128xf32, #tpu.memory_space<vmem>> -> memref<1x128xf32, #tpu.memory_space<vmem>>
    %dma_start3A_114 = tpu.memref_squeeze %dma_start3A_113 : memref<1x128xf32, #tpu.memory_space<vmem>> -> memref<128xf32, #tpu.memory_space<vmem>>
    %dma_start3A_115 = arith.constant 0 : i32
    %dma_start3A_116 = tpu.memref_slice %arg9[%dma_start3A_110, %dma_start3A_115] : memref<32x128xi32, #tpu.memory_space<vmem>> -> memref<1x128xi32, #tpu.memory_space<vmem>>
    %dma_start3A_117 = tpu.memref_squeeze %dma_start3A_116 : memref<1x128xi32, #tpu.memory_space<vmem>> -> memref<128xi32, #tpu.memory_space<vmem>>
    %dma_start3A_118 = arith.constant 0 : i32
    %dma_start3A_119 = tpu.memref_slice %arg2[%dma_start3A_118] : memref<16777216xf32, #tpu.memory_space<hbm>> -> memref<16777216xf32, #tpu.memory_space<hbm>>
    tpu.enqueue_indirect_dma source(%dma_start3A_119 : memref<16777216xf32, #tpu.memory_space<hbm>>) target(%dma_start3A_114 : memref<128xf32, #tpu.memory_space<vmem>>) offsets(%dma_start3A_117 : memref<128xi32, #tpu.memory_space<vmem>>) semaphore(%arg13 : memref<!tpu.dma_semaphore, #tpu.memory_space<semaphore_mem>>)
    %scan3A_120 = arith.constant 0 : i32
    %scan3A_121 = arith.constant 8 : i32
    %scan3A_122 = arith.constant 8 : i32
    %scan3A_123 = arith.addi %scan3A_121, %scan3A_122 : i32
    %scan3A_124 = arith.constant 1 : i32
    scf.for %scan3A_818 = %scan3A_121 to %scan3A_123 step %scan3A_124  : i32 {
      %mul3A_819 = arith.constant 2 : i32
      %mul3A_820 = arith.muli %mul3A_819, %scan3A_818 : i32
      %add3A_821 = arith.constant 0 : i32
      %add3A_822 = arith.addi %mul3A_820, %add3A_821 : i32
      %mul3A_823 = arith.constant 16384 : i32
      %mul3A_824 = arith.muli %add3A_822, %mul3A_823 : i32
      %add3A_825 = arith.addi %mul3A_34, %mul3A_824 : i32
      %get3A_826 = arith.constant 0 : index
      %get3A_827 = tpu.vector_load %arg7[%get3A_826] {strides = array<i32>} : memref<64xi32, #tpu.memory_space<vmem>>, vector<16xi32>,
      %add3A_828 = vector.broadcast %add3A_825 : i32 to vector<16xi32>
      %add3A_829 = arith.addi %get3A_827, %add3A_828 : vector<16xi32>
      %swap3A_830 = arith.index_cast %scan3A_818 : i32 to index
      %swap3A_831 = arith.constant 0 : index
      %swap3A_832 = tpu.vector_load %arg9[%swap3A_830, %swap3A_831] {strides = array<i32>} : memref<32x128xi32, #tpu.memory_space<vmem>>, vector<16xi32>,
      tpu.vector_store %arg9[%swap3A_830, %swap3A_831], %add3A_829 {strides = array<i32>} : memref<32x128xi32, #tpu.memory_space<vmem>>, vector<16xi32>,
      %get3A_833 = arith.constant 16 : index
      %get3A_834 = tpu.vector_load %arg7[%get3A_833] {strides = array<i32>} : memref<64xi32, #tpu.memory_space<vmem>>, vector<16xi32>,
      %add3A_835 = vector.broadcast %add3A_825 : i32 to vector<16xi32>
      %add3A_836 = arith.addi %get3A_834, %add3A_835 : vector<16xi32>
      %swap3A_837 = arith.index_cast %scan3A_818 : i32 to index
      %swap3A_838 = arith.constant 16 : index
      %swap3A_839 = tpu.vector_load %arg9[%swap3A_837, %swap3A_838] {strides = array<i32>} : memref<32x128xi32, #tpu.memory_space<vmem>>, vector<16xi32>,
      tpu.vector_store %arg9[%swap3A_837, %swap3A_838], %add3A_836 {strides = array<i32>} : memref<32x128xi32, #tpu.memory_space<vmem>>, vector<16xi32>,
      %get3A_840 = arith.constant 32 : index
      %get3A_841 = tpu.vector_load %arg7[%get3A_840] {strides = array<i32>} : memref<64xi32, #tpu.memory_space<vmem>>, vector<16xi32>,
      %add3A_842 = vector.broadcast %add3A_825 : i32 to vector<16xi32>
      %add3A_843 = arith.addi %get3A_841, %add3A_842 : vector<16xi32>
      %swap3A_844 = arith.index_cast %scan3A_818 : i32 to index
      %swap3A_845 = arith.constant 32 : index
      %swap3A_846 = tpu.vector_load %arg9[%swap3A_844, %swap3A_845] {strides = array<i32>} : memref<32x128xi32, #tpu.memory_space<vmem>>, vector<16xi32>,
      tpu.vector_store %arg9[%swap3A_844, %swap3A_845], %add3A_843 {strides = array<i32>} : memref<32x128xi32, #tpu.memory_space<vmem>>, vector<16xi32>,
      %get3A_847 = arith.constant 48 : index
      %get3A_848 = tpu.vector_load %arg7[%get3A_847] {strides = array<i32>} : memref<64xi32, #tpu.memory_space<vmem>>, vector<16xi32>,
      %add3A_849 = vector.broadcast %add3A_825 : i32 to vector<16xi32>
      %add3A_850 = arith.addi %get3A_848, %add3A_849 : vector<16xi32>
      %swap3A_851 = arith.index_cast %scan3A_818 : i32 to index
      %swap3A_852 = arith.constant 48 : index
      %swap3A_853 = tpu.vector_load %arg9[%swap3A_851, %swap3A_852] {strides = array<i32>} : memref<32x128xi32, #tpu.memory_space<vmem>>, vector<16xi32>,
      tpu.vector_store %arg9[%swap3A_851, %swap3A_852], %add3A_850 {strides = array<i32>} : memref<32x128xi32, #tpu.memory_space<vmem>>, vector<16xi32>,
      %mul3A_854 = arith.constant 2 : i32
      %mul3A_855 = arith.muli %mul3A_854, %scan3A_818 : i32
      %add3A_856 = arith.constant 1 : i32
      %add3A_857 = arith.addi %mul3A_855, %add3A_856 : i32
      %mul3A_858 = arith.constant 16384 : i32
      %mul3A_859 = arith.muli %add3A_857, %mul3A_858 : i32
      %add3A_860 = arith.addi %mul3A_34, %mul3A_859 : i32
      %get3A_861 = arith.constant 0 : index
      %get3A_862 = tpu.vector_load %arg7[%get3A_861] {strides = array<i32>} : memref<64xi32, #tpu.memory_space<vmem>>, vector<16xi32>,
      %add3A_863 = vector.broadcast %add3A_860 : i32 to vector<16xi32>
      %add3A_864 = arith.addi %get3A_862, %add3A_863 : vector<16xi32>
      %swap3A_865 = arith.index_cast %scan3A_818 : i32 to index
      %swap3A_866 = arith.constant 64 : index
      %swap3A_867 = tpu.vector_load %arg9[%swap3A_865, %swap3A_866] {strides = array<i32>} : memref<32x128xi32, #tpu.memory_space<vmem>>, vector<16xi32>,
      tpu.vector_store %arg9[%swap3A_865, %swap3A_866], %add3A_864 {strides = array<i32>} : memref<32x128xi32, #tpu.memory_space<vmem>>, vector<16xi32>,
      %get3A_868 = arith.constant 16 : index
      %get3A_869 = tpu.vector_load %arg7[%get3A_868] {strides = array<i32>} : memref<64xi32, #tpu.memory_space<vmem>>, vector<16xi32>,
      %add3A_870 = vector.broadcast %add3A_860 : i32 to vector<16xi32>
      %add3A_871 = arith.addi %get3A_869, %add3A_870 : vector<16xi32>
      %swap3A_872 = arith.index_cast %scan3A_818 : i32 to index
      %swap3A_873 = arith.constant 80 : index
      %swap3A_874 = tpu.vector_load %arg9[%swap3A_872, %swap3A_873] {strides = array<i32>} : memref<32x128xi32, #tpu.memory_space<vmem>>, vector<16xi32>,
      tpu.vector_store %arg9[%swap3A_872, %swap3A_873], %add3A_871 {strides = array<i32>} : memref<32x128xi32, #tpu.memory_space<vmem>>, vector<16xi32>,
      %get3A_875 = arith.constant 32 : index
      %get3A_876 = tpu.vector_load %arg7[%get3A_875] {strides = array<i32>} : memref<64xi32, #tpu.memory_space<vmem>>, vector<16xi32>,
      %add3A_877 = vector.broadcast %add3A_860 : i32 to vector<16xi32>
      %add3A_878 = arith.addi %get3A_876, %add3A_877 : vector<16xi32>
      %swap3A_879 = arith.index_cast %scan3A_818 : i32 to index
      %swap3A_880 = arith.constant 96 : index
      %swap3A_881 = tpu.vector_load %arg9[%swap3A_879, %swap3A_880] {strides = array<i32>} : memref<32x128xi32, #tpu.memory_space<vmem>>, vector<16xi32>,
      tpu.vector_store %arg9[%swap3A_879, %swap3A_880], %add3A_878 {strides = array<i32>} : memref<32x128xi32, #tpu.memory_space<vmem>>, vector<16xi32>,
      %get3A_882 = arith.constant 48 : index
      %get3A_883 = tpu.vector_load %arg7[%get3A_882] {strides = array<i32>} : memref<64xi32, #tpu.memory_space<vmem>>, vector<16xi32>,
      %add3A_884 = vector.broadcast %add3A_860 : i32 to vector<16xi32>
      %add3A_885 = arith.addi %get3A_883, %add3A_884 : vector<16xi32>
      %swap3A_886 = arith.index_cast %scan3A_818 : i32 to index
      %swap3A_887 = arith.constant 112 : index
      %swap3A_888 = tpu.vector_load %arg9[%swap3A_886, %swap3A_887] {strides = array<i32>} : memref<32x128xi32, #tpu.memory_space<vmem>>, vector<16xi32>,
      tpu.vector_store %arg9[%swap3A_886, %swap3A_887], %add3A_885 {strides = array<i32>} : memref<32x128xi32, #tpu.memory_space<vmem>>, vector<16xi32>,
    }
    %scan3A_125 = arith.constant 8 : i32
    %dma_start3A_126 = arith.constant 8 : i32
    %dma_start3A_127 = arith.constant 8 : i32
    %dma_start3A_128 = arith.constant 0 : i32
    %dma_start3A_129 = tpu.memref_slice %arg11[%dma_start3A_127, %dma_start3A_128] : memref<32x128xf32, #tpu.memory_space<vmem>> -> memref<1x128xf32, #tpu.memory_space<vmem>>
    %dma_start3A_130 = tpu.memref_squeeze %dma_start3A_129 : memref<1x128xf32, #tpu.memory_space<vmem>> -> memref<128xf32, #tpu.memory_space<vmem>>
    %dma_start3A_131 = arith.constant 0 : i32
    %dma_start3A_132 = tpu.memref_slice %arg9[%dma_start3A_126, %dma_start3A_131] : memref<32x128xi32, #tpu.memory_space<vmem>> -> memref<1x128xi32, #tpu.memory_space<vmem>>
    %dma_start3A_133 = tpu.memref_squeeze %dma_start3A_132 : memref<1x128xi32, #tpu.memory_space<vmem>> -> memref<128xi32, #tpu.memory_space<vmem>>
    %dma_start3A_134 = arith.constant 0 : i32
    %dma_start3A_135 = tpu.memref_slice %arg2[%dma_start3A_134] : memref<16777216xf32, #tpu.memory_space<hbm>> -> memref<16777216xf32, #tpu.memory_space<hbm>>
    tpu.enqueue_indirect_dma source(%dma_start3A_135 : memref<16777216xf32, #tpu.memory_space<hbm>>) target(%dma_start3A_130 : memref<128xf32, #tpu.memory_space<vmem>>) offsets(%dma_start3A_133 : memref<128xi32, #tpu.memory_space<vmem>>) semaphore(%arg14 : memref<!tpu.dma_semaphore, #tpu.memory_space<semaphore_mem>>)
    %dma_start3A_136 = arith.constant 9 : i32
    %dma_start3A_137 = arith.constant 9 : i32
    %dma_start3A_138 = arith.constant 0 : i32
    %dma_start3A_139 = tpu.memref_slice %arg11[%dma_start3A_137, %dma_start3A_138] : memref<32x128xf32, #tpu.memory_space<vmem>> -> memref<1x128xf32, #tpu.memory_space<vmem>>
    %dma_start3A_140 = tpu.memref_squeeze %dma_start3A_139 : memref<1x128xf32, #tpu.memory_space<vmem>> -> memref<128xf32, #tpu.memory_space<vmem>>
    %dma_start3A_141 = arith.constant 0 : i32
    %dma_start3A_142 = tpu.memref_slice %arg9[%dma_start3A_136, %dma_start3A_141] : memref<32x128xi32, #tpu.memory_space<vmem>> -> memref<1x128xi32, #tpu.memory_space<vmem>>
    %dma_start3A_143 = tpu.memref_squeeze %dma_start3A_142 : memref<1x128xi32, #tpu.memory_space<vmem>> -> memref<128xi32, #tpu.memory_space<vmem>>
    %dma_start3A_144 = arith.constant 0 : i32
    %dma_start3A_145 = tpu.memref_slice %arg2[%dma_start3A_144] : memref<16777216xf32, #tpu.memory_space<hbm>> -> memref<16777216xf32, #tpu.memory_space<hbm>>
    tpu.enqueue_indirect_dma source(%dma_start3A_145 : memref<16777216xf32, #tpu.memory_space<hbm>>) target(%dma_start3A_140 : memref<128xf32, #tpu.memory_space<vmem>>) offsets(%dma_start3A_143 : memref<128xi32, #tpu.memory_space<vmem>>) semaphore(%arg14 : memref<!tpu.dma_semaphore, #tpu.memory_space<semaphore_mem>>)
    %dma_start3A_146 = arith.constant 10 : i32
    %dma_start3A_147 = arith.constant 10 : i32
    %dma_start3A_148 = arith.constant 0 : i32
    %dma_start3A_149 = tpu.memref_slice %arg11[%dma_start3A_147, %dma_start3A_148] : memref<32x128xf32, #tpu.memory_space<vmem>> -> memref<1x128xf32, #tpu.memory_space<vmem>>
    %dma_start3A_150 = tpu.memref_squeeze %dma_start3A_149 : memref<1x128xf32, #tpu.memory_space<vmem>> -> memref<128xf32, #tpu.memory_space<vmem>>
    %dma_start3A_151 = arith.constant 0 : i32
    %dma_start3A_152 = tpu.memref_slice %arg9[%dma_start3A_146, %dma_start3A_151] : memref<32x128xi32, #tpu.memory_space<vmem>> -> memref<1x128xi32, #tpu.memory_space<vmem>>
    %dma_start3A_153 = tpu.memref_squeeze %dma_start3A_152 : memref<1x128xi32, #tpu.memory_space<vmem>> -> memref<128xi32, #tpu.memory_space<vmem>>
    %dma_start3A_154 = arith.constant 0 : i32
    %dma_start3A_155 = tpu.memref_slice %arg2[%dma_start3A_154] : memref<16777216xf32, #tpu.memory_space<hbm>> -> memref<16777216xf32, #tpu.memory_space<hbm>>
    tpu.enqueue_indirect_dma source(%dma_start3A_155 : memref<16777216xf32, #tpu.memory_space<hbm>>) target(%dma_start3A_150 : memref<128xf32, #tpu.memory_space<vmem>>) offsets(%dma_start3A_153 : memref<128xi32, #tpu.memory_space<vmem>>) semaphore(%arg14 : memref<!tpu.dma_semaphore, #tpu.memory_space<semaphore_mem>>)
    %dma_start3A_156 = arith.constant 11 : i32
    %dma_start3A_157 = arith.constant 11 : i32
    %dma_start3A_158 = arith.constant 0 : i32
    %dma_start3A_159 = tpu.memref_slice %arg11[%dma_start3A_157, %dma_start3A_158] : memref<32x128xf32, #tpu.memory_space<vmem>> -> memref<1x128xf32, #tpu.memory_space<vmem>>
    %dma_start3A_160 = tpu.memref_squeeze %dma_start3A_159 : memref<1x128xf32, #tpu.memory_space<vmem>> -> memref<128xf32, #tpu.memory_space<vmem>>
    %dma_start3A_161 = arith.constant 0 : i32
    %dma_start3A_162 = tpu.memref_slice %arg9[%dma_start3A_156, %dma_start3A_161] : memref<32x128xi32, #tpu.memory_space<vmem>> -> memref<1x128xi32, #tpu.memory_space<vmem>>
    %dma_start3A_163 = tpu.memref_squeeze %dma_start3A_162 : memref<1x128xi32, #tpu.memory_space<vmem>> -> memref<128xi32, #tpu.memory_space<vmem>>
    %dma_start3A_164 = arith.constant 0 : i32
    %dma_start3A_165 = tpu.memref_slice %arg2[%dma_start3A_164] : memref<16777216xf32, #tpu.memory_space<hbm>> -> memref<16777216xf32, #tpu.memory_space<hbm>>
    tpu.enqueue_indirect_dma source(%dma_start3A_165 : memref<16777216xf32, #tpu.memory_space<hbm>>) target(%dma_start3A_160 : memref<128xf32, #tpu.memory_space<vmem>>) offsets(%dma_start3A_163 : memref<128xi32, #tpu.memory_space<vmem>>) semaphore(%arg14 : memref<!tpu.dma_semaphore, #tpu.memory_space<semaphore_mem>>)
    %dma_start3A_166 = arith.constant 12 : i32
    %dma_start3A_167 = arith.constant 12 : i32
    %dma_start3A_168 = arith.constant 0 : i32
    %dma_start3A_169 = tpu.memref_slice %arg11[%dma_start3A_167, %dma_start3A_168] : memref<32x128xf32, #tpu.memory_space<vmem>> -> memref<1x128xf32, #tpu.memory_space<vmem>>
    %dma_start3A_170 = tpu.memref_squeeze %dma_start3A_169 : memref<1x128xf32, #tpu.memory_space<vmem>> -> memref<128xf32, #tpu.memory_space<vmem>>
    %dma_start3A_171 = arith.constant 0 : i32
    %dma_start3A_172 = tpu.memref_slice %arg9[%dma_start3A_166, %dma_start3A_171] : memref<32x128xi32, #tpu.memory_space<vmem>> -> memref<1x128xi32, #tpu.memory_space<vmem>>
    %dma_start3A_173 = tpu.memref_squeeze %dma_start3A_172 : memref<1x128xi32, #tpu.memory_space<vmem>> -> memref<128xi32, #tpu.memory_space<vmem>>
    %dma_start3A_174 = arith.constant 0 : i32
    %dma_start3A_175 = tpu.memref_slice %arg2[%dma_start3A_174] : memref<16777216xf32, #tpu.memory_space<hbm>> -> memref<16777216xf32, #tpu.memory_space<hbm>>
    tpu.enqueue_indirect_dma source(%dma_start3A_175 : memref<16777216xf32, #tpu.memory_space<hbm>>) target(%dma_start3A_170 : memref<128xf32, #tpu.memory_space<vmem>>) offsets(%dma_start3A_173 : memref<128xi32, #tpu.memory_space<vmem>>) semaphore(%arg14 : memref<!tpu.dma_semaphore, #tpu.memory_space<semaphore_mem>>)
    %dma_start3A_176 = arith.constant 13 : i32
    %dma_start3A_177 = arith.constant 13 : i32
    %dma_start3A_178 = arith.constant 0 : i32
    %dma_start3A_179 = tpu.memref_slice %arg11[%dma_start3A_177, %dma_start3A_178] : memref<32x128xf32, #tpu.memory_space<vmem>> -> memref<1x128xf32, #tpu.memory_space<vmem>>
    %dma_start3A_180 = tpu.memref_squeeze %dma_start3A_179 : memref<1x128xf32, #tpu.memory_space<vmem>> -> memref<128xf32, #tpu.memory_space<vmem>>
    %dma_start3A_181 = arith.constant 0 : i32
    %dma_start3A_182 = tpu.memref_slice %arg9[%dma_start3A_176, %dma_start3A_181] : memref<32x128xi32, #tpu.memory_space<vmem>> -> memref<1x128xi32, #tpu.memory_space<vmem>>
    %dma_start3A_183 = tpu.memref_squeeze %dma_start3A_182 : memref<1x128xi32, #tpu.memory_space<vmem>> -> memref<128xi32, #tpu.memory_space<vmem>>
    %dma_start3A_184 = arith.constant 0 : i32
    %dma_start3A_185 = tpu.memref_slice %arg2[%dma_start3A_184] : memref<16777216xf32, #tpu.memory_space<hbm>> -> memref<16777216xf32, #tpu.memory_space<hbm>>
    tpu.enqueue_indirect_dma source(%dma_start3A_185 : memref<16777216xf32, #tpu.memory_space<hbm>>) target(%dma_start3A_180 : memref<128xf32, #tpu.memory_space<vmem>>) offsets(%dma_start3A_183 : memref<128xi32, #tpu.memory_space<vmem>>) semaphore(%arg14 : memref<!tpu.dma_semaphore, #tpu.memory_space<semaphore_mem>>)
    %dma_start3A_186 = arith.constant 14 : i32
    %dma_start3A_187 = arith.constant 14 : i32
    %dma_start3A_188 = arith.constant 0 : i32
    %dma_start3A_189 = tpu.memref_slice %arg11[%dma_start3A_187, %dma_start3A_188] : memref<32x128xf32, #tpu.memory_space<vmem>> -> memref<1x128xf32, #tpu.memory_space<vmem>>
    %dma_start3A_190 = tpu.memref_squeeze %dma_start3A_189 : memref<1x128xf32, #tpu.memory_space<vmem>> -> memref<128xf32, #tpu.memory_space<vmem>>
    %dma_start3A_191 = arith.constant 0 : i32
    %dma_start3A_192 = tpu.memref_slice %arg9[%dma_start3A_186, %dma_start3A_191] : memref<32x128xi32, #tpu.memory_space<vmem>> -> memref<1x128xi32, #tpu.memory_space<vmem>>
    %dma_start3A_193 = tpu.memref_squeeze %dma_start3A_192 : memref<1x128xi32, #tpu.memory_space<vmem>> -> memref<128xi32, #tpu.memory_space<vmem>>
    %dma_start3A_194 = arith.constant 0 : i32
    %dma_start3A_195 = tpu.memref_slice %arg2[%dma_start3A_194] : memref<16777216xf32, #tpu.memory_space<hbm>> -> memref<16777216xf32, #tpu.memory_space<hbm>>
    tpu.enqueue_indirect_dma source(%dma_start3A_195 : memref<16777216xf32, #tpu.memory_space<hbm>>) target(%dma_start3A_190 : memref<128xf32, #tpu.memory_space<vmem>>) offsets(%dma_start3A_193 : memref<128xi32, #tpu.memory_space<vmem>>) semaphore(%arg14 : memref<!tpu.dma_semaphore, #tpu.memory_space<semaphore_mem>>)
    %dma_start3A_196 = arith.constant 15 : i32
    %dma_start3A_197 = arith.constant 15 : i32
    %dma_start3A_198 = arith.constant 0 : i32
    %dma_start3A_199 = tpu.memref_slice %arg11[%dma_start3A_197, %dma_start3A_198] : memref<32x128xf32, #tpu.memory_space<vmem>> -> memref<1x128xf32, #tpu.memory_space<vmem>>
    %dma_start3A_200 = tpu.memref_squeeze %dma_start3A_199 : memref<1x128xf32, #tpu.memory_space<vmem>> -> memref<128xf32, #tpu.memory_space<vmem>>
    %dma_start3A_201 = arith.constant 0 : i32
    %dma_start3A_202 = tpu.memref_slice %arg9[%dma_start3A_196, %dma_start3A_201] : memref<32x128xi32, #tpu.memory_space<vmem>> -> memref<1x128xi32, #tpu.memory_space<vmem>>
    %dma_start3A_203 = tpu.memref_squeeze %dma_start3A_202 : memref<1x128xi32, #tpu.memory_space<vmem>> -> memref<128xi32, #tpu.memory_space<vmem>>
    %dma_start3A_204 = arith.constant 0 : i32
    %dma_start3A_205 = tpu.memref_slice %arg2[%dma_start3A_204] : memref<16777216xf32, #tpu.memory_space<hbm>> -> memref<16777216xf32, #tpu.memory_space<hbm>>
    tpu.enqueue_indirect_dma source(%dma_start3A_205 : memref<16777216xf32, #tpu.memory_space<hbm>>) target(%dma_start3A_200 : memref<128xf32, #tpu.memory_space<vmem>>) offsets(%dma_start3A_203 : memref<128xi32, #tpu.memory_space<vmem>>) semaphore(%arg14 : memref<!tpu.dma_semaphore, #tpu.memory_space<semaphore_mem>>)
    %scan3A_206 = arith.constant 0 : i32
    %scan3A_207 = arith.constant 16 : i32
    %scan3A_208 = arith.constant 8 : i32
    %scan3A_209 = arith.addi %scan3A_207, %scan3A_208 : i32
    %scan3A_210 = arith.constant 1 : i32
    scf.for %scan3A_818 = %scan3A_207 to %scan3A_209 step %scan3A_210  : i32 {
      %mul3A_819 = arith.constant 2 : i32
      %mul3A_820 = arith.muli %mul3A_819, %scan3A_818 : i32
      %add3A_821 = arith.constant 0 : i32
      %add3A_822 = arith.addi %mul3A_820, %add3A_821 : i32
      %mul3A_823 = arith.constant 16384 : i32
      %mul3A_824 = arith.muli %add3A_822, %mul3A_823 : i32
      %add3A_825 = arith.addi %mul3A_34, %mul3A_824 : i32
      %get3A_826 = arith.constant 0 : index
      %get3A_827 = tpu.vector_load %arg7[%get3A_826] {strides = array<i32>} : memref<64xi32, #tpu.memory_space<vmem>>, vector<16xi32>,
      %add3A_828 = vector.broadcast %add3A_825 : i32 to vector<16xi32>
      %add3A_829 = arith.addi %get3A_827, %add3A_828 : vector<16xi32>
      %swap3A_830 = arith.index_cast %scan3A_818 : i32 to index
      %swap3A_831 = arith.constant 0 : index
      %swap3A_832 = tpu.vector_load %arg9[%swap3A_830, %swap3A_831] {strides = array<i32>} : memref<32x128xi32, #tpu.memory_space<vmem>>, vector<16xi32>,
      tpu.vector_store %arg9[%swap3A_830, %swap3A_831], %add3A_829 {strides = array<i32>} : memref<32x128xi32, #tpu.memory_space<vmem>>, vector<16xi32>,
      %get3A_833 = arith.constant 16 : index
      %get3A_834 = tpu.vector_load %arg7[%get3A_833] {strides = array<i32>} : memref<64xi32, #tpu.memory_space<vmem>>, vector<16xi32>,
      %add3A_835 = vector.broadcast %add3A_825 : i32 to vector<16xi32>
      %add3A_836 = arith.addi %get3A_834, %add3A_835 : vector<16xi32>
      %swap3A_837 = arith.index_cast %scan3A_818 : i32 to index
      %swap3A_838 = arith.constant 16 : index
      %swap3A_839 = tpu.vector_load %arg9[%swap3A_837, %swap3A_838] {strides = array<i32>} : memref<32x128xi32, #tpu.memory_space<vmem>>, vector<16xi32>,
      tpu.vector_store %arg9[%swap3A_837, %swap3A_838], %add3A_836 {strides = array<i32>} : memref<32x128xi32, #tpu.memory_space<vmem>>, vector<16xi32>,
      %get3A_840 = arith.constant 32 : index
      %get3A_841 = tpu.vector_load %arg7[%get3A_840] {strides = array<i32>} : memref<64xi32, #tpu.memory_space<vmem>>, vector<16xi32>,
      %add3A_842 = vector.broadcast %add3A_825 : i32 to vector<16xi32>
      %add3A_843 = arith.addi %get3A_841, %add3A_842 : vector<16xi32>
      %swap3A_844 = arith.index_cast %scan3A_818 : i32 to index
      %swap3A_845 = arith.constant 32 : index
      %swap3A_846 = tpu.vector_load %arg9[%swap3A_844, %swap3A_845] {strides = array<i32>} : memref<32x128xi32, #tpu.memory_space<vmem>>, vector<16xi32>,
      tpu.vector_store %arg9[%swap3A_844, %swap3A_845], %add3A_843 {strides = array<i32>} : memref<32x128xi32, #tpu.memory_space<vmem>>, vector<16xi32>,
      %get3A_847 = arith.constant 48 : index
      %get3A_848 = tpu.vector_load %arg7[%get3A_847] {strides = array<i32>} : memref<64xi32, #tpu.memory_space<vmem>>, vector<16xi32>,
      %add3A_849 = vector.broadcast %add3A_825 : i32 to vector<16xi32>
      %add3A_850 = arith.addi %get3A_848, %add3A_849 : vector<16xi32>
      %swap3A_851 = arith.index_cast %scan3A_818 : i32 to index
      %swap3A_852 = arith.constant 48 : index
      %swap3A_853 = tpu.vector_load %arg9[%swap3A_851, %swap3A_852] {strides = array<i32>} : memref<32x128xi32, #tpu.memory_space<vmem>>, vector<16xi32>,
      tpu.vector_store %arg9[%swap3A_851, %swap3A_852], %add3A_850 {strides = array<i32>} : memref<32x128xi32, #tpu.memory_space<vmem>>, vector<16xi32>,
      %mul3A_854 = arith.constant 2 : i32
      %mul3A_855 = arith.muli %mul3A_854, %scan3A_818 : i32
      %add3A_856 = arith.constant 1 : i32
      %add3A_857 = arith.addi %mul3A_855, %add3A_856 : i32
      %mul3A_858 = arith.constant 16384 : i32
      %mul3A_859 = arith.muli %add3A_857, %mul3A_858 : i32
      %add3A_860 = arith.addi %mul3A_34, %mul3A_859 : i32
      %get3A_861 = arith.constant 0 : index
      %get3A_862 = tpu.vector_load %arg7[%get3A_861] {strides = array<i32>} : memref<64xi32, #tpu.memory_space<vmem>>, vector<16xi32>,
      %add3A_863 = vector.broadcast %add3A_860 : i32 to vector<16xi32>
      %add3A_864 = arith.addi %get3A_862, %add3A_863 : vector<16xi32>
      %swap3A_865 = arith.index_cast %scan3A_818 : i32 to index
      %swap3A_866 = arith.constant 64 : index
      %swap3A_867 = tpu.vector_load %arg9[%swap3A_865, %swap3A_866] {strides = array<i32>} : memref<32x128xi32, #tpu.memory_space<vmem>>, vector<16xi32>,
      tpu.vector_store %arg9[%swap3A_865, %swap3A_866], %add3A_864 {strides = array<i32>} : memref<32x128xi32, #tpu.memory_space<vmem>>, vector<16xi32>,
      %get3A_868 = arith.constant 16 : index
      %get3A_869 = tpu.vector_load %arg7[%get3A_868] {strides = array<i32>} : memref<64xi32, #tpu.memory_space<vmem>>, vector<16xi32>,
      %add3A_870 = vector.broadcast %add3A_860 : i32 to vector<16xi32>
      %add3A_871 = arith.addi %get3A_869, %add3A_870 : vector<16xi32>
      %swap3A_872 = arith.index_cast %scan3A_818 : i32 to index
      %swap3A_873 = arith.constant 80 : index
      %swap3A_874 = tpu.vector_load %arg9[%swap3A_872, %swap3A_873] {strides = array<i32>} : memref<32x128xi32, #tpu.memory_space<vmem>>, vector<16xi32>,
      tpu.vector_store %arg9[%swap3A_872, %swap3A_873], %add3A_871 {strides = array<i32>} : memref<32x128xi32, #tpu.memory_space<vmem>>, vector<16xi32>,
      %get3A_875 = arith.constant 32 : index
      %get3A_876 = tpu.vector_load %arg7[%get3A_875] {strides = array<i32>} : memref<64xi32, #tpu.memory_space<vmem>>, vector<16xi32>,
      %add3A_877 = vector.broadcast %add3A_860 : i32 to vector<16xi32>
      %add3A_878 = arith.addi %get3A_876, %add3A_877 : vector<16xi32>
      %swap3A_879 = arith.index_cast %scan3A_818 : i32 to index
      %swap3A_880 = arith.constant 96 : index
      %swap3A_881 = tpu.vector_load %arg9[%swap3A_879, %swap3A_880] {strides = array<i32>} : memref<32x128xi32, #tpu.memory_space<vmem>>, vector<16xi32>,
      tpu.vector_store %arg9[%swap3A_879, %swap3A_880], %add3A_878 {strides = array<i32>} : memref<32x128xi32, #tpu.memory_space<vmem>>, vector<16xi32>,
      %get3A_882 = arith.constant 48 : index
      %get3A_883 = tpu.vector_load %arg7[%get3A_882] {strides = array<i32>} : memref<64xi32, #tpu.memory_space<vmem>>, vector<16xi32>,
      %add3A_884 = vector.broadcast %add3A_860 : i32 to vector<16xi32>
      %add3A_885 = arith.addi %get3A_883, %add3A_884 : vector<16xi32>
      %swap3A_886 = arith.index_cast %scan3A_818 : i32 to index
      %swap3A_887 = arith.constant 112 : index
      %swap3A_888 = tpu.vector_load %arg9[%swap3A_886, %swap3A_887] {strides = array<i32>} : memref<32x128xi32, #tpu.memory_space<vmem>>, vector<16xi32>,
      tpu.vector_store %arg9[%swap3A_886, %swap3A_887], %add3A_885 {strides = array<i32>} : memref<32x128xi32, #tpu.memory_space<vmem>>, vector<16xi32>,
    }
    %scan3A_211 = arith.constant 8 : i32
    %dma_start3A_212 = arith.constant 16 : i32
    %dma_start3A_213 = arith.constant 16 : i32
    %dma_start3A_214 = arith.constant 0 : i32
    %dma_start3A_215 = tpu.memref_slice %arg11[%dma_start3A_213, %dma_start3A_214] : memref<32x128xf32, #tpu.memory_space<vmem>> -> memref<1x128xf32, #tpu.memory_space<vmem>>
    %dma_start3A_216 = tpu.memref_squeeze %dma_start3A_215 : memref<1x128xf32, #tpu.memory_space<vmem>> -> memref<128xf32, #tpu.memory_space<vmem>>
    %dma_start3A_217 = arith.constant 0 : i32
    %dma_start3A_218 = tpu.memref_slice %arg9[%dma_start3A_212, %dma_start3A_217] : memref<32x128xi32, #tpu.memory_space<vmem>> -> memref<1x128xi32, #tpu.memory_space<vmem>>
    %dma_start3A_219 = tpu.memref_squeeze %dma_start3A_218 : memref<1x128xi32, #tpu.memory_space<vmem>> -> memref<128xi32, #tpu.memory_space<vmem>>
    %dma_start3A_220 = arith.constant 0 : i32
    %dma_start3A_221 = tpu.memref_slice %arg2[%dma_start3A_220] : memref<16777216xf32, #tpu.memory_space<hbm>> -> memref<16777216xf32, #tpu.memory_space<hbm>>
    tpu.enqueue_indirect_dma source(%dma_start3A_221 : memref<16777216xf32, #tpu.memory_space<hbm>>) target(%dma_start3A_216 : memref<128xf32, #tpu.memory_space<vmem>>) offsets(%dma_start3A_219 : memref<128xi32, #tpu.memory_space<vmem>>) semaphore(%arg15 : memref<!tpu.dma_semaphore, #tpu.memory_space<semaphore_mem>>)
    %dma_start3A_222 = arith.constant 17 : i32
    %dma_start3A_223 = arith.constant 17 : i32
    %dma_start3A_224 = arith.constant 0 : i32
    %dma_start3A_225 = tpu.memref_slice %arg11[%dma_start3A_223, %dma_start3A_224] : memref<32x128xf32, #tpu.memory_space<vmem>> -> memref<1x128xf32, #tpu.memory_space<vmem>>
    %dma_start3A_226 = tpu.memref_squeeze %dma_start3A_225 : memref<1x128xf32, #tpu.memory_space<vmem>> -> memref<128xf32, #tpu.memory_space<vmem>>
    %dma_start3A_227 = arith.constant 0 : i32
    %dma_start3A_228 = tpu.memref_slice %arg9[%dma_start3A_222, %dma_start3A_227] : memref<32x128xi32, #tpu.memory_space<vmem>> -> memref<1x128xi32, #tpu.memory_space<vmem>>
    %dma_start3A_229 = tpu.memref_squeeze %dma_start3A_228 : memref<1x128xi32, #tpu.memory_space<vmem>> -> memref<128xi32, #tpu.memory_space<vmem>>
    %dma_start3A_230 = arith.constant 0 : i32
    %dma_start3A_231 = tpu.memref_slice %arg2[%dma_start3A_230] : memref<16777216xf32, #tpu.memory_space<hbm>> -> memref<16777216xf32, #tpu.memory_space<hbm>>
    tpu.enqueue_indirect_dma source(%dma_start3A_231 : memref<16777216xf32, #tpu.memory_space<hbm>>) target(%dma_start3A_226 : memref<128xf32, #tpu.memory_space<vmem>>) offsets(%dma_start3A_229 : memref<128xi32, #tpu.memory_space<vmem>>) semaphore(%arg15 : memref<!tpu.dma_semaphore, #tpu.memory_space<semaphore_mem>>)
    %dma_start3A_232 = arith.constant 18 : i32
    %dma_start3A_233 = arith.constant 18 : i32
    %dma_start3A_234 = arith.constant 0 : i32
    %dma_start3A_235 = tpu.memref_slice %arg11[%dma_start3A_233, %dma_start3A_234] : memref<32x128xf32, #tpu.memory_space<vmem>> -> memref<1x128xf32, #tpu.memory_space<vmem>>
    %dma_start3A_236 = tpu.memref_squeeze %dma_start3A_235 : memref<1x128xf32, #tpu.memory_space<vmem>> -> memref<128xf32, #tpu.memory_space<vmem>>
    %dma_start3A_237 = arith.constant 0 : i32
    %dma_start3A_238 = tpu.memref_slice %arg9[%dma_start3A_232, %dma_start3A_237] : memref<32x128xi32, #tpu.memory_space<vmem>> -> memref<1x128xi32, #tpu.memory_space<vmem>>
    %dma_start3A_239 = tpu.memref_squeeze %dma_start3A_238 : memref<1x128xi32, #tpu.memory_space<vmem>> -> memref<128xi32, #tpu.memory_space<vmem>>
    %dma_start3A_240 = arith.constant 0 : i32
    %dma_start3A_241 = tpu.memref_slice %arg2[%dma_start3A_240] : memref<16777216xf32, #tpu.memory_space<hbm>> -> memref<16777216xf32, #tpu.memory_space<hbm>>
    tpu.enqueue_indirect_dma source(%dma_start3A_241 : memref<16777216xf32, #tpu.memory_space<hbm>>) target(%dma_start3A_236 : memref<128xf32, #tpu.memory_space<vmem>>) offsets(%dma_start3A_239 : memref<128xi32, #tpu.memory_space<vmem>>) semaphore(%arg15 : memref<!tpu.dma_semaphore, #tpu.memory_space<semaphore_mem>>)
    %dma_start3A_242 = arith.constant 19 : i32
    %dma_start3A_243 = arith.constant 19 : i32
    %dma_start3A_244 = arith.constant 0 : i32
    %dma_start3A_245 = tpu.memref_slice %arg11[%dma_start3A_243, %dma_start3A_244] : memref<32x128xf32, #tpu.memory_space<vmem>> -> memref<1x128xf32, #tpu.memory_space<vmem>>
    %dma_start3A_246 = tpu.memref_squeeze %dma_start3A_245 : memref<1x128xf32, #tpu.memory_space<vmem>> -> memref<128xf32, #tpu.memory_space<vmem>>
    %dma_start3A_247 = arith.constant 0 : i32
    %dma_start3A_248 = tpu.memref_slice %arg9[%dma_start3A_242, %dma_start3A_247] : memref<32x128xi32, #tpu.memory_space<vmem>> -> memref<1x128xi32, #tpu.memory_space<vmem>>
    %dma_start3A_249 = tpu.memref_squeeze %dma_start3A_248 : memref<1x128xi32, #tpu.memory_space<vmem>> -> memref<128xi32, #tpu.memory_space<vmem>>
    %dma_start3A_250 = arith.constant 0 : i32
    %dma_start3A_251 = tpu.memref_slice %arg2[%dma_start3A_250] : memref<16777216xf32, #tpu.memory_space<hbm>> -> memref<16777216xf32, #tpu.memory_space<hbm>>
    tpu.enqueue_indirect_dma source(%dma_start3A_251 : memref<16777216xf32, #tpu.memory_space<hbm>>) target(%dma_start3A_246 : memref<128xf32, #tpu.memory_space<vmem>>) offsets(%dma_start3A_249 : memref<128xi32, #tpu.memory_space<vmem>>) semaphore(%arg15 : memref<!tpu.dma_semaphore, #tpu.memory_space<semaphore_mem>>)
    %dma_start3A_252 = arith.constant 20 : i32
    %dma_start3A_253 = arith.constant 20 : i32
    %dma_start3A_254 = arith.constant 0 : i32
    %dma_start3A_255 = tpu.memref_slice %arg11[%dma_start3A_253, %dma_start3A_254] : memref<32x128xf32, #tpu.memory_space<vmem>> -> memref<1x128xf32, #tpu.memory_space<vmem>>
    %dma_start3A_256 = tpu.memref_squeeze %dma_start3A_255 : memref<1x128xf32, #tpu.memory_space<vmem>> -> memref<128xf32, #tpu.memory_space<vmem>>
    %dma_start3A_257 = arith.constant 0 : i32
    %dma_start3A_258 = tpu.memref_slice %arg9[%dma_start3A_252, %dma_start3A_257] : memref<32x128xi32, #tpu.memory_space<vmem>> -> memref<1x128xi32, #tpu.memory_space<vmem>>
    %dma_start3A_259 = tpu.memref_squeeze %dma_start3A_258 : memref<1x128xi32, #tpu.memory_space<vmem>> -> memref<128xi32, #tpu.memory_space<vmem>>
    %dma_start3A_260 = arith.constant 0 : i32
    %dma_start3A_261 = tpu.memref_slice %arg2[%dma_start3A_260] : memref<16777216xf32, #tpu.memory_space<hbm>> -> memref<16777216xf32, #tpu.memory_space<hbm>>
    tpu.enqueue_indirect_dma source(%dma_start3A_261 : memref<16777216xf32, #tpu.memory_space<hbm>>) target(%dma_start3A_256 : memref<128xf32, #tpu.memory_space<vmem>>) offsets(%dma_start3A_259 : memref<128xi32, #tpu.memory_space<vmem>>) semaphore(%arg15 : memref<!tpu.dma_semaphore, #tpu.memory_space<semaphore_mem>>)
    %dma_start3A_262 = arith.constant 21 : i32
    %dma_start3A_263 = arith.constant 21 : i32
    %dma_start3A_264 = arith.constant 0 : i32
    %dma_start3A_265 = tpu.memref_slice %arg11[%dma_start3A_263, %dma_start3A_264] : memref<32x128xf32, #tpu.memory_space<vmem>> -> memref<1x128xf32, #tpu.memory_space<vmem>>
    %dma_start3A_266 = tpu.memref_squeeze %dma_start3A_265 : memref<1x128xf32, #tpu.memory_space<vmem>> -> memref<128xf32, #tpu.memory_space<vmem>>
    %dma_start3A_267 = arith.constant 0 : i32
    %dma_start3A_268 = tpu.memref_slice %arg9[%dma_start3A_262, %dma_start3A_267] : memref<32x128xi32, #tpu.memory_space<vmem>> -> memref<1x128xi32, #tpu.memory_space<vmem>>
    %dma_start3A_269 = tpu.memref_squeeze %dma_start3A_268 : memref<1x128xi32, #tpu.memory_space<vmem>> -> memref<128xi32, #tpu.memory_space<vmem>>
    %dma_start3A_270 = arith.constant 0 : i32
    %dma_start3A_271 = tpu.memref_slice %arg2[%dma_start3A_270] : memref<16777216xf32, #tpu.memory_space<hbm>> -> memref<16777216xf32, #tpu.memory_space<hbm>>
    tpu.enqueue_indirect_dma source(%dma_start3A_271 : memref<16777216xf32, #tpu.memory_space<hbm>>) target(%dma_start3A_266 : memref<128xf32, #tpu.memory_space<vmem>>) offsets(%dma_start3A_269 : memref<128xi32, #tpu.memory_space<vmem>>) semaphore(%arg15 : memref<!tpu.dma_semaphore, #tpu.memory_space<semaphore_mem>>)
    %dma_start3A_272 = arith.constant 22 : i32
    %dma_start3A_273 = arith.constant 22 : i32
    %dma_start3A_274 = arith.constant 0 : i32
    %dma_start3A_275 = tpu.memref_slice %arg11[%dma_start3A_273, %dma_start3A_274] : memref<32x128xf32, #tpu.memory_space<vmem>> -> memref<1x128xf32, #tpu.memory_space<vmem>>
    %dma_start3A_276 = tpu.memref_squeeze %dma_start3A_275 : memref<1x128xf32, #tpu.memory_space<vmem>> -> memref<128xf32, #tpu.memory_space<vmem>>
    %dma_start3A_277 = arith.constant 0 : i32
    %dma_start3A_278 = tpu.memref_slice %arg9[%dma_start3A_272, %dma_start3A_277] : memref<32x128xi32, #tpu.memory_space<vmem>> -> memref<1x128xi32, #tpu.memory_space<vmem>>
    %dma_start3A_279 = tpu.memref_squeeze %dma_start3A_278 : memref<1x128xi32, #tpu.memory_space<vmem>> -> memref<128xi32, #tpu.memory_space<vmem>>
    %dma_start3A_280 = arith.constant 0 : i32
    %dma_start3A_281 = tpu.memref_slice %arg2[%dma_start3A_280] : memref<16777216xf32, #tpu.memory_space<hbm>> -> memref<16777216xf32, #tpu.memory_space<hbm>>
    tpu.enqueue_indirect_dma source(%dma_start3A_281 : memref<16777216xf32, #tpu.memory_space<hbm>>) target(%dma_start3A_276 : memref<128xf32, #tpu.memory_space<vmem>>) offsets(%dma_start3A_279 : memref<128xi32, #tpu.memory_space<vmem>>) semaphore(%arg15 : memref<!tpu.dma_semaphore, #tpu.memory_space<semaphore_mem>>)
    %dma_start3A_282 = arith.constant 23 : i32
    %dma_start3A_283 = arith.constant 23 : i32
    %dma_start3A_284 = arith.constant 0 : i32
    %dma_start3A_285 = tpu.memref_slice %arg11[%dma_start3A_283, %dma_start3A_284] : memref<32x128xf32, #tpu.memory_space<vmem>> -> memref<1x128xf32, #tpu.memory_space<vmem>>
    %dma_start3A_286 = tpu.memref_squeeze %dma_start3A_285 : memref<1x128xf32, #tpu.memory_space<vmem>> -> memref<128xf32, #tpu.memory_space<vmem>>
    %dma_start3A_287 = arith.constant 0 : i32
    %dma_start3A_288 = tpu.memref_slice %arg9[%dma_start3A_282, %dma_start3A_287] : memref<32x128xi32, #tpu.memory_space<vmem>> -> memref<1x128xi32, #tpu.memory_space<vmem>>
    %dma_start3A_289 = tpu.memref_squeeze %dma_start3A_288 : memref<1x128xi32, #tpu.memory_space<vmem>> -> memref<128xi32, #tpu.memory_space<vmem>>
    %dma_start3A_290 = arith.constant 0 : i32
    %dma_start3A_291 = tpu.memref_slice %arg2[%dma_start3A_290] : memref<16777216xf32, #tpu.memory_space<hbm>> -> memref<16777216xf32, #tpu.memory_space<hbm>>
    tpu.enqueue_indirect_dma source(%dma_start3A_291 : memref<16777216xf32, #tpu.memory_space<hbm>>) target(%dma_start3A_286 : memref<128xf32, #tpu.memory_space<vmem>>) offsets(%dma_start3A_289 : memref<128xi32, #tpu.memory_space<vmem>>) semaphore(%arg15 : memref<!tpu.dma_semaphore, #tpu.memory_space<semaphore_mem>>)
    %scan3A_292 = arith.constant 0 : i32
    %scan3A_293 = arith.constant 24 : i32
    %scan3A_294 = arith.constant 8 : i32
    %scan3A_295 = arith.addi %scan3A_293, %scan3A_294 : i32
    %scan3A_296 = arith.constant 1 : i32
    scf.for %scan3A_818 = %scan3A_293 to %scan3A_295 step %scan3A_296  : i32 {
      %mul3A_819 = arith.constant 2 : i32
      %mul3A_820 = arith.muli %mul3A_819, %scan3A_818 : i32
      %add3A_821 = arith.constant 0 : i32
      %add3A_822 = arith.addi %mul3A_820, %add3A_821 : i32
      %mul3A_823 = arith.constant 16384 : i32
      %mul3A_824 = arith.muli %add3A_822, %mul3A_823 : i32
      %add3A_825 = arith.addi %mul3A_34, %mul3A_824 : i32
      %get3A_826 = arith.constant 0 : index
      %get3A_827 = tpu.vector_load %arg7[%get3A_826] {strides = array<i32>} : memref<64xi32, #tpu.memory_space<vmem>>, vector<16xi32>,
      %add3A_828 = vector.broadcast %add3A_825 : i32 to vector<16xi32>
      %add3A_829 = arith.addi %get3A_827, %add3A_828 : vector<16xi32>
      %swap3A_830 = arith.index_cast %scan3A_818 : i32 to index
      %swap3A_831 = arith.constant 0 : index
      %swap3A_832 = tpu.vector_load %arg9[%swap3A_830, %swap3A_831] {strides = array<i32>} : memref<32x128xi32, #tpu.memory_space<vmem>>, vector<16xi32>,
      tpu.vector_store %arg9[%swap3A_830, %swap3A_831], %add3A_829 {strides = array<i32>} : memref<32x128xi32, #tpu.memory_space<vmem>>, vector<16xi32>,
      %get3A_833 = arith.constant 16 : index
      %get3A_834 = tpu.vector_load %arg7[%get3A_833] {strides = array<i32>} : memref<64xi32, #tpu.memory_space<vmem>>, vector<16xi32>,
      %add3A_835 = vector.broadcast %add3A_825 : i32 to vector<16xi32>
      %add3A_836 = arith.addi %get3A_834, %add3A_835 : vector<16xi32>
      %swap3A_837 = arith.index_cast %scan3A_818 : i32 to index
      %swap3A_838 = arith.constant 16 : index
      %swap3A_839 = tpu.vector_load %arg9[%swap3A_837, %swap3A_838] {strides = array<i32>} : memref<32x128xi32, #tpu.memory_space<vmem>>, vector<16xi32>,
      tpu.vector_store %arg9[%swap3A_837, %swap3A_838], %add3A_836 {strides = array<i32>} : memref<32x128xi32, #tpu.memory_space<vmem>>, vector<16xi32>,
      %get3A_840 = arith.constant 32 : index
      %get3A_841 = tpu.vector_load %arg7[%get3A_840] {strides = array<i32>} : memref<64xi32, #tpu.memory_space<vmem>>, vector<16xi32>,
      %add3A_842 = vector.broadcast %add3A_825 : i32 to vector<16xi32>
      %add3A_843 = arith.addi %get3A_841, %add3A_842 : vector<16xi32>
      %swap3A_844 = arith.index_cast %scan3A_818 : i32 to index
      %swap3A_845 = arith.constant 32 : index
      %swap3A_846 = tpu.vector_load %arg9[%swap3A_844, %swap3A_845] {strides = array<i32>} : memref<32x128xi32, #tpu.memory_space<vmem>>, vector<16xi32>,
      tpu.vector_store %arg9[%swap3A_844, %swap3A_845], %add3A_843 {strides = array<i32>} : memref<32x128xi32, #tpu.memory_space<vmem>>, vector<16xi32>,
      %get3A_847 = arith.constant 48 : index
      %get3A_848 = tpu.vector_load %arg7[%get3A_847] {strides = array<i32>} : memref<64xi32, #tpu.memory_space<vmem>>, vector<16xi32>,
      %add3A_849 = vector.broadcast %add3A_825 : i32 to vector<16xi32>
      %add3A_850 = arith.addi %get3A_848, %add3A_849 : vector<16xi32>
      %swap3A_851 = arith.index_cast %scan3A_818 : i32 to index
      %swap3A_852 = arith.constant 48 : index
      %swap3A_853 = tpu.vector_load %arg9[%swap3A_851, %swap3A_852] {strides = array<i32>} : memref<32x128xi32, #tpu.memory_space<vmem>>, vector<16xi32>,
      tpu.vector_store %arg9[%swap3A_851, %swap3A_852], %add3A_850 {strides = array<i32>} : memref<32x128xi32, #tpu.memory_space<vmem>>, vector<16xi32>,
      %mul3A_854 = arith.constant 2 : i32
      %mul3A_855 = arith.muli %mul3A_854, %scan3A_818 : i32
      %add3A_856 = arith.constant 1 : i32
      %add3A_857 = arith.addi %mul3A_855, %add3A_856 : i32
      %mul3A_858 = arith.constant 16384 : i32
      %mul3A_859 = arith.muli %add3A_857, %mul3A_858 : i32
      %add3A_860 = arith.addi %mul3A_34, %mul3A_859 : i32
      %get3A_861 = arith.constant 0 : index
      %get3A_862 = tpu.vector_load %arg7[%get3A_861] {strides = array<i32>} : memref<64xi32, #tpu.memory_space<vmem>>, vector<16xi32>,
      %add3A_863 = vector.broadcast %add3A_860 : i32 to vector<16xi32>
      %add3A_864 = arith.addi %get3A_862, %add3A_863 : vector<16xi32>
      %swap3A_865 = arith.index_cast %scan3A_818 : i32 to index
      %swap3A_866 = arith.constant 64 : index
      %swap3A_867 = tpu.vector_load %arg9[%swap3A_865, %swap3A_866] {strides = array<i32>} : memref<32x128xi32, #tpu.memory_space<vmem>>, vector<16xi32>,
      tpu.vector_store %arg9[%swap3A_865, %swap3A_866], %add3A_864 {strides = array<i32>} : memref<32x128xi32, #tpu.memory_space<vmem>>, vector<16xi32>,
      %get3A_868 = arith.constant 16 : index
      %get3A_869 = tpu.vector_load %arg7[%get3A_868] {strides = array<i32>} : memref<64xi32, #tpu.memory_space<vmem>>, vector<16xi32>,
      %add3A_870 = vector.broadcast %add3A_860 : i32 to vector<16xi32>
      %add3A_871 = arith.addi %get3A_869, %add3A_870 : vector<16xi32>
      %swap3A_872 = arith.index_cast %scan3A_818 : i32 to index
      %swap3A_873 = arith.constant 80 : index
      %swap3A_874 = tpu.vector_load %arg9[%swap3A_872, %swap3A_873] {strides = array<i32>} : memref<32x128xi32, #tpu.memory_space<vmem>>, vector<16xi32>,
      tpu.vector_store %arg9[%swap3A_872, %swap3A_873], %add3A_871 {strides = array<i32>} : memref<32x128xi32, #tpu.memory_space<vmem>>, vector<16xi32>,
      %get3A_875 = arith.constant 32 : index
      %get3A_876 = tpu.vector_load %arg7[%get3A_875] {strides = array<i32>} : memref<64xi32, #tpu.memory_space<vmem>>, vector<16xi32>,
      %add3A_877 = vector.broadcast %add3A_860 : i32 to vector<16xi32>
      %add3A_878 = arith.addi %get3A_876, %add3A_877 : vector<16xi32>
      %swap3A_879 = arith.index_cast %scan3A_818 : i32 to index
      %swap3A_880 = arith.constant 96 : index
      %swap3A_881 = tpu.vector_load %arg9[%swap3A_879, %swap3A_880] {strides = array<i32>} : memref<32x128xi32, #tpu.memory_space<vmem>>, vector<16xi32>,
      tpu.vector_store %arg9[%swap3A_879, %swap3A_880], %add3A_878 {strides = array<i32>} : memref<32x128xi32, #tpu.memory_space<vmem>>, vector<16xi32>,
      %get3A_882 = arith.constant 48 : index
      %get3A_883 = tpu.vector_load %arg7[%get3A_882] {strides = array<i32>} : memref<64xi32, #tpu.memory_space<vmem>>, vector<16xi32>,
      %add3A_884 = vector.broadcast %add3A_860 : i32 to vector<16xi32>
      %add3A_885 = arith.addi %get3A_883, %add3A_884 : vector<16xi32>
      %swap3A_886 = arith.index_cast %scan3A_818 : i32 to index
      %swap3A_887 = arith.constant 112 : index
      %swap3A_888 = tpu.vector_load %arg9[%swap3A_886, %swap3A_887] {strides = array<i32>} : memref<32x128xi32, #tpu.memory_space<vmem>>, vector<16xi32>,
      tpu.vector_store %arg9[%swap3A_886, %swap3A_887], %add3A_885 {strides = array<i32>} : memref<32x128xi32, #tpu.memory_space<vmem>>, vector<16xi32>,
    }
    %scan3A_297 = arith.constant 8 : i32
    %dma_start3A_298 = arith.constant 24 : i32
    %dma_start3A_299 = arith.constant 24 : i32
    %dma_start3A_300 = arith.constant 0 : i32
    %dma_start3A_301 = tpu.memref_slice %arg11[%dma_start3A_299, %dma_start3A_300] : memref<32x128xf32, #tpu.memory_space<vmem>> -> memref<1x128xf32, #tpu.memory_space<vmem>>
    %dma_start3A_302 = tpu.memref_squeeze %dma_start3A_301 : memref<1x128xf32, #tpu.memory_space<vmem>> -> memref<128xf32, #tpu.memory_space<vmem>>
    %dma_start3A_303 = arith.constant 0 : i32
    %dma_start3A_304 = tpu.memref_slice %arg9[%dma_start3A_298, %dma_start3A_303] : memref<32x128xi32, #tpu.memory_space<vmem>> -> memref<1x128xi32, #tpu.memory_space<vmem>>
    %dma_start3A_305 = tpu.memref_squeeze %dma_start3A_304 : memref<1x128xi32, #tpu.memory_space<vmem>> -> memref<128xi32, #tpu.memory_space<vmem>>
    %dma_start3A_306 = arith.constant 0 : i32
    %dma_start3A_307 = tpu.memref_slice %arg2[%dma_start3A_306] : memref<16777216xf32, #tpu.memory_space<hbm>> -> memref<16777216xf32, #tpu.memory_space<hbm>>
    tpu.enqueue_indirect_dma source(%dma_start3A_307 : memref<16777216xf32, #tpu.memory_space<hbm>>) target(%dma_start3A_302 : memref<128xf32, #tpu.memory_space<vmem>>) offsets(%dma_start3A_305 : memref<128xi32, #tpu.memory_space<vmem>>) semaphore(%arg16 : memref<!tpu.dma_semaphore, #tpu.memory_space<semaphore_mem>>)
    %dma_start3A_308 = arith.constant 25 : i32
    %dma_start3A_309 = arith.constant 25 : i32
    %dma_start3A_310 = arith.constant 0 : i32
    %dma_start3A_311 = tpu.memref_slice %arg11[%dma_start3A_309, %dma_start3A_310] : memref<32x128xf32, #tpu.memory_space<vmem>> -> memref<1x128xf32, #tpu.memory_space<vmem>>
    %dma_start3A_312 = tpu.memref_squeeze %dma_start3A_311 : memref<1x128xf32, #tpu.memory_space<vmem>> -> memref<128xf32, #tpu.memory_space<vmem>>
    %dma_start3A_313 = arith.constant 0 : i32
    %dma_start3A_314 = tpu.memref_slice %arg9[%dma_start3A_308, %dma_start3A_313] : memref<32x128xi32, #tpu.memory_space<vmem>> -> memref<1x128xi32, #tpu.memory_space<vmem>>
    %dma_start3A_315 = tpu.memref_squeeze %dma_start3A_314 : memref<1x128xi32, #tpu.memory_space<vmem>> -> memref<128xi32, #tpu.memory_space<vmem>>
    %dma_start3A_316 = arith.constant 0 : i32
    %dma_start3A_317 = tpu.memref_slice %arg2[%dma_start3A_316] : memref<16777216xf32, #tpu.memory_space<hbm>> -> memref<16777216xf32, #tpu.memory_space<hbm>>
    tpu.enqueue_indirect_dma source(%dma_start3A_317 : memref<16777216xf32, #tpu.memory_space<hbm>>) target(%dma_start3A_312 : memref<128xf32, #tpu.memory_space<vmem>>) offsets(%dma_start3A_315 : memref<128xi32, #tpu.memory_space<vmem>>) semaphore(%arg16 : memref<!tpu.dma_semaphore, #tpu.memory_space<semaphore_mem>>)
    %dma_start3A_318 = arith.constant 26 : i32
    %dma_start3A_319 = arith.constant 26 : i32
    %dma_start3A_320 = arith.constant 0 : i32
    %dma_start3A_321 = tpu.memref_slice %arg11[%dma_start3A_319, %dma_start3A_320] : memref<32x128xf32, #tpu.memory_space<vmem>> -> memref<1x128xf32, #tpu.memory_space<vmem>>
    %dma_start3A_322 = tpu.memref_squeeze %dma_start3A_321 : memref<1x128xf32, #tpu.memory_space<vmem>> -> memref<128xf32, #tpu.memory_space<vmem>>
    %dma_start3A_323 = arith.constant 0 : i32
    %dma_start3A_324 = tpu.memref_slice %arg9[%dma_start3A_318, %dma_start3A_323] : memref<32x128xi32, #tpu.memory_space<vmem>> -> memref<1x128xi32, #tpu.memory_space<vmem>>
    %dma_start3A_325 = tpu.memref_squeeze %dma_start3A_324 : memref<1x128xi32, #tpu.memory_space<vmem>> -> memref<128xi32, #tpu.memory_space<vmem>>
    %dma_start3A_326 = arith.constant 0 : i32
    %dma_start3A_327 = tpu.memref_slice %arg2[%dma_start3A_326] : memref<16777216xf32, #tpu.memory_space<hbm>> -> memref<16777216xf32, #tpu.memory_space<hbm>>
    tpu.enqueue_indirect_dma source(%dma_start3A_327 : memref<16777216xf32, #tpu.memory_space<hbm>>) target(%dma_start3A_322 : memref<128xf32, #tpu.memory_space<vmem>>) offsets(%dma_start3A_325 : memref<128xi32, #tpu.memory_space<vmem>>) semaphore(%arg16 : memref<!tpu.dma_semaphore, #tpu.memory_space<semaphore_mem>>)
    %dma_start3A_328 = arith.constant 27 : i32
    %dma_start3A_329 = arith.constant 27 : i32
    %dma_start3A_330 = arith.constant 0 : i32
    %dma_start3A_331 = tpu.memref_slice %arg11[%dma_start3A_329, %dma_start3A_330] : memref<32x128xf32, #tpu.memory_space<vmem>> -> memref<1x128xf32, #tpu.memory_space<vmem>>
    %dma_start3A_332 = tpu.memref_squeeze %dma_start3A_331 : memref<1x128xf32, #tpu.memory_space<vmem>> -> memref<128xf32, #tpu.memory_space<vmem>>
    %dma_start3A_333 = arith.constant 0 : i32
    %dma_start3A_334 = tpu.memref_slice %arg9[%dma_start3A_328, %dma_start3A_333] : memref<32x128xi32, #tpu.memory_space<vmem>> -> memref<1x128xi32, #tpu.memory_space<vmem>>
    %dma_start3A_335 = tpu.memref_squeeze %dma_start3A_334 : memref<1x128xi32, #tpu.memory_space<vmem>> -> memref<128xi32, #tpu.memory_space<vmem>>
    %dma_start3A_336 = arith.constant 0 : i32
    %dma_start3A_337 = tpu.memref_slice %arg2[%dma_start3A_336] : memref<16777216xf32, #tpu.memory_space<hbm>> -> memref<16777216xf32, #tpu.memory_space<hbm>>
    tpu.enqueue_indirect_dma source(%dma_start3A_337 : memref<16777216xf32, #tpu.memory_space<hbm>>) target(%dma_start3A_332 : memref<128xf32, #tpu.memory_space<vmem>>) offsets(%dma_start3A_335 : memref<128xi32, #tpu.memory_space<vmem>>) semaphore(%arg16 : memref<!tpu.dma_semaphore, #tpu.memory_space<semaphore_mem>>)
    %dma_start3A_338 = arith.constant 28 : i32
    %dma_start3A_339 = arith.constant 28 : i32
    %dma_start3A_340 = arith.constant 0 : i32
    %dma_start3A_341 = tpu.memref_slice %arg11[%dma_start3A_339, %dma_start3A_340] : memref<32x128xf32, #tpu.memory_space<vmem>> -> memref<1x128xf32, #tpu.memory_space<vmem>>
    %dma_start3A_342 = tpu.memref_squeeze %dma_start3A_341 : memref<1x128xf32, #tpu.memory_space<vmem>> -> memref<128xf32, #tpu.memory_space<vmem>>
    %dma_start3A_343 = arith.constant 0 : i32
    %dma_start3A_344 = tpu.memref_slice %arg9[%dma_start3A_338, %dma_start3A_343] : memref<32x128xi32, #tpu.memory_space<vmem>> -> memref<1x128xi32, #tpu.memory_space<vmem>>
    %dma_start3A_345 = tpu.memref_squeeze %dma_start3A_344 : memref<1x128xi32, #tpu.memory_space<vmem>> -> memref<128xi32, #tpu.memory_space<vmem>>
    %dma_start3A_346 = arith.constant 0 : i32
    %dma_start3A_347 = tpu.memref_slice %arg2[%dma_start3A_346] : memref<16777216xf32, #tpu.memory_space<hbm>> -> memref<16777216xf32, #tpu.memory_space<hbm>>
    tpu.enqueue_indirect_dma source(%dma_start3A_347 : memref<16777216xf32, #tpu.memory_space<hbm>>) target(%dma_start3A_342 : memref<128xf32, #tpu.memory_space<vmem>>) offsets(%dma_start3A_345 : memref<128xi32, #tpu.memory_space<vmem>>) semaphore(%arg16 : memref<!tpu.dma_semaphore, #tpu.memory_space<semaphore_mem>>)
    %dma_start3A_348 = arith.constant 29 : i32
    %dma_start3A_349 = arith.constant 29 : i32
    %dma_start3A_350 = arith.constant 0 : i32
    %dma_start3A_351 = tpu.memref_slice %arg11[%dma_start3A_349, %dma_start3A_350] : memref<32x128xf32, #tpu.memory_space<vmem>> -> memref<1x128xf32, #tpu.memory_space<vmem>>
    %dma_start3A_352 = tpu.memref_squeeze %dma_start3A_351 : memref<1x128xf32, #tpu.memory_space<vmem>> -> memref<128xf32, #tpu.memory_space<vmem>>
    %dma_start3A_353 = arith.constant 0 : i32
    %dma_start3A_354 = tpu.memref_slice %arg9[%dma_start3A_348, %dma_start3A_353] : memref<32x128xi32, #tpu.memory_space<vmem>> -> memref<1x128xi32, #tpu.memory_space<vmem>>
    %dma_start3A_355 = tpu.memref_squeeze %dma_start3A_354 : memref<1x128xi32, #tpu.memory_space<vmem>> -> memref<128xi32, #tpu.memory_space<vmem>>
    %dma_start3A_356 = arith.constant 0 : i32
    %dma_start3A_357 = tpu.memref_slice %arg2[%dma_start3A_356] : memref<16777216xf32, #tpu.memory_space<hbm>> -> memref<16777216xf32, #tpu.memory_space<hbm>>
    tpu.enqueue_indirect_dma source(%dma_start3A_357 : memref<16777216xf32, #tpu.memory_space<hbm>>) target(%dma_start3A_352 : memref<128xf32, #tpu.memory_space<vmem>>) offsets(%dma_start3A_355 : memref<128xi32, #tpu.memory_space<vmem>>) semaphore(%arg16 : memref<!tpu.dma_semaphore, #tpu.memory_space<semaphore_mem>>)
    %dma_start3A_358 = arith.constant 30 : i32
    %dma_start3A_359 = arith.constant 30 : i32
    %dma_start3A_360 = arith.constant 0 : i32
    %dma_start3A_361 = tpu.memref_slice %arg11[%dma_start3A_359, %dma_start3A_360] : memref<32x128xf32, #tpu.memory_space<vmem>> -> memref<1x128xf32, #tpu.memory_space<vmem>>
    %dma_start3A_362 = tpu.memref_squeeze %dma_start3A_361 : memref<1x128xf32, #tpu.memory_space<vmem>> -> memref<128xf32, #tpu.memory_space<vmem>>
    %dma_start3A_363 = arith.constant 0 : i32
    %dma_start3A_364 = tpu.memref_slice %arg9[%dma_start3A_358, %dma_start3A_363] : memref<32x128xi32, #tpu.memory_space<vmem>> -> memref<1x128xi32, #tpu.memory_space<vmem>>
    %dma_start3A_365 = tpu.memref_squeeze %dma_start3A_364 : memref<1x128xi32, #tpu.memory_space<vmem>> -> memref<128xi32, #tpu.memory_space<vmem>>
    %dma_start3A_366 = arith.constant 0 : i32
    %dma_start3A_367 = tpu.memref_slice %arg2[%dma_start3A_366] : memref<16777216xf32, #tpu.memory_space<hbm>> -> memref<16777216xf32, #tpu.memory_space<hbm>>
    tpu.enqueue_indirect_dma source(%dma_start3A_367 : memref<16777216xf32, #tpu.memory_space<hbm>>) target(%dma_start3A_362 : memref<128xf32, #tpu.memory_space<vmem>>) offsets(%dma_start3A_365 : memref<128xi32, #tpu.memory_space<vmem>>) semaphore(%arg16 : memref<!tpu.dma_semaphore, #tpu.memory_space<semaphore_mem>>)
    %dma_start3A_368 = arith.constant 31 : i32
    %dma_start3A_369 = arith.constant 31 : i32
    %dma_start3A_370 = arith.constant 0 : i32
    %dma_start3A_371 = tpu.memref_slice %arg11[%dma_start3A_369, %dma_start3A_370] : memref<32x128xf32, #tpu.memory_space<vmem>> -> memref<1x128xf32, #tpu.memory_space<vmem>>
    %dma_start3A_372 = tpu.memref_squeeze %dma_start3A_371 : memref<1x128xf32, #tpu.memory_space<vmem>> -> memref<128xf32, #tpu.memory_space<vmem>>
    %dma_start3A_373 = arith.constant 0 : i32
    %dma_start3A_374 = tpu.memref_slice %arg9[%dma_start3A_368, %dma_start3A_373] : memref<32x128xi32, #tpu.memory_space<vmem>> -> memref<1x128xi32, #tpu.memory_space<vmem>>
    %dma_start3A_375 = tpu.memref_squeeze %dma_start3A_374 : memref<1x128xi32, #tpu.memory_space<vmem>> -> memref<128xi32, #tpu.memory_space<vmem>>
    %dma_start3A_376 = arith.constant 0 : i32
    %dma_start3A_377 = tpu.memref_slice %arg2[%dma_start3A_376] : memref<16777216xf32, #tpu.memory_space<hbm>> -> memref<16777216xf32, #tpu.memory_space<hbm>>
    tpu.enqueue_indirect_dma source(%dma_start3A_377 : memref<16777216xf32, #tpu.memory_space<hbm>>) target(%dma_start3A_372 : memref<128xf32, #tpu.memory_space<vmem>>) offsets(%dma_start3A_375 : memref<128xi32, #tpu.memory_space<vmem>>) semaphore(%arg16 : memref<!tpu.dma_semaphore, #tpu.memory_space<semaphore_mem>>)
    %dma_wait3A_378 = tpu.memref_slice %arg3[%mul3A_23] : memref<131072xf32, #tpu.memory_space<hbm>> -> memref<4096xf32, #tpu.memory_space<hbm>>
    %dma_wait3A_379 = tpu.memref_slice %arg3[%mul3A_23] : memref<131072xf32, #tpu.memory_space<hbm>> -> memref<4096xf32, #tpu.memory_space<hbm>>
    tpu.wait_dma2 semaphore(%arg17 : memref<!tpu.dma_semaphore, #tpu.memory_space<semaphore_mem>>) src(%dma_wait3A_379 : memref<4096xf32, #tpu.memory_space<hbm>>) dst(%arg10 : memref<4096xf32, #tpu.memory_space<vmem>>)
    %dma_wait3A_380 = tpu.memref_slice %arg5[%mul3A_27] : memref<2048xf32, #tpu.memory_space<hbm>> -> memref<64xf32, #tpu.memory_space<hbm>>
    %dma_wait3A_381 = tpu.memref_slice %arg5[%mul3A_27] : memref<2048xf32, #tpu.memory_space<hbm>> -> memref<64xf32, #tpu.memory_space<hbm>>
    tpu.wait_dma2 semaphore(%arg17 : memref<!tpu.dma_semaphore, #tpu.memory_space<semaphore_mem>>) src(%dma_wait3A_381 : memref<64xf32, #tpu.memory_space<hbm>>) dst(%arg8 : memref<64xf32, #tpu.memory_space<vmem>>)
    %add3A_382 = arith.constant 0 : i32
    %add3A_383 = vector.broadcast %add3A_382 : i32 to vector<16xi32>
    %add3A_384 = arith.addi %iota3A, %add3A_383 : vector<16xi32>
    %mul3A_385 = arith.constant 64 : i32
    %mul3A_386 = vector.broadcast %mul3A_385 : i32 to vector<16xi32>
    %mul3A_387 = arith.muli %add3A_384, %mul3A_386 : vector<16xi32>
    %add3A_388 = arith.constant 16 : i32
    %add3A_389 = vector.broadcast %add3A_388 : i32 to vector<16xi32>
    %add3A_390 = arith.addi %iota3A, %add3A_389 : vector<16xi32>
    %mul3A_391 = arith.constant 64 : i32
    %mul3A_392 = vector.broadcast %mul3A_391 : i32 to vector<16xi32>
    %mul3A_393 = arith.muli %add3A_390, %mul3A_392 : vector<16xi32>
    %add3A_394 = arith.constant 32 : i32
    %add3A_395 = vector.broadcast %add3A_394 : i32 to vector<16xi32>
    %add3A_396 = arith.addi %iota3A, %add3A_395 : vector<16xi32>
    %mul3A_397 = arith.constant 64 : i32
    %mul3A_398 = vector.broadcast %mul3A_397 : i32 to vector<16xi32>
    %mul3A_399 = arith.muli %add3A_396, %mul3A_398 : vector<16xi32>
    %add3A_400 = arith.constant 48 : i32
    %add3A_401 = vector.broadcast %add3A_400 : i32 to vector<16xi32>
    %add3A_402 = arith.addi %iota3A, %add3A_401 : vector<16xi32>
    %mul3A_403 = arith.constant 64 : i32
    %mul3A_404 = vector.broadcast %mul3A_403 : i32 to vector<16xi32>
    %mul3A_405 = arith.muli %add3A_402, %mul3A_404 : vector<16xi32>
    %broadcast_in_dim3A = arith.constant 0.000000e+00 : f32
    %broadcast_in_dim3A_406 = vector.broadcast %broadcast_in_dim3A : f32 to vector<16xf32>
    %dma_wait3A_407 = arith.constant 0 : i32
    %dma_wait3A_408 = arith.constant 0 : i32
    %dma_wait3A_409 = arith.constant 0 : i32
    %dma_wait3A_410 = tpu.memref_slice %arg11[%dma_wait3A_408, %dma_wait3A_409] : memref<32x128xf32, #tpu.memory_space<vmem>> -> memref<1x128xf32, #tpu.memory_space<vmem>>
    %dma_wait3A_411 = tpu.memref_squeeze %dma_wait3A_410 : memref<1x128xf32, #tpu.memory_space<vmem>> -> memref<128xf32, #tpu.memory_space<vmem>>
    %dma_wait3A_412 = arith.constant 0 : i32
    %dma_wait3A_413 = tpu.memref_slice %arg9[%dma_wait3A_407, %dma_wait3A_412] : memref<32x128xi32, #tpu.memory_space<vmem>> -> memref<1x128xi32, #tpu.memory_space<vmem>>
    %dma_wait3A_414 = tpu.memref_squeeze %dma_wait3A_413 : memref<1x128xi32, #tpu.memory_space<vmem>> -> memref<128xi32, #tpu.memory_space<vmem>>
    %dma_wait3A_415 = arith.constant 0 : i32
    %dma_wait3A_416 = tpu.memref_slice %arg2[%dma_wait3A_415] : memref<16777216xf32, #tpu.memory_space<hbm>> -> memref<16777216xf32, #tpu.memory_space<hbm>>
    tpu.wait_indirect_dma semaphore(%arg13 : memref<!tpu.dma_semaphore, #tpu.memory_space<semaphore_mem>>) src(%dma_wait3A_416 : memref<16777216xf32, #tpu.memory_space<hbm>>) dst(%dma_wait3A_411 : memref<128xf32, #tpu.memory_space<vmem>>)
    %dma_wait3A_417 = arith.constant 1 : i32
    %dma_wait3A_418 = arith.constant 1 : i32
    %dma_wait3A_419 = arith.constant 0 : i32
    %dma_wait3A_420 = tpu.memref_slice %arg11[%dma_wait3A_418, %dma_wait3A_419] : memref<32x128xf32, #tpu.memory_space<vmem>> -> memref<1x128xf32, #tpu.memory_space<vmem>>
    %dma_wait3A_421 = tpu.memref_squeeze %dma_wait3A_420 : memref<1x128xf32, #tpu.memory_space<vmem>> -> memref<128xf32, #tpu.memory_space<vmem>>
    %dma_wait3A_422 = arith.constant 0 : i32
    %dma_wait3A_423 = tpu.memref_slice %arg9[%dma_wait3A_417, %dma_wait3A_422] : memref<32x128xi32, #tpu.memory_space<vmem>> -> memref<1x128xi32, #tpu.memory_space<vmem>>
    %dma_wait3A_424 = tpu.memref_squeeze %dma_wait3A_423 : memref<1x128xi32, #tpu.memory_space<vmem>> -> memref<128xi32, #tpu.memory_space<vmem>>
    %dma_wait3A_425 = arith.constant 0 : i32
    %dma_wait3A_426 = tpu.memref_slice %arg2[%dma_wait3A_425] : memref<16777216xf32, #tpu.memory_space<hbm>> -> memref<16777216xf32, #tpu.memory_space<hbm>>
    tpu.wait_indirect_dma semaphore(%arg13 : memref<!tpu.dma_semaphore, #tpu.memory_space<semaphore_mem>>) src(%dma_wait3A_426 : memref<16777216xf32, #tpu.memory_space<hbm>>) dst(%dma_wait3A_421 : memref<128xf32, #tpu.memory_space<vmem>>)
    %dma_wait3A_427 = arith.constant 2 : i32
    %dma_wait3A_428 = arith.constant 2 : i32
    %dma_wait3A_429 = arith.constant 0 : i32
    %dma_wait3A_430 = tpu.memref_slice %arg11[%dma_wait3A_428, %dma_wait3A_429] : memref<32x128xf32, #tpu.memory_space<vmem>> -> memref<1x128xf32, #tpu.memory_space<vmem>>
    %dma_wait3A_431 = tpu.memref_squeeze %dma_wait3A_430 : memref<1x128xf32, #tpu.memory_space<vmem>> -> memref<128xf32, #tpu.memory_space<vmem>>
    %dma_wait3A_432 = arith.constant 0 : i32
    %dma_wait3A_433 = tpu.memref_slice %arg9[%dma_wait3A_427, %dma_wait3A_432] : memref<32x128xi32, #tpu.memory_space<vmem>> -> memref<1x128xi32, #tpu.memory_space<vmem>>
    %dma_wait3A_434 = tpu.memref_squeeze %dma_wait3A_433 : memref<1x128xi32, #tpu.memory_space<vmem>> -> memref<128xi32, #tpu.memory_space<vmem>>
    %dma_wait3A_435 = arith.constant 0 : i32
    %dma_wait3A_436 = tpu.memref_slice %arg2[%dma_wait3A_435] : memref<16777216xf32, #tpu.memory_space<hbm>> -> memref<16777216xf32, #tpu.memory_space<hbm>>
    tpu.wait_indirect_dma semaphore(%arg13 : memref<!tpu.dma_semaphore, #tpu.memory_space<semaphore_mem>>) src(%dma_wait3A_436 : memref<16777216xf32, #tpu.memory_space<hbm>>) dst(%dma_wait3A_431 : memref<128xf32, #tpu.memory_space<vmem>>)
    %dma_wait3A_437 = arith.constant 3 : i32
    %dma_wait3A_438 = arith.constant 3 : i32
    %dma_wait3A_439 = arith.constant 0 : i32
    %dma_wait3A_440 = tpu.memref_slice %arg11[%dma_wait3A_438, %dma_wait3A_439] : memref<32x128xf32, #tpu.memory_space<vmem>> -> memref<1x128xf32, #tpu.memory_space<vmem>>
    %dma_wait3A_441 = tpu.memref_squeeze %dma_wait3A_440 : memref<1x128xf32, #tpu.memory_space<vmem>> -> memref<128xf32, #tpu.memory_space<vmem>>
    %dma_wait3A_442 = arith.constant 0 : i32
    %dma_wait3A_443 = tpu.memref_slice %arg9[%dma_wait3A_437, %dma_wait3A_442] : memref<32x128xi32, #tpu.memory_space<vmem>> -> memref<1x128xi32, #tpu.memory_space<vmem>>
    %dma_wait3A_444 = tpu.memref_squeeze %dma_wait3A_443 : memref<1x128xi32, #tpu.memory_space<vmem>> -> memref<128xi32, #tpu.memory_space<vmem>>
    %dma_wait3A_445 = arith.constant 0 : i32
    %dma_wait3A_446 = tpu.memref_slice %arg2[%dma_wait3A_445] : memref<16777216xf32, #tpu.memory_space<hbm>> -> memref<16777216xf32, #tpu.memory_space<hbm>>
    tpu.wait_indirect_dma semaphore(%arg13 : memref<!tpu.dma_semaphore, #tpu.memory_space<semaphore_mem>>) src(%dma_wait3A_446 : memref<16777216xf32, #tpu.memory_space<hbm>>) dst(%dma_wait3A_441 : memref<128xf32, #tpu.memory_space<vmem>>)
    %dma_wait3A_447 = arith.constant 4 : i32
    %dma_wait3A_448 = arith.constant 4 : i32
    %dma_wait3A_449 = arith.constant 0 : i32
    %dma_wait3A_450 = tpu.memref_slice %arg11[%dma_wait3A_448, %dma_wait3A_449] : memref<32x128xf32, #tpu.memory_space<vmem>> -> memref<1x128xf32, #tpu.memory_space<vmem>>
    %dma_wait3A_451 = tpu.memref_squeeze %dma_wait3A_450 : memref<1x128xf32, #tpu.memory_space<vmem>> -> memref<128xf32, #tpu.memory_space<vmem>>
    %dma_wait3A_452 = arith.constant 0 : i32
    %dma_wait3A_453 = tpu.memref_slice %arg9[%dma_wait3A_447, %dma_wait3A_452] : memref<32x128xi32, #tpu.memory_space<vmem>> -> memref<1x128xi32, #tpu.memory_space<vmem>>
    %dma_wait3A_454 = tpu.memref_squeeze %dma_wait3A_453 : memref<1x128xi32, #tpu.memory_space<vmem>> -> memref<128xi32, #tpu.memory_space<vmem>>
    %dma_wait3A_455 = arith.constant 0 : i32
    %dma_wait3A_456 = tpu.memref_slice %arg2[%dma_wait3A_455] : memref<16777216xf32, #tpu.memory_space<hbm>> -> memref<16777216xf32, #tpu.memory_space<hbm>>
    tpu.wait_indirect_dma semaphore(%arg13 : memref<!tpu.dma_semaphore, #tpu.memory_space<semaphore_mem>>) src(%dma_wait3A_456 : memref<16777216xf32, #tpu.memory_space<hbm>>) dst(%dma_wait3A_451 : memref<128xf32, #tpu.memory_space<vmem>>)
    %dma_wait3A_457 = arith.constant 5 : i32
    %dma_wait3A_458 = arith.constant 5 : i32
    %dma_wait3A_459 = arith.constant 0 : i32
    %dma_wait3A_460 = tpu.memref_slice %arg11[%dma_wait3A_458, %dma_wait3A_459] : memref<32x128xf32, #tpu.memory_space<vmem>> -> memref<1x128xf32, #tpu.memory_space<vmem>>
    %dma_wait3A_461 = tpu.memref_squeeze %dma_wait3A_460 : memref<1x128xf32, #tpu.memory_space<vmem>> -> memref<128xf32, #tpu.memory_space<vmem>>
    %dma_wait3A_462 = arith.constant 0 : i32
    %dma_wait3A_463 = tpu.memref_slice %arg9[%dma_wait3A_457, %dma_wait3A_462] : memref<32x128xi32, #tpu.memory_space<vmem>> -> memref<1x128xi32, #tpu.memory_space<vmem>>
    %dma_wait3A_464 = tpu.memref_squeeze %dma_wait3A_463 : memref<1x128xi32, #tpu.memory_space<vmem>> -> memref<128xi32, #tpu.memory_space<vmem>>
    %dma_wait3A_465 = arith.constant 0 : i32
    %dma_wait3A_466 = tpu.memref_slice %arg2[%dma_wait3A_465] : memref<16777216xf32, #tpu.memory_space<hbm>> -> memref<16777216xf32, #tpu.memory_space<hbm>>
    tpu.wait_indirect_dma semaphore(%arg13 : memref<!tpu.dma_semaphore, #tpu.memory_space<semaphore_mem>>) src(%dma_wait3A_466 : memref<16777216xf32, #tpu.memory_space<hbm>>) dst(%dma_wait3A_461 : memref<128xf32, #tpu.memory_space<vmem>>)
    %dma_wait3A_467 = arith.constant 6 : i32
    %dma_wait3A_468 = arith.constant 6 : i32
    %dma_wait3A_469 = arith.constant 0 : i32
    %dma_wait3A_470 = tpu.memref_slice %arg11[%dma_wait3A_468, %dma_wait3A_469] : memref<32x128xf32, #tpu.memory_space<vmem>> -> memref<1x128xf32, #tpu.memory_space<vmem>>
    %dma_wait3A_471 = tpu.memref_squeeze %dma_wait3A_470 : memref<1x128xf32, #tpu.memory_space<vmem>> -> memref<128xf32, #tpu.memory_space<vmem>>
    %dma_wait3A_472 = arith.constant 0 : i32
    %dma_wait3A_473 = tpu.memref_slice %arg9[%dma_wait3A_467, %dma_wait3A_472] : memref<32x128xi32, #tpu.memory_space<vmem>> -> memref<1x128xi32, #tpu.memory_space<vmem>>
    %dma_wait3A_474 = tpu.memref_squeeze %dma_wait3A_473 : memref<1x128xi32, #tpu.memory_space<vmem>> -> memref<128xi32, #tpu.memory_space<vmem>>
    %dma_wait3A_475 = arith.constant 0 : i32
    %dma_wait3A_476 = tpu.memref_slice %arg2[%dma_wait3A_475] : memref<16777216xf32, #tpu.memory_space<hbm>> -> memref<16777216xf32, #tpu.memory_space<hbm>>
    tpu.wait_indirect_dma semaphore(%arg13 : memref<!tpu.dma_semaphore, #tpu.memory_space<semaphore_mem>>) src(%dma_wait3A_476 : memref<16777216xf32, #tpu.memory_space<hbm>>) dst(%dma_wait3A_471 : memref<128xf32, #tpu.memory_space<vmem>>)
    %dma_wait3A_477 = arith.constant 7 : i32
    %dma_wait3A_478 = arith.constant 7 : i32
    %dma_wait3A_479 = arith.constant 0 : i32
    %dma_wait3A_480 = tpu.memref_slice %arg11[%dma_wait3A_478, %dma_wait3A_479] : memref<32x128xf32, #tpu.memory_space<vmem>> -> memref<1x128xf32, #tpu.memory_space<vmem>>
    %dma_wait3A_481 = tpu.memref_squeeze %dma_wait3A_480 : memref<1x128xf32, #tpu.memory_space<vmem>> -> memref<128xf32, #tpu.memory_space<vmem>>
    %dma_wait3A_482 = arith.constant 0 : i32
    %dma_wait3A_483 = tpu.memref_slice %arg9[%dma_wait3A_477, %dma_wait3A_482] : memref<32x128xi32, #tpu.memory_space<vmem>> -> memref<1x128xi32, #tpu.memory_space<vmem>>
    %dma_wait3A_484 = tpu.memref_squeeze %dma_wait3A_483 : memref<1x128xi32, #tpu.memory_space<vmem>> -> memref<128xi32, #tpu.memory_space<vmem>>
    %dma_wait3A_485 = arith.constant 0 : i32
    %dma_wait3A_486 = tpu.memref_slice %arg2[%dma_wait3A_485] : memref<16777216xf32, #tpu.memory_space<hbm>> -> memref<16777216xf32, #tpu.memory_space<hbm>>
    tpu.wait_indirect_dma semaphore(%arg13 : memref<!tpu.dma_semaphore, #tpu.memory_space<semaphore_mem>>) src(%dma_wait3A_486 : memref<16777216xf32, #tpu.memory_space<hbm>>) dst(%dma_wait3A_481 : memref<128xf32, #tpu.memory_space<vmem>>)
    %scan3A_487 = arith.constant 0 : i32
    %scan3A_488 = arith.constant 8 : i32
    %scan3A_489 = arith.addi %scan3A_487, %scan3A_488 : i32
    %scan3A_490 = arith.constant 2 : i32
    %scan3A_491:4 = scf.for %scan3A_818 = %scan3A_487 to %scan3A_489 step %scan3A_490 iter_args(%scan3A_819 = %broadcast_in_dim3A_406, %scan3A_820 = %broadcast_in_dim3A_406, %scan3A_821 = %broadcast_in_dim3A_406, %scan3A_822 = %broadcast_in_dim3A_406) -> (vector<16xf32>, vector<16xf32>, vector<16xf32>, vector<16xf32>)  : i32 {
      %mul3A_823 = arith.constant 2 : i32
      %mul3A_824 = arith.muli %mul3A_823, %scan3A_818 : i32
      %add3A_825 = arith.constant 0 : i32
      %add3A_826 = arith.addi %mul3A_824, %add3A_825 : i32
      %get3A_827 = arith.index_cast %scan3A_818 : i32 to index
      %get3A_828 = arith.constant 0 : index
      %get3A_829 = tpu.vector_load %arg11[%get3A_827, %get3A_828] {strides = array<i32>} : memref<32x128xf32, #tpu.memory_space<vmem>>, vector<16xf32>,
      %add3A_830 = vector.broadcast %add3A_826 : i32 to vector<16xi32>
      %add3A_831 = arith.addi %mul3A_387, %add3A_830 : vector<16xi32>
      %gather3A = tpu.vector_load_idx %arg10[%add3A_831] : memref<4096xf32, #tpu.memory_space<vmem>>[vector<16xi32>], vector<16xf32>,
      %sub3A_832 = arith.subf %get3A_829, %gather3A : vector<16xf32>
      %abs3A_833 = math.absf %sub3A_832 : vector<16xf32>
      %add3A_834 = arith.addf %scan3A_819, %abs3A_833 : vector<16xf32>
      %get3A_835 = arith.index_cast %scan3A_818 : i32 to index
      %get3A_836 = arith.constant 16 : index
      %get3A_837 = tpu.vector_load %arg11[%get3A_835, %get3A_836] {strides = array<i32>} : memref<32x128xf32, #tpu.memory_space<vmem>>, vector<16xf32>,
      %add3A_838 = vector.broadcast %add3A_826 : i32 to vector<16xi32>
      %add3A_839 = arith.addi %mul3A_393, %add3A_838 : vector<16xi32>
      %gather3A_840 = tpu.vector_load_idx %arg10[%add3A_839] : memref<4096xf32, #tpu.memory_space<vmem>>[vector<16xi32>], vector<16xf32>,
      %sub3A_841 = arith.subf %get3A_837, %gather3A_840 : vector<16xf32>
      %abs3A_842 = math.absf %sub3A_841 : vector<16xf32>
      %add3A_843 = arith.addf %scan3A_820, %abs3A_842 : vector<16xf32>
      %get3A_844 = arith.index_cast %scan3A_818 : i32 to index
      %get3A_845 = arith.constant 32 : index
      %get3A_846 = tpu.vector_load %arg11[%get3A_844, %get3A_845] {strides = array<i32>} : memref<32x128xf32, #tpu.memory_space<vmem>>, vector<16xf32>,
      %add3A_847 = vector.broadcast %add3A_826 : i32 to vector<16xi32>
      %add3A_848 = arith.addi %mul3A_399, %add3A_847 : vector<16xi32>
      %gather3A_849 = tpu.vector_load_idx %arg10[%add3A_848] : memref<4096xf32, #tpu.memory_space<vmem>>[vector<16xi32>], vector<16xf32>,
      %sub3A_850 = arith.subf %get3A_846, %gather3A_849 : vector<16xf32>
      %abs3A_851 = math.absf %sub3A_850 : vector<16xf32>
      %add3A_852 = arith.addf %scan3A_821, %abs3A_851 : vector<16xf32>
      %get3A_853 = arith.index_cast %scan3A_818 : i32 to index
      %get3A_854 = arith.constant 48 : index
      %get3A_855 = tpu.vector_load %arg11[%get3A_853, %get3A_854] {strides = array<i32>} : memref<32x128xf32, #tpu.memory_space<vmem>>, vector<16xf32>,
      %add3A_856 = vector.broadcast %add3A_826 : i32 to vector<16xi32>
      %add3A_857 = arith.addi %mul3A_405, %add3A_856 : vector<16xi32>
      %gather3A_858 = tpu.vector_load_idx %arg10[%add3A_857] : memref<4096xf32, #tpu.memory_space<vmem>>[vector<16xi32>], vector<16xf32>,
      %sub3A_859 = arith.subf %get3A_855, %gather3A_858 : vector<16xf32>
      %abs3A_860 = math.absf %sub3A_859 : vector<16xf32>
      %add3A_861 = arith.addf %scan3A_822, %abs3A_860 : vector<16xf32>
      %mul3A_862 = arith.constant 2 : i32
      %mul3A_863 = arith.muli %mul3A_862, %scan3A_818 : i32
      %add3A_864 = arith.constant 1 : i32
      %add3A_865 = arith.addi %mul3A_863, %add3A_864 : i32
      %get3A_866 = arith.index_cast %scan3A_818 : i32 to index
      %get3A_867 = arith.constant 64 : index
      %get3A_868 = tpu.vector_load %arg11[%get3A_866, %get3A_867] {strides = array<i32>} : memref<32x128xf32, #tpu.memory_space<vmem>>, vector<16xf32>,
      %add3A_869 = vector.broadcast %add3A_865 : i32 to vector<16xi32>
      %add3A_870 = arith.addi %mul3A_387, %add3A_869 : vector<16xi32>
      %gather3A_871 = tpu.vector_load_idx %arg10[%add3A_870] : memref<4096xf32, #tpu.memory_space<vmem>>[vector<16xi32>], vector<16xf32>,
      %sub3A_872 = arith.subf %get3A_868, %gather3A_871 : vector<16xf32>
      %abs3A_873 = math.absf %sub3A_872 : vector<16xf32>
      %add3A_874 = arith.addf %add3A_834, %abs3A_873 : vector<16xf32>
      %get3A_875 = arith.index_cast %scan3A_818 : i32 to index
      %get3A_876 = arith.constant 80 : index
      %get3A_877 = tpu.vector_load %arg11[%get3A_875, %get3A_876] {strides = array<i32>} : memref<32x128xf32, #tpu.memory_space<vmem>>, vector<16xf32>,
      %add3A_878 = vector.broadcast %add3A_865 : i32 to vector<16xi32>
      %add3A_879 = arith.addi %mul3A_393, %add3A_878 : vector<16xi32>
      %gather3A_880 = tpu.vector_load_idx %arg10[%add3A_879] : memref<4096xf32, #tpu.memory_space<vmem>>[vector<16xi32>], vector<16xf32>,
      %sub3A_881 = arith.subf %get3A_877, %gather3A_880 : vector<16xf32>
      %abs3A_882 = math.absf %sub3A_881 : vector<16xf32>
      %add3A_883 = arith.addf %add3A_843, %abs3A_882 : vector<16xf32>
      %get3A_884 = arith.index_cast %scan3A_818 : i32 to index
      %get3A_885 = arith.constant 96 : index
      %get3A_886 = tpu.vector_load %arg11[%get3A_884, %get3A_885] {strides = array<i32>} : memref<32x128xf32, #tpu.memory_space<vmem>>, vector<16xf32>,
      %add3A_887 = vector.broadcast %add3A_865 : i32 to vector<16xi32>
      %add3A_888 = arith.addi %mul3A_399, %add3A_887 : vector<16xi32>
      %gather3A_889 = tpu.vector_load_idx %arg10[%add3A_888] : memref<4096xf32, #tpu.memory_space<vmem>>[vector<16xi32>], vector<16xf32>,
      %sub3A_890 = arith.subf %get3A_886, %gather3A_889 : vector<16xf32>
      %abs3A_891 = math.absf %sub3A_890 : vector<16xf32>
      %add3A_892 = arith.addf %add3A_852, %abs3A_891 : vector<16xf32>
      %get3A_893 = arith.index_cast %scan3A_818 : i32 to index
      %get3A_894 = arith.constant 112 : index
      %get3A_895 = tpu.vector_load %arg11[%get3A_893, %get3A_894] {strides = array<i32>} : memref<32x128xf32, #tpu.memory_space<vmem>>, vector<16xf32>,
      %add3A_896 = vector.broadcast %add3A_865 : i32 to vector<16xi32>
      %add3A_897 = arith.addi %mul3A_405, %add3A_896 : vector<16xi32>
      %gather3A_898 = tpu.vector_load_idx %arg10[%add3A_897] : memref<4096xf32, #tpu.memory_space<vmem>>[vector<16xi32>], vector<16xf32>,
      %sub3A_899 = arith.subf %get3A_895, %gather3A_898 : vector<16xf32>
      %abs3A_900 = math.absf %sub3A_899 : vector<16xf32>
      %add3A_901 = arith.addf %add3A_861, %abs3A_900 : vector<16xf32>
      %scan3A_902 = arith.constant 1 : i32
      %scan3A_903 = arith.addi %scan3A_818, %scan3A_902 : i32
      %mul3A_904 = arith.constant 2 : i32
      %mul3A_905 = arith.muli %mul3A_904, %scan3A_903 : i32
      %add3A_906 = arith.constant 0 : i32
      %add3A_907 = arith.addi %mul3A_905, %add3A_906 : i32
      %get3A_908 = arith.index_cast %scan3A_903 : i32 to index
      %get3A_909 = arith.constant 0 : index
      %get3A_910 = tpu.vector_load %arg11[%get3A_908, %get3A_909] {strides = array<i32>} : memref<32x128xf32, #tpu.memory_space<vmem>>, vector<16xf32>,
      %add3A_911 = vector.broadcast %add3A_907 : i32 to vector<16xi32>
      %add3A_912 = arith.addi %mul3A_387, %add3A_911 : vector<16xi32>
      %gather3A_913 = tpu.vector_load_idx %arg10[%add3A_912] : memref<4096xf32, #tpu.memory_space<vmem>>[vector<16xi32>], vector<16xf32>,
      %sub3A_914 = arith.subf %get3A_910, %gather3A_913 : vector<16xf32>
      %abs3A_915 = math.absf %sub3A_914 : vector<16xf32>
      %add3A_916 = arith.addf %add3A_874, %abs3A_915 : vector<16xf32>
      %get3A_917 = arith.index_cast %scan3A_903 : i32 to index
      %get3A_918 = arith.constant 16 : index
      %get3A_919 = tpu.vector_load %arg11[%get3A_917, %get3A_918] {strides = array<i32>} : memref<32x128xf32, #tpu.memory_space<vmem>>, vector<16xf32>,
      %add3A_920 = vector.broadcast %add3A_907 : i32 to vector<16xi32>
      %add3A_921 = arith.addi %mul3A_393, %add3A_920 : vector<16xi32>
      %gather3A_922 = tpu.vector_load_idx %arg10[%add3A_921] : memref<4096xf32, #tpu.memory_space<vmem>>[vector<16xi32>], vector<16xf32>,
      %sub3A_923 = arith.subf %get3A_919, %gather3A_922 : vector<16xf32>
      %abs3A_924 = math.absf %sub3A_923 : vector<16xf32>
      %add3A_925 = arith.addf %add3A_883, %abs3A_924 : vector<16xf32>
      %get3A_926 = arith.index_cast %scan3A_903 : i32 to index
      %get3A_927 = arith.constant 32 : index
      %get3A_928 = tpu.vector_load %arg11[%get3A_926, %get3A_927] {strides = array<i32>} : memref<32x128xf32, #tpu.memory_space<vmem>>, vector<16xf32>,
      %add3A_929 = vector.broadcast %add3A_907 : i32 to vector<16xi32>
      %add3A_930 = arith.addi %mul3A_399, %add3A_929 : vector<16xi32>
      %gather3A_931 = tpu.vector_load_idx %arg10[%add3A_930] : memref<4096xf32, #tpu.memory_space<vmem>>[vector<16xi32>], vector<16xf32>,
      %sub3A_932 = arith.subf %get3A_928, %gather3A_931 : vector<16xf32>
      %abs3A_933 = math.absf %sub3A_932 : vector<16xf32>
      %add3A_934 = arith.addf %add3A_892, %abs3A_933 : vector<16xf32>
      %get3A_935 = arith.index_cast %scan3A_903 : i32 to index
      %get3A_936 = arith.constant 48 : index
      %get3A_937 = tpu.vector_load %arg11[%get3A_935, %get3A_936] {strides = array<i32>} : memref<32x128xf32, #tpu.memory_space<vmem>>, vector<16xf32>,
      %add3A_938 = vector.broadcast %add3A_907 : i32 to vector<16xi32>
      %add3A_939 = arith.addi %mul3A_405, %add3A_938 : vector<16xi32>
      %gather3A_940 = tpu.vector_load_idx %arg10[%add3A_939] : memref<4096xf32, #tpu.memory_space<vmem>>[vector<16xi32>], vector<16xf32>,
      %sub3A_941 = arith.subf %get3A_937, %gather3A_940 : vector<16xf32>
      %abs3A_942 = math.absf %sub3A_941 : vector<16xf32>
      %add3A_943 = arith.addf %add3A_901, %abs3A_942 : vector<16xf32>
      %mul3A_944 = arith.constant 2 : i32
      %mul3A_945 = arith.muli %mul3A_944, %scan3A_903 : i32
      %add3A_946 = arith.constant 1 : i32
      %add3A_947 = arith.addi %mul3A_945, %add3A_946 : i32
      %get3A_948 = arith.index_cast %scan3A_903 : i32 to index
      %get3A_949 = arith.constant 64 : index
      %get3A_950 = tpu.vector_load %arg11[%get3A_948, %get3A_949] {strides = array<i32>} : memref<32x128xf32, #tpu.memory_space<vmem>>, vector<16xf32>,
      %add3A_951 = vector.broadcast %add3A_947 : i32 to vector<16xi32>
      %add3A_952 = arith.addi %mul3A_387, %add3A_951 : vector<16xi32>
      %gather3A_953 = tpu.vector_load_idx %arg10[%add3A_952] : memref<4096xf32, #tpu.memory_space<vmem>>[vector<16xi32>], vector<16xf32>,
      %sub3A_954 = arith.subf %get3A_950, %gather3A_953 : vector<16xf32>
      %abs3A_955 = math.absf %sub3A_954 : vector<16xf32>
      %add3A_956 = arith.addf %add3A_916, %abs3A_955 : vector<16xf32>
      %get3A_957 = arith.index_cast %scan3A_903 : i32 to index
      %get3A_958 = arith.constant 80 : index
      %get3A_959 = tpu.vector_load %arg11[%get3A_957, %get3A_958] {strides = array<i32>} : memref<32x128xf32, #tpu.memory_space<vmem>>, vector<16xf32>,
      %add3A_960 = vector.broadcast %add3A_947 : i32 to vector<16xi32>
      %add3A_961 = arith.addi %mul3A_393, %add3A_960 : vector<16xi32>
      %gather3A_962 = tpu.vector_load_idx %arg10[%add3A_961] : memref<4096xf32, #tpu.memory_space<vmem>>[vector<16xi32>], vector<16xf32>,
      %sub3A_963 = arith.subf %get3A_959, %gather3A_962 : vector<16xf32>
      %abs3A_964 = math.absf %sub3A_963 : vector<16xf32>
      %add3A_965 = arith.addf %add3A_925, %abs3A_964 : vector<16xf32>
      %get3A_966 = arith.index_cast %scan3A_903 : i32 to index
      %get3A_967 = arith.constant 96 : index
      %get3A_968 = tpu.vector_load %arg11[%get3A_966, %get3A_967] {strides = array<i32>} : memref<32x128xf32, #tpu.memory_space<vmem>>, vector<16xf32>,
      %add3A_969 = vector.broadcast %add3A_947 : i32 to vector<16xi32>
      %add3A_970 = arith.addi %mul3A_399, %add3A_969 : vector<16xi32>
      %gather3A_971 = tpu.vector_load_idx %arg10[%add3A_970] : memref<4096xf32, #tpu.memory_space<vmem>>[vector<16xi32>], vector<16xf32>,
      %sub3A_972 = arith.subf %get3A_968, %gather3A_971 : vector<16xf32>
      %abs3A_973 = math.absf %sub3A_972 : vector<16xf32>
      %add3A_974 = arith.addf %add3A_934, %abs3A_973 : vector<16xf32>
      %get3A_975 = arith.index_cast %scan3A_903 : i32 to index
      %get3A_976 = arith.constant 112 : index
      %get3A_977 = tpu.vector_load %arg11[%get3A_975, %get3A_976] {strides = array<i32>} : memref<32x128xf32, #tpu.memory_space<vmem>>, vector<16xf32>,
      %add3A_978 = vector.broadcast %add3A_947 : i32 to vector<16xi32>
      %add3A_979 = arith.addi %mul3A_405, %add3A_978 : vector<16xi32>
      %gather3A_980 = tpu.vector_load_idx %arg10[%add3A_979] : memref<4096xf32, #tpu.memory_space<vmem>>[vector<16xi32>], vector<16xf32>,
      %sub3A_981 = arith.subf %get3A_977, %gather3A_980 : vector<16xf32>
      %abs3A_982 = math.absf %sub3A_981 : vector<16xf32>
      %add3A_983 = arith.addf %add3A_943, %abs3A_982 : vector<16xf32>
      scf.yield %add3A_956, %add3A_965, %add3A_974, %add3A_983 : vector<16xf32>, vector<16xf32>, vector<16xf32>, vector<16xf32>
    }
    %scan3A_492 = arith.constant 8 : i32
    %dma_wait3A_493 = arith.constant 8 : i32
    %dma_wait3A_494 = arith.constant 8 : i32
    %dma_wait3A_495 = arith.constant 0 : i32
    %dma_wait3A_496 = tpu.memref_slice %arg11[%dma_wait3A_494, %dma_wait3A_495] : memref<32x128xf32, #tpu.memory_space<vmem>> -> memref<1x128xf32, #tpu.memory_space<vmem>>
    %dma_wait3A_497 = tpu.memref_squeeze %dma_wait3A_496 : memref<1x128xf32, #tpu.memory_space<vmem>> -> memref<128xf32, #tpu.memory_space<vmem>>
    %dma_wait3A_498 = arith.constant 0 : i32
    %dma_wait3A_499 = tpu.memref_slice %arg9[%dma_wait3A_493, %dma_wait3A_498] : memref<32x128xi32, #tpu.memory_space<vmem>> -> memref<1x128xi32, #tpu.memory_space<vmem>>
    %dma_wait3A_500 = tpu.memref_squeeze %dma_wait3A_499 : memref<1x128xi32, #tpu.memory_space<vmem>> -> memref<128xi32, #tpu.memory_space<vmem>>
    %dma_wait3A_501 = arith.constant 0 : i32
    %dma_wait3A_502 = tpu.memref_slice %arg2[%dma_wait3A_501] : memref<16777216xf32, #tpu.memory_space<hbm>> -> memref<16777216xf32, #tpu.memory_space<hbm>>
    tpu.wait_indirect_dma semaphore(%arg14 : memref<!tpu.dma_semaphore, #tpu.memory_space<semaphore_mem>>) src(%dma_wait3A_502 : memref<16777216xf32, #tpu.memory_space<hbm>>) dst(%dma_wait3A_497 : memref<128xf32, #tpu.memory_space<vmem>>)
    %dma_wait3A_503 = arith.constant 9 : i32
    %dma_wait3A_504 = arith.constant 9 : i32
    %dma_wait3A_505 = arith.constant 0 : i32
    %dma_wait3A_506 = tpu.memref_slice %arg11[%dma_wait3A_504, %dma_wait3A_505] : memref<32x128xf32, #tpu.memory_space<vmem>> -> memref<1x128xf32, #tpu.memory_space<vmem>>
    %dma_wait3A_507 = tpu.memref_squeeze %dma_wait3A_506 : memref<1x128xf32, #tpu.memory_space<vmem>> -> memref<128xf32, #tpu.memory_space<vmem>>
    %dma_wait3A_508 = arith.constant 0 : i32
    %dma_wait3A_509 = tpu.memref_slice %arg9[%dma_wait3A_503, %dma_wait3A_508] : memref<32x128xi32, #tpu.memory_space<vmem>> -> memref<1x128xi32, #tpu.memory_space<vmem>>
    %dma_wait3A_510 = tpu.memref_squeeze %dma_wait3A_509 : memref<1x128xi32, #tpu.memory_space<vmem>> -> memref<128xi32, #tpu.memory_space<vmem>>
    %dma_wait3A_511 = arith.constant 0 : i32
    %dma_wait3A_512 = tpu.memref_slice %arg2[%dma_wait3A_511] : memref<16777216xf32, #tpu.memory_space<hbm>> -> memref<16777216xf32, #tpu.memory_space<hbm>>
    tpu.wait_indirect_dma semaphore(%arg14 : memref<!tpu.dma_semaphore, #tpu.memory_space<semaphore_mem>>) src(%dma_wait3A_512 : memref<16777216xf32, #tpu.memory_space<hbm>>) dst(%dma_wait3A_507 : memref<128xf32, #tpu.memory_space<vmem>>)
    %dma_wait3A_513 = arith.constant 10 : i32
    %dma_wait3A_514 = arith.constant 10 : i32
    %dma_wait3A_515 = arith.constant 0 : i32
    %dma_wait3A_516 = tpu.memref_slice %arg11[%dma_wait3A_514, %dma_wait3A_515] : memref<32x128xf32, #tpu.memory_space<vmem>> -> memref<1x128xf32, #tpu.memory_space<vmem>>
    %dma_wait3A_517 = tpu.memref_squeeze %dma_wait3A_516 : memref<1x128xf32, #tpu.memory_space<vmem>> -> memref<128xf32, #tpu.memory_space<vmem>>
    %dma_wait3A_518 = arith.constant 0 : i32
    %dma_wait3A_519 = tpu.memref_slice %arg9[%dma_wait3A_513, %dma_wait3A_518] : memref<32x128xi32, #tpu.memory_space<vmem>> -> memref<1x128xi32, #tpu.memory_space<vmem>>
    %dma_wait3A_520 = tpu.memref_squeeze %dma_wait3A_519 : memref<1x128xi32, #tpu.memory_space<vmem>> -> memref<128xi32, #tpu.memory_space<vmem>>
    %dma_wait3A_521 = arith.constant 0 : i32
    %dma_wait3A_522 = tpu.memref_slice %arg2[%dma_wait3A_521] : memref<16777216xf32, #tpu.memory_space<hbm>> -> memref<16777216xf32, #tpu.memory_space<hbm>>
    tpu.wait_indirect_dma semaphore(%arg14 : memref<!tpu.dma_semaphore, #tpu.memory_space<semaphore_mem>>) src(%dma_wait3A_522 : memref<16777216xf32, #tpu.memory_space<hbm>>) dst(%dma_wait3A_517 : memref<128xf32, #tpu.memory_space<vmem>>)
    %dma_wait3A_523 = arith.constant 11 : i32
    %dma_wait3A_524 = arith.constant 11 : i32
    %dma_wait3A_525 = arith.constant 0 : i32
    %dma_wait3A_526 = tpu.memref_slice %arg11[%dma_wait3A_524, %dma_wait3A_525] : memref<32x128xf32, #tpu.memory_space<vmem>> -> memref<1x128xf32, #tpu.memory_space<vmem>>
    %dma_wait3A_527 = tpu.memref_squeeze %dma_wait3A_526 : memref<1x128xf32, #tpu.memory_space<vmem>> -> memref<128xf32, #tpu.memory_space<vmem>>
    %dma_wait3A_528 = arith.constant 0 : i32
    %dma_wait3A_529 = tpu.memref_slice %arg9[%dma_wait3A_523, %dma_wait3A_528] : memref<32x128xi32, #tpu.memory_space<vmem>> -> memref<1x128xi32, #tpu.memory_space<vmem>>
    %dma_wait3A_530 = tpu.memref_squeeze %dma_wait3A_529 : memref<1x128xi32, #tpu.memory_space<vmem>> -> memref<128xi32, #tpu.memory_space<vmem>>
    %dma_wait3A_531 = arith.constant 0 : i32
    %dma_wait3A_532 = tpu.memref_slice %arg2[%dma_wait3A_531] : memref<16777216xf32, #tpu.memory_space<hbm>> -> memref<16777216xf32, #tpu.memory_space<hbm>>
    tpu.wait_indirect_dma semaphore(%arg14 : memref<!tpu.dma_semaphore, #tpu.memory_space<semaphore_mem>>) src(%dma_wait3A_532 : memref<16777216xf32, #tpu.memory_space<hbm>>) dst(%dma_wait3A_527 : memref<128xf32, #tpu.memory_space<vmem>>)
    %dma_wait3A_533 = arith.constant 12 : i32
    %dma_wait3A_534 = arith.constant 12 : i32
    %dma_wait3A_535 = arith.constant 0 : i32
    %dma_wait3A_536 = tpu.memref_slice %arg11[%dma_wait3A_534, %dma_wait3A_535] : memref<32x128xf32, #tpu.memory_space<vmem>> -> memref<1x128xf32, #tpu.memory_space<vmem>>
    %dma_wait3A_537 = tpu.memref_squeeze %dma_wait3A_536 : memref<1x128xf32, #tpu.memory_space<vmem>> -> memref<128xf32, #tpu.memory_space<vmem>>
    %dma_wait3A_538 = arith.constant 0 : i32
    %dma_wait3A_539 = tpu.memref_slice %arg9[%dma_wait3A_533, %dma_wait3A_538] : memref<32x128xi32, #tpu.memory_space<vmem>> -> memref<1x128xi32, #tpu.memory_space<vmem>>
    %dma_wait3A_540 = tpu.memref_squeeze %dma_wait3A_539 : memref<1x128xi32, #tpu.memory_space<vmem>> -> memref<128xi32, #tpu.memory_space<vmem>>
    %dma_wait3A_541 = arith.constant 0 : i32
    %dma_wait3A_542 = tpu.memref_slice %arg2[%dma_wait3A_541] : memref<16777216xf32, #tpu.memory_space<hbm>> -> memref<16777216xf32, #tpu.memory_space<hbm>>
    tpu.wait_indirect_dma semaphore(%arg14 : memref<!tpu.dma_semaphore, #tpu.memory_space<semaphore_mem>>) src(%dma_wait3A_542 : memref<16777216xf32, #tpu.memory_space<hbm>>) dst(%dma_wait3A_537 : memref<128xf32, #tpu.memory_space<vmem>>)
    %dma_wait3A_543 = arith.constant 13 : i32
    %dma_wait3A_544 = arith.constant 13 : i32
    %dma_wait3A_545 = arith.constant 0 : i32
    %dma_wait3A_546 = tpu.memref_slice %arg11[%dma_wait3A_544, %dma_wait3A_545] : memref<32x128xf32, #tpu.memory_space<vmem>> -> memref<1x128xf32, #tpu.memory_space<vmem>>
    %dma_wait3A_547 = tpu.memref_squeeze %dma_wait3A_546 : memref<1x128xf32, #tpu.memory_space<vmem>> -> memref<128xf32, #tpu.memory_space<vmem>>
    %dma_wait3A_548 = arith.constant 0 : i32
    %dma_wait3A_549 = tpu.memref_slice %arg9[%dma_wait3A_543, %dma_wait3A_548] : memref<32x128xi32, #tpu.memory_space<vmem>> -> memref<1x128xi32, #tpu.memory_space<vmem>>
    %dma_wait3A_550 = tpu.memref_squeeze %dma_wait3A_549 : memref<1x128xi32, #tpu.memory_space<vmem>> -> memref<128xi32, #tpu.memory_space<vmem>>
    %dma_wait3A_551 = arith.constant 0 : i32
    %dma_wait3A_552 = tpu.memref_slice %arg2[%dma_wait3A_551] : memref<16777216xf32, #tpu.memory_space<hbm>> -> memref<16777216xf32, #tpu.memory_space<hbm>>
    tpu.wait_indirect_dma semaphore(%arg14 : memref<!tpu.dma_semaphore, #tpu.memory_space<semaphore_mem>>) src(%dma_wait3A_552 : memref<16777216xf32, #tpu.memory_space<hbm>>) dst(%dma_wait3A_547 : memref<128xf32, #tpu.memory_space<vmem>>)
    %dma_wait3A_553 = arith.constant 14 : i32
    %dma_wait3A_554 = arith.constant 14 : i32
    %dma_wait3A_555 = arith.constant 0 : i32
    %dma_wait3A_556 = tpu.memref_slice %arg11[%dma_wait3A_554, %dma_wait3A_555] : memref<32x128xf32, #tpu.memory_space<vmem>> -> memref<1x128xf32, #tpu.memory_space<vmem>>
    %dma_wait3A_557 = tpu.memref_squeeze %dma_wait3A_556 : memref<1x128xf32, #tpu.memory_space<vmem>> -> memref<128xf32, #tpu.memory_space<vmem>>
    %dma_wait3A_558 = arith.constant 0 : i32
    %dma_wait3A_559 = tpu.memref_slice %arg9[%dma_wait3A_553, %dma_wait3A_558] : memref<32x128xi32, #tpu.memory_space<vmem>> -> memref<1x128xi32, #tpu.memory_space<vmem>>
    %dma_wait3A_560 = tpu.memref_squeeze %dma_wait3A_559 : memref<1x128xi32, #tpu.memory_space<vmem>> -> memref<128xi32, #tpu.memory_space<vmem>>
    %dma_wait3A_561 = arith.constant 0 : i32
    %dma_wait3A_562 = tpu.memref_slice %arg2[%dma_wait3A_561] : memref<16777216xf32, #tpu.memory_space<hbm>> -> memref<16777216xf32, #tpu.memory_space<hbm>>
    tpu.wait_indirect_dma semaphore(%arg14 : memref<!tpu.dma_semaphore, #tpu.memory_space<semaphore_mem>>) src(%dma_wait3A_562 : memref<16777216xf32, #tpu.memory_space<hbm>>) dst(%dma_wait3A_557 : memref<128xf32, #tpu.memory_space<vmem>>)
    %dma_wait3A_563 = arith.constant 15 : i32
    %dma_wait3A_564 = arith.constant 15 : i32
    %dma_wait3A_565 = arith.constant 0 : i32
    %dma_wait3A_566 = tpu.memref_slice %arg11[%dma_wait3A_564, %dma_wait3A_565] : memref<32x128xf32, #tpu.memory_space<vmem>> -> memref<1x128xf32, #tpu.memory_space<vmem>>
    %dma_wait3A_567 = tpu.memref_squeeze %dma_wait3A_566 : memref<1x128xf32, #tpu.memory_space<vmem>> -> memref<128xf32, #tpu.memory_space<vmem>>
    %dma_wait3A_568 = arith.constant 0 : i32
    %dma_wait3A_569 = tpu.memref_slice %arg9[%dma_wait3A_563, %dma_wait3A_568] : memref<32x128xi32, #tpu.memory_space<vmem>> -> memref<1x128xi32, #tpu.memory_space<vmem>>
    %dma_wait3A_570 = tpu.memref_squeeze %dma_wait3A_569 : memref<1x128xi32, #tpu.memory_space<vmem>> -> memref<128xi32, #tpu.memory_space<vmem>>
    %dma_wait3A_571 = arith.constant 0 : i32
    %dma_wait3A_572 = tpu.memref_slice %arg2[%dma_wait3A_571] : memref<16777216xf32, #tpu.memory_space<hbm>> -> memref<16777216xf32, #tpu.memory_space<hbm>>
    tpu.wait_indirect_dma semaphore(%arg14 : memref<!tpu.dma_semaphore, #tpu.memory_space<semaphore_mem>>) src(%dma_wait3A_572 : memref<16777216xf32, #tpu.memory_space<hbm>>) dst(%dma_wait3A_567 : memref<128xf32, #tpu.memory_space<vmem>>)
    %scan3A_573 = arith.constant 8 : i32
    %scan3A_574 = arith.constant 8 : i32
    %scan3A_575 = arith.addi %scan3A_573, %scan3A_574 : i32
    %scan3A_576 = arith.constant 2 : i32
    %scan3A_577:4 = scf.for %scan3A_818 = %scan3A_573 to %scan3A_575 step %scan3A_576 iter_args(%scan3A_819 = %scan3A_491#0, %scan3A_820 = %scan3A_491#1, %scan3A_821 = %scan3A_491#2, %scan3A_822 = %scan3A_491#3) -> (vector<16xf32>, vector<16xf32>, vector<16xf32>, vector<16xf32>)  : i32 {
      %mul3A_823 = arith.constant 2 : i32
      %mul3A_824 = arith.muli %mul3A_823, %scan3A_818 : i32
      %add3A_825 = arith.constant 0 : i32
      %add3A_826 = arith.addi %mul3A_824, %add3A_825 : i32
      %get3A_827 = arith.index_cast %scan3A_818 : i32 to index
      %get3A_828 = arith.constant 0 : index
      %get3A_829 = tpu.vector_load %arg11[%get3A_827, %get3A_828] {strides = array<i32>} : memref<32x128xf32, #tpu.memory_space<vmem>>, vector<16xf32>,
      %add3A_830 = vector.broadcast %add3A_826 : i32 to vector<16xi32>
      %add3A_831 = arith.addi %mul3A_387, %add3A_830 : vector<16xi32>
      %gather3A = tpu.vector_load_idx %arg10[%add3A_831] : memref<4096xf32, #tpu.memory_space<vmem>>[vector<16xi32>], vector<16xf32>,
      %sub3A_832 = arith.subf %get3A_829, %gather3A : vector<16xf32>
      %abs3A_833 = math.absf %sub3A_832 : vector<16xf32>
      %add3A_834 = arith.addf %scan3A_819, %abs3A_833 : vector<16xf32>
      %get3A_835 = arith.index_cast %scan3A_818 : i32 to index
      %get3A_836 = arith.constant 16 : index
      %get3A_837 = tpu.vector_load %arg11[%get3A_835, %get3A_836] {strides = array<i32>} : memref<32x128xf32, #tpu.memory_space<vmem>>, vector<16xf32>,
      %add3A_838 = vector.broadcast %add3A_826 : i32 to vector<16xi32>
      %add3A_839 = arith.addi %mul3A_393, %add3A_838 : vector<16xi32>
      %gather3A_840 = tpu.vector_load_idx %arg10[%add3A_839] : memref<4096xf32, #tpu.memory_space<vmem>>[vector<16xi32>], vector<16xf32>,
      %sub3A_841 = arith.subf %get3A_837, %gather3A_840 : vector<16xf32>
      %abs3A_842 = math.absf %sub3A_841 : vector<16xf32>
      %add3A_843 = arith.addf %scan3A_820, %abs3A_842 : vector<16xf32>
      %get3A_844 = arith.index_cast %scan3A_818 : i32 to index
      %get3A_845 = arith.constant 32 : index
      %get3A_846 = tpu.vector_load %arg11[%get3A_844, %get3A_845] {strides = array<i32>} : memref<32x128xf32, #tpu.memory_space<vmem>>, vector<16xf32>,
      %add3A_847 = vector.broadcast %add3A_826 : i32 to vector<16xi32>
      %add3A_848 = arith.addi %mul3A_399, %add3A_847 : vector<16xi32>
      %gather3A_849 = tpu.vector_load_idx %arg10[%add3A_848] : memref<4096xf32, #tpu.memory_space<vmem>>[vector<16xi32>], vector<16xf32>,
      %sub3A_850 = arith.subf %get3A_846, %gather3A_849 : vector<16xf32>
      %abs3A_851 = math.absf %sub3A_850 : vector<16xf32>
      %add3A_852 = arith.addf %scan3A_821, %abs3A_851 : vector<16xf32>
      %get3A_853 = arith.index_cast %scan3A_818 : i32 to index
      %get3A_854 = arith.constant 48 : index
      %get3A_855 = tpu.vector_load %arg11[%get3A_853, %get3A_854] {strides = array<i32>} : memref<32x128xf32, #tpu.memory_space<vmem>>, vector<16xf32>,
      %add3A_856 = vector.broadcast %add3A_826 : i32 to vector<16xi32>
      %add3A_857 = arith.addi %mul3A_405, %add3A_856 : vector<16xi32>
      %gather3A_858 = tpu.vector_load_idx %arg10[%add3A_857] : memref<4096xf32, #tpu.memory_space<vmem>>[vector<16xi32>], vector<16xf32>,
      %sub3A_859 = arith.subf %get3A_855, %gather3A_858 : vector<16xf32>
      %abs3A_860 = math.absf %sub3A_859 : vector<16xf32>
      %add3A_861 = arith.addf %scan3A_822, %abs3A_860 : vector<16xf32>
      %mul3A_862 = arith.constant 2 : i32
      %mul3A_863 = arith.muli %mul3A_862, %scan3A_818 : i32
      %add3A_864 = arith.constant 1 : i32
      %add3A_865 = arith.addi %mul3A_863, %add3A_864 : i32
      %get3A_866 = arith.index_cast %scan3A_818 : i32 to index
      %get3A_867 = arith.constant 64 : index
      %get3A_868 = tpu.vector_load %arg11[%get3A_866, %get3A_867] {strides = array<i32>} : memref<32x128xf32, #tpu.memory_space<vmem>>, vector<16xf32>,
      %add3A_869 = vector.broadcast %add3A_865 : i32 to vector<16xi32>
      %add3A_870 = arith.addi %mul3A_387, %add3A_869 : vector<16xi32>
      %gather3A_871 = tpu.vector_load_idx %arg10[%add3A_870] : memref<4096xf32, #tpu.memory_space<vmem>>[vector<16xi32>], vector<16xf32>,
      %sub3A_872 = arith.subf %get3A_868, %gather3A_871 : vector<16xf32>
      %abs3A_873 = math.absf %sub3A_872 : vector<16xf32>
      %add3A_874 = arith.addf %add3A_834, %abs3A_873 : vector<16xf32>
      %get3A_875 = arith.index_cast %scan3A_818 : i32 to index
      %get3A_876 = arith.constant 80 : index
      %get3A_877 = tpu.vector_load %arg11[%get3A_875, %get3A_876] {strides = array<i32>} : memref<32x128xf32, #tpu.memory_space<vmem>>, vector<16xf32>,
      %add3A_878 = vector.broadcast %add3A_865 : i32 to vector<16xi32>
      %add3A_879 = arith.addi %mul3A_393, %add3A_878 : vector<16xi32>
      %gather3A_880 = tpu.vector_load_idx %arg10[%add3A_879] : memref<4096xf32, #tpu.memory_space<vmem>>[vector<16xi32>], vector<16xf32>,
      %sub3A_881 = arith.subf %get3A_877, %gather3A_880 : vector<16xf32>
      %abs3A_882 = math.absf %sub3A_881 : vector<16xf32>
      %add3A_883 = arith.addf %add3A_843, %abs3A_882 : vector<16xf32>
      %get3A_884 = arith.index_cast %scan3A_818 : i32 to index
      %get3A_885 = arith.constant 96 : index
      %get3A_886 = tpu.vector_load %arg11[%get3A_884, %get3A_885] {strides = array<i32>} : memref<32x128xf32, #tpu.memory_space<vmem>>, vector<16xf32>,
      %add3A_887 = vector.broadcast %add3A_865 : i32 to vector<16xi32>
      %add3A_888 = arith.addi %mul3A_399, %add3A_887 : vector<16xi32>
      %gather3A_889 = tpu.vector_load_idx %arg10[%add3A_888] : memref<4096xf32, #tpu.memory_space<vmem>>[vector<16xi32>], vector<16xf32>,
      %sub3A_890 = arith.subf %get3A_886, %gather3A_889 : vector<16xf32>
      %abs3A_891 = math.absf %sub3A_890 : vector<16xf32>
      %add3A_892 = arith.addf %add3A_852, %abs3A_891 : vector<16xf32>
      %get3A_893 = arith.index_cast %scan3A_818 : i32 to index
      %get3A_894 = arith.constant 112 : index
      %get3A_895 = tpu.vector_load %arg11[%get3A_893, %get3A_894] {strides = array<i32>} : memref<32x128xf32, #tpu.memory_space<vmem>>, vector<16xf32>,
      %add3A_896 = vector.broadcast %add3A_865 : i32 to vector<16xi32>
      %add3A_897 = arith.addi %mul3A_405, %add3A_896 : vector<16xi32>
      %gather3A_898 = tpu.vector_load_idx %arg10[%add3A_897] : memref<4096xf32, #tpu.memory_space<vmem>>[vector<16xi32>], vector<16xf32>,
      %sub3A_899 = arith.subf %get3A_895, %gather3A_898 : vector<16xf32>
      %abs3A_900 = math.absf %sub3A_899 : vector<16xf32>
      %add3A_901 = arith.addf %add3A_861, %abs3A_900 : vector<16xf32>
      %scan3A_902 = arith.constant 1 : i32
      %scan3A_903 = arith.addi %scan3A_818, %scan3A_902 : i32
      %mul3A_904 = arith.constant 2 : i32
      %mul3A_905 = arith.muli %mul3A_904, %scan3A_903 : i32
      %add3A_906 = arith.constant 0 : i32
      %add3A_907 = arith.addi %mul3A_905, %add3A_906 : i32
      %get3A_908 = arith.index_cast %scan3A_903 : i32 to index
      %get3A_909 = arith.constant 0 : index
      %get3A_910 = tpu.vector_load %arg11[%get3A_908, %get3A_909] {strides = array<i32>} : memref<32x128xf32, #tpu.memory_space<vmem>>, vector<16xf32>,
      %add3A_911 = vector.broadcast %add3A_907 : i32 to vector<16xi32>
      %add3A_912 = arith.addi %mul3A_387, %add3A_911 : vector<16xi32>
      %gather3A_913 = tpu.vector_load_idx %arg10[%add3A_912] : memref<4096xf32, #tpu.memory_space<vmem>>[vector<16xi32>], vector<16xf32>,
      %sub3A_914 = arith.subf %get3A_910, %gather3A_913 : vector<16xf32>
      %abs3A_915 = math.absf %sub3A_914 : vector<16xf32>
      %add3A_916 = arith.addf %add3A_874, %abs3A_915 : vector<16xf32>
      %get3A_917 = arith.index_cast %scan3A_903 : i32 to index
      %get3A_918 = arith.constant 16 : index
      %get3A_919 = tpu.vector_load %arg11[%get3A_917, %get3A_918] {strides = array<i32>} : memref<32x128xf32, #tpu.memory_space<vmem>>, vector<16xf32>,
      %add3A_920 = vector.broadcast %add3A_907 : i32 to vector<16xi32>
      %add3A_921 = arith.addi %mul3A_393, %add3A_920 : vector<16xi32>
      %gather3A_922 = tpu.vector_load_idx %arg10[%add3A_921] : memref<4096xf32, #tpu.memory_space<vmem>>[vector<16xi32>], vector<16xf32>,
      %sub3A_923 = arith.subf %get3A_919, %gather3A_922 : vector<16xf32>
      %abs3A_924 = math.absf %sub3A_923 : vector<16xf32>
      %add3A_925 = arith.addf %add3A_883, %abs3A_924 : vector<16xf32>
      %get3A_926 = arith.index_cast %scan3A_903 : i32 to index
      %get3A_927 = arith.constant 32 : index
      %get3A_928 = tpu.vector_load %arg11[%get3A_926, %get3A_927] {strides = array<i32>} : memref<32x128xf32, #tpu.memory_space<vmem>>, vector<16xf32>,
      %add3A_929 = vector.broadcast %add3A_907 : i32 to vector<16xi32>
      %add3A_930 = arith.addi %mul3A_399, %add3A_929 : vector<16xi32>
      %gather3A_931 = tpu.vector_load_idx %arg10[%add3A_930] : memref<4096xf32, #tpu.memory_space<vmem>>[vector<16xi32>], vector<16xf32>,
      %sub3A_932 = arith.subf %get3A_928, %gather3A_931 : vector<16xf32>
      %abs3A_933 = math.absf %sub3A_932 : vector<16xf32>
      %add3A_934 = arith.addf %add3A_892, %abs3A_933 : vector<16xf32>
      %get3A_935 = arith.index_cast %scan3A_903 : i32 to index
      %get3A_936 = arith.constant 48 : index
      %get3A_937 = tpu.vector_load %arg11[%get3A_935, %get3A_936] {strides = array<i32>} : memref<32x128xf32, #tpu.memory_space<vmem>>, vector<16xf32>,
      %add3A_938 = vector.broadcast %add3A_907 : i32 to vector<16xi32>
      %add3A_939 = arith.addi %mul3A_405, %add3A_938 : vector<16xi32>
      %gather3A_940 = tpu.vector_load_idx %arg10[%add3A_939] : memref<4096xf32, #tpu.memory_space<vmem>>[vector<16xi32>], vector<16xf32>,
      %sub3A_941 = arith.subf %get3A_937, %gather3A_940 : vector<16xf32>
      %abs3A_942 = math.absf %sub3A_941 : vector<16xf32>
      %add3A_943 = arith.addf %add3A_901, %abs3A_942 : vector<16xf32>
      %mul3A_944 = arith.constant 2 : i32
      %mul3A_945 = arith.muli %mul3A_944, %scan3A_903 : i32
      %add3A_946 = arith.constant 1 : i32
      %add3A_947 = arith.addi %mul3A_945, %add3A_946 : i32
      %get3A_948 = arith.index_cast %scan3A_903 : i32 to index
      %get3A_949 = arith.constant 64 : index
      %get3A_950 = tpu.vector_load %arg11[%get3A_948, %get3A_949] {strides = array<i32>} : memref<32x128xf32, #tpu.memory_space<vmem>>, vector<16xf32>,
      %add3A_951 = vector.broadcast %add3A_947 : i32 to vector<16xi32>
      %add3A_952 = arith.addi %mul3A_387, %add3A_951 : vector<16xi32>
      %gather3A_953 = tpu.vector_load_idx %arg10[%add3A_952] : memref<4096xf32, #tpu.memory_space<vmem>>[vector<16xi32>], vector<16xf32>,
      %sub3A_954 = arith.subf %get3A_950, %gather3A_953 : vector<16xf32>
      %abs3A_955 = math.absf %sub3A_954 : vector<16xf32>
      %add3A_956 = arith.addf %add3A_916, %abs3A_955 : vector<16xf32>
      %get3A_957 = arith.index_cast %scan3A_903 : i32 to index
      %get3A_958 = arith.constant 80 : index
      %get3A_959 = tpu.vector_load %arg11[%get3A_957, %get3A_958] {strides = array<i32>} : memref<32x128xf32, #tpu.memory_space<vmem>>, vector<16xf32>,
      %add3A_960 = vector.broadcast %add3A_947 : i32 to vector<16xi32>
      %add3A_961 = arith.addi %mul3A_393, %add3A_960 : vector<16xi32>
      %gather3A_962 = tpu.vector_load_idx %arg10[%add3A_961] : memref<4096xf32, #tpu.memory_space<vmem>>[vector<16xi32>], vector<16xf32>,
      %sub3A_963 = arith.subf %get3A_959, %gather3A_962 : vector<16xf32>
      %abs3A_964 = math.absf %sub3A_963 : vector<16xf32>
      %add3A_965 = arith.addf %add3A_925, %abs3A_964 : vector<16xf32>
      %get3A_966 = arith.index_cast %scan3A_903 : i32 to index
      %get3A_967 = arith.constant 96 : index
      %get3A_968 = tpu.vector_load %arg11[%get3A_966, %get3A_967] {strides = array<i32>} : memref<32x128xf32, #tpu.memory_space<vmem>>, vector<16xf32>,
      %add3A_969 = vector.broadcast %add3A_947 : i32 to vector<16xi32>
      %add3A_970 = arith.addi %mul3A_399, %add3A_969 : vector<16xi32>
      %gather3A_971 = tpu.vector_load_idx %arg10[%add3A_970] : memref<4096xf32, #tpu.memory_space<vmem>>[vector<16xi32>], vector<16xf32>,
      %sub3A_972 = arith.subf %get3A_968, %gather3A_971 : vector<16xf32>
      %abs3A_973 = math.absf %sub3A_972 : vector<16xf32>
      %add3A_974 = arith.addf %add3A_934, %abs3A_973 : vector<16xf32>
      %get3A_975 = arith.index_cast %scan3A_903 : i32 to index
      %get3A_976 = arith.constant 112 : index
      %get3A_977 = tpu.vector_load %arg11[%get3A_975, %get3A_976] {strides = array<i32>} : memref<32x128xf32, #tpu.memory_space<vmem>>, vector<16xf32>,
      %add3A_978 = vector.broadcast %add3A_947 : i32 to vector<16xi32>
      %add3A_979 = arith.addi %mul3A_405, %add3A_978 : vector<16xi32>
      %gather3A_980 = tpu.vector_load_idx %arg10[%add3A_979] : memref<4096xf32, #tpu.memory_space<vmem>>[vector<16xi32>], vector<16xf32>,
      %sub3A_981 = arith.subf %get3A_977, %gather3A_980 : vector<16xf32>
      %abs3A_982 = math.absf %sub3A_981 : vector<16xf32>
      %add3A_983 = arith.addf %add3A_943, %abs3A_982 : vector<16xf32>
      scf.yield %add3A_956, %add3A_965, %add3A_974, %add3A_983 : vector<16xf32>, vector<16xf32>, vector<16xf32>, vector<16xf32>
    }
    %scan3A_578 = arith.constant 8 : i32
    %dma_wait3A_579 = arith.constant 16 : i32
    %dma_wait3A_580 = arith.constant 16 : i32
    %dma_wait3A_581 = arith.constant 0 : i32
    %dma_wait3A_582 = tpu.memref_slice %arg11[%dma_wait3A_580, %dma_wait3A_581] : memref<32x128xf32, #tpu.memory_space<vmem>> -> memref<1x128xf32, #tpu.memory_space<vmem>>
    %dma_wait3A_583 = tpu.memref_squeeze %dma_wait3A_582 : memref<1x128xf32, #tpu.memory_space<vmem>> -> memref<128xf32, #tpu.memory_space<vmem>>
    %dma_wait3A_584 = arith.constant 0 : i32
    %dma_wait3A_585 = tpu.memref_slice %arg9[%dma_wait3A_579, %dma_wait3A_584] : memref<32x128xi32, #tpu.memory_space<vmem>> -> memref<1x128xi32, #tpu.memory_space<vmem>>
    %dma_wait3A_586 = tpu.memref_squeeze %dma_wait3A_585 : memref<1x128xi32, #tpu.memory_space<vmem>> -> memref<128xi32, #tpu.memory_space<vmem>>
    %dma_wait3A_587 = arith.constant 0 : i32
    %dma_wait3A_588 = tpu.memref_slice %arg2[%dma_wait3A_587] : memref<16777216xf32, #tpu.memory_space<hbm>> -> memref<16777216xf32, #tpu.memory_space<hbm>>
    tpu.wait_indirect_dma semaphore(%arg15 : memref<!tpu.dma_semaphore, #tpu.memory_space<semaphore_mem>>) src(%dma_wait3A_588 : memref<16777216xf32, #tpu.memory_space<hbm>>) dst(%dma_wait3A_583 : memref<128xf32, #tpu.memory_space<vmem>>)
    %dma_wait3A_589 = arith.constant 17 : i32
    %dma_wait3A_590 = arith.constant 17 : i32
    %dma_wait3A_591 = arith.constant 0 : i32
    %dma_wait3A_592 = tpu.memref_slice %arg11[%dma_wait3A_590, %dma_wait3A_591] : memref<32x128xf32, #tpu.memory_space<vmem>> -> memref<1x128xf32, #tpu.memory_space<vmem>>
    %dma_wait3A_593 = tpu.memref_squeeze %dma_wait3A_592 : memref<1x128xf32, #tpu.memory_space<vmem>> -> memref<128xf32, #tpu.memory_space<vmem>>
    %dma_wait3A_594 = arith.constant 0 : i32
    %dma_wait3A_595 = tpu.memref_slice %arg9[%dma_wait3A_589, %dma_wait3A_594] : memref<32x128xi32, #tpu.memory_space<vmem>> -> memref<1x128xi32, #tpu.memory_space<vmem>>
    %dma_wait3A_596 = tpu.memref_squeeze %dma_wait3A_595 : memref<1x128xi32, #tpu.memory_space<vmem>> -> memref<128xi32, #tpu.memory_space<vmem>>
    %dma_wait3A_597 = arith.constant 0 : i32
    %dma_wait3A_598 = tpu.memref_slice %arg2[%dma_wait3A_597] : memref<16777216xf32, #tpu.memory_space<hbm>> -> memref<16777216xf32, #tpu.memory_space<hbm>>
    tpu.wait_indirect_dma semaphore(%arg15 : memref<!tpu.dma_semaphore, #tpu.memory_space<semaphore_mem>>) src(%dma_wait3A_598 : memref<16777216xf32, #tpu.memory_space<hbm>>) dst(%dma_wait3A_593 : memref<128xf32, #tpu.memory_space<vmem>>)
    %dma_wait3A_599 = arith.constant 18 : i32
    %dma_wait3A_600 = arith.constant 18 : i32
    %dma_wait3A_601 = arith.constant 0 : i32
    %dma_wait3A_602 = tpu.memref_slice %arg11[%dma_wait3A_600, %dma_wait3A_601] : memref<32x128xf32, #tpu.memory_space<vmem>> -> memref<1x128xf32, #tpu.memory_space<vmem>>
    %dma_wait3A_603 = tpu.memref_squeeze %dma_wait3A_602 : memref<1x128xf32, #tpu.memory_space<vmem>> -> memref<128xf32, #tpu.memory_space<vmem>>
    %dma_wait3A_604 = arith.constant 0 : i32
    %dma_wait3A_605 = tpu.memref_slice %arg9[%dma_wait3A_599, %dma_wait3A_604] : memref<32x128xi32, #tpu.memory_space<vmem>> -> memref<1x128xi32, #tpu.memory_space<vmem>>
    %dma_wait3A_606 = tpu.memref_squeeze %dma_wait3A_605 : memref<1x128xi32, #tpu.memory_space<vmem>> -> memref<128xi32, #tpu.memory_space<vmem>>
    %dma_wait3A_607 = arith.constant 0 : i32
    %dma_wait3A_608 = tpu.memref_slice %arg2[%dma_wait3A_607] : memref<16777216xf32, #tpu.memory_space<hbm>> -> memref<16777216xf32, #tpu.memory_space<hbm>>
    tpu.wait_indirect_dma semaphore(%arg15 : memref<!tpu.dma_semaphore, #tpu.memory_space<semaphore_mem>>) src(%dma_wait3A_608 : memref<16777216xf32, #tpu.memory_space<hbm>>) dst(%dma_wait3A_603 : memref<128xf32, #tpu.memory_space<vmem>>)
    %dma_wait3A_609 = arith.constant 19 : i32
    %dma_wait3A_610 = arith.constant 19 : i32
    %dma_wait3A_611 = arith.constant 0 : i32
    %dma_wait3A_612 = tpu.memref_slice %arg11[%dma_wait3A_610, %dma_wait3A_611] : memref<32x128xf32, #tpu.memory_space<vmem>> -> memref<1x128xf32, #tpu.memory_space<vmem>>
    %dma_wait3A_613 = tpu.memref_squeeze %dma_wait3A_612 : memref<1x128xf32, #tpu.memory_space<vmem>> -> memref<128xf32, #tpu.memory_space<vmem>>
    %dma_wait3A_614 = arith.constant 0 : i32
    %dma_wait3A_615 = tpu.memref_slice %arg9[%dma_wait3A_609, %dma_wait3A_614] : memref<32x128xi32, #tpu.memory_space<vmem>> -> memref<1x128xi32, #tpu.memory_space<vmem>>
    %dma_wait3A_616 = tpu.memref_squeeze %dma_wait3A_615 : memref<1x128xi32, #tpu.memory_space<vmem>> -> memref<128xi32, #tpu.memory_space<vmem>>
    %dma_wait3A_617 = arith.constant 0 : i32
    %dma_wait3A_618 = tpu.memref_slice %arg2[%dma_wait3A_617] : memref<16777216xf32, #tpu.memory_space<hbm>> -> memref<16777216xf32, #tpu.memory_space<hbm>>
    tpu.wait_indirect_dma semaphore(%arg15 : memref<!tpu.dma_semaphore, #tpu.memory_space<semaphore_mem>>) src(%dma_wait3A_618 : memref<16777216xf32, #tpu.memory_space<hbm>>) dst(%dma_wait3A_613 : memref<128xf32, #tpu.memory_space<vmem>>)
    %dma_wait3A_619 = arith.constant 20 : i32
    %dma_wait3A_620 = arith.constant 20 : i32
    %dma_wait3A_621 = arith.constant 0 : i32
    %dma_wait3A_622 = tpu.memref_slice %arg11[%dma_wait3A_620, %dma_wait3A_621] : memref<32x128xf32, #tpu.memory_space<vmem>> -> memref<1x128xf32, #tpu.memory_space<vmem>>
    %dma_wait3A_623 = tpu.memref_squeeze %dma_wait3A_622 : memref<1x128xf32, #tpu.memory_space<vmem>> -> memref<128xf32, #tpu.memory_space<vmem>>
    %dma_wait3A_624 = arith.constant 0 : i32
    %dma_wait3A_625 = tpu.memref_slice %arg9[%dma_wait3A_619, %dma_wait3A_624] : memref<32x128xi32, #tpu.memory_space<vmem>> -> memref<1x128xi32, #tpu.memory_space<vmem>>
    %dma_wait3A_626 = tpu.memref_squeeze %dma_wait3A_625 : memref<1x128xi32, #tpu.memory_space<vmem>> -> memref<128xi32, #tpu.memory_space<vmem>>
    %dma_wait3A_627 = arith.constant 0 : i32
    %dma_wait3A_628 = tpu.memref_slice %arg2[%dma_wait3A_627] : memref<16777216xf32, #tpu.memory_space<hbm>> -> memref<16777216xf32, #tpu.memory_space<hbm>>
    tpu.wait_indirect_dma semaphore(%arg15 : memref<!tpu.dma_semaphore, #tpu.memory_space<semaphore_mem>>) src(%dma_wait3A_628 : memref<16777216xf32, #tpu.memory_space<hbm>>) dst(%dma_wait3A_623 : memref<128xf32, #tpu.memory_space<vmem>>)
    %dma_wait3A_629 = arith.constant 21 : i32
    %dma_wait3A_630 = arith.constant 21 : i32
    %dma_wait3A_631 = arith.constant 0 : i32
    %dma_wait3A_632 = tpu.memref_slice %arg11[%dma_wait3A_630, %dma_wait3A_631] : memref<32x128xf32, #tpu.memory_space<vmem>> -> memref<1x128xf32, #tpu.memory_space<vmem>>
    %dma_wait3A_633 = tpu.memref_squeeze %dma_wait3A_632 : memref<1x128xf32, #tpu.memory_space<vmem>> -> memref<128xf32, #tpu.memory_space<vmem>>
    %dma_wait3A_634 = arith.constant 0 : i32
    %dma_wait3A_635 = tpu.memref_slice %arg9[%dma_wait3A_629, %dma_wait3A_634] : memref<32x128xi32, #tpu.memory_space<vmem>> -> memref<1x128xi32, #tpu.memory_space<vmem>>
    %dma_wait3A_636 = tpu.memref_squeeze %dma_wait3A_635 : memref<1x128xi32, #tpu.memory_space<vmem>> -> memref<128xi32, #tpu.memory_space<vmem>>
    %dma_wait3A_637 = arith.constant 0 : i32
    %dma_wait3A_638 = tpu.memref_slice %arg2[%dma_wait3A_637] : memref<16777216xf32, #tpu.memory_space<hbm>> -> memref<16777216xf32, #tpu.memory_space<hbm>>
    tpu.wait_indirect_dma semaphore(%arg15 : memref<!tpu.dma_semaphore, #tpu.memory_space<semaphore_mem>>) src(%dma_wait3A_638 : memref<16777216xf32, #tpu.memory_space<hbm>>) dst(%dma_wait3A_633 : memref<128xf32, #tpu.memory_space<vmem>>)
    %dma_wait3A_639 = arith.constant 22 : i32
    %dma_wait3A_640 = arith.constant 22 : i32
    %dma_wait3A_641 = arith.constant 0 : i32
    %dma_wait3A_642 = tpu.memref_slice %arg11[%dma_wait3A_640, %dma_wait3A_641] : memref<32x128xf32, #tpu.memory_space<vmem>> -> memref<1x128xf32, #tpu.memory_space<vmem>>
    %dma_wait3A_643 = tpu.memref_squeeze %dma_wait3A_642 : memref<1x128xf32, #tpu.memory_space<vmem>> -> memref<128xf32, #tpu.memory_space<vmem>>
    %dma_wait3A_644 = arith.constant 0 : i32
    %dma_wait3A_645 = tpu.memref_slice %arg9[%dma_wait3A_639, %dma_wait3A_644] : memref<32x128xi32, #tpu.memory_space<vmem>> -> memref<1x128xi32, #tpu.memory_space<vmem>>
    %dma_wait3A_646 = tpu.memref_squeeze %dma_wait3A_645 : memref<1x128xi32, #tpu.memory_space<vmem>> -> memref<128xi32, #tpu.memory_space<vmem>>
    %dma_wait3A_647 = arith.constant 0 : i32
    %dma_wait3A_648 = tpu.memref_slice %arg2[%dma_wait3A_647] : memref<16777216xf32, #tpu.memory_space<hbm>> -> memref<16777216xf32, #tpu.memory_space<hbm>>
    tpu.wait_indirect_dma semaphore(%arg15 : memref<!tpu.dma_semaphore, #tpu.memory_space<semaphore_mem>>) src(%dma_wait3A_648 : memref<16777216xf32, #tpu.memory_space<hbm>>) dst(%dma_wait3A_643 : memref<128xf32, #tpu.memory_space<vmem>>)
    %dma_wait3A_649 = arith.constant 23 : i32
    %dma_wait3A_650 = arith.constant 23 : i32
    %dma_wait3A_651 = arith.constant 0 : i32
    %dma_wait3A_652 = tpu.memref_slice %arg11[%dma_wait3A_650, %dma_wait3A_651] : memref<32x128xf32, #tpu.memory_space<vmem>> -> memref<1x128xf32, #tpu.memory_space<vmem>>
    %dma_wait3A_653 = tpu.memref_squeeze %dma_wait3A_652 : memref<1x128xf32, #tpu.memory_space<vmem>> -> memref<128xf32, #tpu.memory_space<vmem>>
    %dma_wait3A_654 = arith.constant 0 : i32
    %dma_wait3A_655 = tpu.memref_slice %arg9[%dma_wait3A_649, %dma_wait3A_654] : memref<32x128xi32, #tpu.memory_space<vmem>> -> memref<1x128xi32, #tpu.memory_space<vmem>>
    %dma_wait3A_656 = tpu.memref_squeeze %dma_wait3A_655 : memref<1x128xi32, #tpu.memory_space<vmem>> -> memref<128xi32, #tpu.memory_space<vmem>>
    %dma_wait3A_657 = arith.constant 0 : i32
    %dma_wait3A_658 = tpu.memref_slice %arg2[%dma_wait3A_657] : memref<16777216xf32, #tpu.memory_space<hbm>> -> memref<16777216xf32, #tpu.memory_space<hbm>>
    tpu.wait_indirect_dma semaphore(%arg15 : memref<!tpu.dma_semaphore, #tpu.memory_space<semaphore_mem>>) src(%dma_wait3A_658 : memref<16777216xf32, #tpu.memory_space<hbm>>) dst(%dma_wait3A_653 : memref<128xf32, #tpu.memory_space<vmem>>)
    %scan3A_659 = arith.constant 16 : i32
    %scan3A_660 = arith.constant 8 : i32
    %scan3A_661 = arith.addi %scan3A_659, %scan3A_660 : i32
    %scan3A_662 = arith.constant 2 : i32
    %scan3A_663:4 = scf.for %scan3A_818 = %scan3A_659 to %scan3A_661 step %scan3A_662 iter_args(%scan3A_819 = %scan3A_577#0, %scan3A_820 = %scan3A_577#1, %scan3A_821 = %scan3A_577#2, %scan3A_822 = %scan3A_577#3) -> (vector<16xf32>, vector<16xf32>, vector<16xf32>, vector<16xf32>)  : i32 {
      %mul3A_823 = arith.constant 2 : i32
      %mul3A_824 = arith.muli %mul3A_823, %scan3A_818 : i32
      %add3A_825 = arith.constant 0 : i32
      %add3A_826 = arith.addi %mul3A_824, %add3A_825 : i32
      %get3A_827 = arith.index_cast %scan3A_818 : i32 to index
      %get3A_828 = arith.constant 0 : index
      %get3A_829 = tpu.vector_load %arg11[%get3A_827, %get3A_828] {strides = array<i32>} : memref<32x128xf32, #tpu.memory_space<vmem>>, vector<16xf32>,
      %add3A_830 = vector.broadcast %add3A_826 : i32 to vector<16xi32>
      %add3A_831 = arith.addi %mul3A_387, %add3A_830 : vector<16xi32>
      %gather3A = tpu.vector_load_idx %arg10[%add3A_831] : memref<4096xf32, #tpu.memory_space<vmem>>[vector<16xi32>], vector<16xf32>,
      %sub3A_832 = arith.subf %get3A_829, %gather3A : vector<16xf32>
      %abs3A_833 = math.absf %sub3A_832 : vector<16xf32>
      %add3A_834 = arith.addf %scan3A_819, %abs3A_833 : vector<16xf32>
      %get3A_835 = arith.index_cast %scan3A_818 : i32 to index
      %get3A_836 = arith.constant 16 : index
      %get3A_837 = tpu.vector_load %arg11[%get3A_835, %get3A_836] {strides = array<i32>} : memref<32x128xf32, #tpu.memory_space<vmem>>, vector<16xf32>,
      %add3A_838 = vector.broadcast %add3A_826 : i32 to vector<16xi32>
      %add3A_839 = arith.addi %mul3A_393, %add3A_838 : vector<16xi32>
      %gather3A_840 = tpu.vector_load_idx %arg10[%add3A_839] : memref<4096xf32, #tpu.memory_space<vmem>>[vector<16xi32>], vector<16xf32>,
      %sub3A_841 = arith.subf %get3A_837, %gather3A_840 : vector<16xf32>
      %abs3A_842 = math.absf %sub3A_841 : vector<16xf32>
      %add3A_843 = arith.addf %scan3A_820, %abs3A_842 : vector<16xf32>
      %get3A_844 = arith.index_cast %scan3A_818 : i32 to index
      %get3A_845 = arith.constant 32 : index
      %get3A_846 = tpu.vector_load %arg11[%get3A_844, %get3A_845] {strides = array<i32>} : memref<32x128xf32, #tpu.memory_space<vmem>>, vector<16xf32>,
      %add3A_847 = vector.broadcast %add3A_826 : i32 to vector<16xi32>
      %add3A_848 = arith.addi %mul3A_399, %add3A_847 : vector<16xi32>
      %gather3A_849 = tpu.vector_load_idx %arg10[%add3A_848] : memref<4096xf32, #tpu.memory_space<vmem>>[vector<16xi32>], vector<16xf32>,
      %sub3A_850 = arith.subf %get3A_846, %gather3A_849 : vector<16xf32>
      %abs3A_851 = math.absf %sub3A_850 : vector<16xf32>
      %add3A_852 = arith.addf %scan3A_821, %abs3A_851 : vector<16xf32>
      %get3A_853 = arith.index_cast %scan3A_818 : i32 to index
      %get3A_854 = arith.constant 48 : index
      %get3A_855 = tpu.vector_load %arg11[%get3A_853, %get3A_854] {strides = array<i32>} : memref<32x128xf32, #tpu.memory_space<vmem>>, vector<16xf32>,
      %add3A_856 = vector.broadcast %add3A_826 : i32 to vector<16xi32>
      %add3A_857 = arith.addi %mul3A_405, %add3A_856 : vector<16xi32>
      %gather3A_858 = tpu.vector_load_idx %arg10[%add3A_857] : memref<4096xf32, #tpu.memory_space<vmem>>[vector<16xi32>], vector<16xf32>,
      %sub3A_859 = arith.subf %get3A_855, %gather3A_858 : vector<16xf32>
      %abs3A_860 = math.absf %sub3A_859 : vector<16xf32>
      %add3A_861 = arith.addf %scan3A_822, %abs3A_860 : vector<16xf32>
      %mul3A_862 = arith.constant 2 : i32
      %mul3A_863 = arith.muli %mul3A_862, %scan3A_818 : i32
      %add3A_864 = arith.constant 1 : i32
      %add3A_865 = arith.addi %mul3A_863, %add3A_864 : i32
      %get3A_866 = arith.index_cast %scan3A_818 : i32 to index
      %get3A_867 = arith.constant 64 : index
      %get3A_868 = tpu.vector_load %arg11[%get3A_866, %get3A_867] {strides = array<i32>} : memref<32x128xf32, #tpu.memory_space<vmem>>, vector<16xf32>,
      %add3A_869 = vector.broadcast %add3A_865 : i32 to vector<16xi32>
      %add3A_870 = arith.addi %mul3A_387, %add3A_869 : vector<16xi32>
      %gather3A_871 = tpu.vector_load_idx %arg10[%add3A_870] : memref<4096xf32, #tpu.memory_space<vmem>>[vector<16xi32>], vector<16xf32>,
      %sub3A_872 = arith.subf %get3A_868, %gather3A_871 : vector<16xf32>
      %abs3A_873 = math.absf %sub3A_872 : vector<16xf32>
      %add3A_874 = arith.addf %add3A_834, %abs3A_873 : vector<16xf32>
      %get3A_875 = arith.index_cast %scan3A_818 : i32 to index
      %get3A_876 = arith.constant 80 : index
      %get3A_877 = tpu.vector_load %arg11[%get3A_875, %get3A_876] {strides = array<i32>} : memref<32x128xf32, #tpu.memory_space<vmem>>, vector<16xf32>,
      %add3A_878 = vector.broadcast %add3A_865 : i32 to vector<16xi32>
      %add3A_879 = arith.addi %mul3A_393, %add3A_878 : vector<16xi32>
      %gather3A_880 = tpu.vector_load_idx %arg10[%add3A_879] : memref<4096xf32, #tpu.memory_space<vmem>>[vector<16xi32>], vector<16xf32>,
      %sub3A_881 = arith.subf %get3A_877, %gather3A_880 : vector<16xf32>
      %abs3A_882 = math.absf %sub3A_881 : vector<16xf32>
      %add3A_883 = arith.addf %add3A_843, %abs3A_882 : vector<16xf32>
      %get3A_884 = arith.index_cast %scan3A_818 : i32 to index
      %get3A_885 = arith.constant 96 : index
      %get3A_886 = tpu.vector_load %arg11[%get3A_884, %get3A_885] {strides = array<i32>} : memref<32x128xf32, #tpu.memory_space<vmem>>, vector<16xf32>,
      %add3A_887 = vector.broadcast %add3A_865 : i32 to vector<16xi32>
      %add3A_888 = arith.addi %mul3A_399, %add3A_887 : vector<16xi32>
      %gather3A_889 = tpu.vector_load_idx %arg10[%add3A_888] : memref<4096xf32, #tpu.memory_space<vmem>>[vector<16xi32>], vector<16xf32>,
      %sub3A_890 = arith.subf %get3A_886, %gather3A_889 : vector<16xf32>
      %abs3A_891 = math.absf %sub3A_890 : vector<16xf32>
      %add3A_892 = arith.addf %add3A_852, %abs3A_891 : vector<16xf32>
      %get3A_893 = arith.index_cast %scan3A_818 : i32 to index
      %get3A_894 = arith.constant 112 : index
      %get3A_895 = tpu.vector_load %arg11[%get3A_893, %get3A_894] {strides = array<i32>} : memref<32x128xf32, #tpu.memory_space<vmem>>, vector<16xf32>,
      %add3A_896 = vector.broadcast %add3A_865 : i32 to vector<16xi32>
      %add3A_897 = arith.addi %mul3A_405, %add3A_896 : vector<16xi32>
      %gather3A_898 = tpu.vector_load_idx %arg10[%add3A_897] : memref<4096xf32, #tpu.memory_space<vmem>>[vector<16xi32>], vector<16xf32>,
      %sub3A_899 = arith.subf %get3A_895, %gather3A_898 : vector<16xf32>
      %abs3A_900 = math.absf %sub3A_899 : vector<16xf32>
      %add3A_901 = arith.addf %add3A_861, %abs3A_900 : vector<16xf32>
      %scan3A_902 = arith.constant 1 : i32
      %scan3A_903 = arith.addi %scan3A_818, %scan3A_902 : i32
      %mul3A_904 = arith.constant 2 : i32
      %mul3A_905 = arith.muli %mul3A_904, %scan3A_903 : i32
      %add3A_906 = arith.constant 0 : i32
      %add3A_907 = arith.addi %mul3A_905, %add3A_906 : i32
      %get3A_908 = arith.index_cast %scan3A_903 : i32 to index
      %get3A_909 = arith.constant 0 : index
      %get3A_910 = tpu.vector_load %arg11[%get3A_908, %get3A_909] {strides = array<i32>} : memref<32x128xf32, #tpu.memory_space<vmem>>, vector<16xf32>,
      %add3A_911 = vector.broadcast %add3A_907 : i32 to vector<16xi32>
      %add3A_912 = arith.addi %mul3A_387, %add3A_911 : vector<16xi32>
      %gather3A_913 = tpu.vector_load_idx %arg10[%add3A_912] : memref<4096xf32, #tpu.memory_space<vmem>>[vector<16xi32>], vector<16xf32>,
      %sub3A_914 = arith.subf %get3A_910, %gather3A_913 : vector<16xf32>
      %abs3A_915 = math.absf %sub3A_914 : vector<16xf32>
      %add3A_916 = arith.addf %add3A_874, %abs3A_915 : vector<16xf32>
      %get3A_917 = arith.index_cast %scan3A_903 : i32 to index
      %get3A_918 = arith.constant 16 : index
      %get3A_919 = tpu.vector_load %arg11[%get3A_917, %get3A_918] {strides = array<i32>} : memref<32x128xf32, #tpu.memory_space<vmem>>, vector<16xf32>,
      %add3A_920 = vector.broadcast %add3A_907 : i32 to vector<16xi32>
      %add3A_921 = arith.addi %mul3A_393, %add3A_920 : vector<16xi32>
      %gather3A_922 = tpu.vector_load_idx %arg10[%add3A_921] : memref<4096xf32, #tpu.memory_space<vmem>>[vector<16xi32>], vector<16xf32>,
      %sub3A_923 = arith.subf %get3A_919, %gather3A_922 : vector<16xf32>
      %abs3A_924 = math.absf %sub3A_923 : vector<16xf32>
      %add3A_925 = arith.addf %add3A_883, %abs3A_924 : vector<16xf32>
      %get3A_926 = arith.index_cast %scan3A_903 : i32 to index
      %get3A_927 = arith.constant 32 : index
      %get3A_928 = tpu.vector_load %arg11[%get3A_926, %get3A_927] {strides = array<i32>} : memref<32x128xf32, #tpu.memory_space<vmem>>, vector<16xf32>,
      %add3A_929 = vector.broadcast %add3A_907 : i32 to vector<16xi32>
      %add3A_930 = arith.addi %mul3A_399, %add3A_929 : vector<16xi32>
      %gather3A_931 = tpu.vector_load_idx %arg10[%add3A_930] : memref<4096xf32, #tpu.memory_space<vmem>>[vector<16xi32>], vector<16xf32>,
      %sub3A_932 = arith.subf %get3A_928, %gather3A_931 : vector<16xf32>
      %abs3A_933 = math.absf %sub3A_932 : vector<16xf32>
      %add3A_934 = arith.addf %add3A_892, %abs3A_933 : vector<16xf32>
      %get3A_935 = arith.index_cast %scan3A_903 : i32 to index
      %get3A_936 = arith.constant 48 : index
      %get3A_937 = tpu.vector_load %arg11[%get3A_935, %get3A_936] {strides = array<i32>} : memref<32x128xf32, #tpu.memory_space<vmem>>, vector<16xf32>,
      %add3A_938 = vector.broadcast %add3A_907 : i32 to vector<16xi32>
      %add3A_939 = arith.addi %mul3A_405, %add3A_938 : vector<16xi32>
      %gather3A_940 = tpu.vector_load_idx %arg10[%add3A_939] : memref<4096xf32, #tpu.memory_space<vmem>>[vector<16xi32>], vector<16xf32>,
      %sub3A_941 = arith.subf %get3A_937, %gather3A_940 : vector<16xf32>
      %abs3A_942 = math.absf %sub3A_941 : vector<16xf32>
      %add3A_943 = arith.addf %add3A_901, %abs3A_942 : vector<16xf32>
      %mul3A_944 = arith.constant 2 : i32
      %mul3A_945 = arith.muli %mul3A_944, %scan3A_903 : i32
      %add3A_946 = arith.constant 1 : i32
      %add3A_947 = arith.addi %mul3A_945, %add3A_946 : i32
      %get3A_948 = arith.index_cast %scan3A_903 : i32 to index
      %get3A_949 = arith.constant 64 : index
      %get3A_950 = tpu.vector_load %arg11[%get3A_948, %get3A_949] {strides = array<i32>} : memref<32x128xf32, #tpu.memory_space<vmem>>, vector<16xf32>,
      %add3A_951 = vector.broadcast %add3A_947 : i32 to vector<16xi32>
      %add3A_952 = arith.addi %mul3A_387, %add3A_951 : vector<16xi32>
      %gather3A_953 = tpu.vector_load_idx %arg10[%add3A_952] : memref<4096xf32, #tpu.memory_space<vmem>>[vector<16xi32>], vector<16xf32>,
      %sub3A_954 = arith.subf %get3A_950, %gather3A_953 : vector<16xf32>
      %abs3A_955 = math.absf %sub3A_954 : vector<16xf32>
      %add3A_956 = arith.addf %add3A_916, %abs3A_955 : vector<16xf32>
      %get3A_957 = arith.index_cast %scan3A_903 : i32 to index
      %get3A_958 = arith.constant 80 : index
      %get3A_959 = tpu.vector_load %arg11[%get3A_957, %get3A_958] {strides = array<i32>} : memref<32x128xf32, #tpu.memory_space<vmem>>, vector<16xf32>,
      %add3A_960 = vector.broadcast %add3A_947 : i32 to vector<16xi32>
      %add3A_961 = arith.addi %mul3A_393, %add3A_960 : vector<16xi32>
      %gather3A_962 = tpu.vector_load_idx %arg10[%add3A_961] : memref<4096xf32, #tpu.memory_space<vmem>>[vector<16xi32>], vector<16xf32>,
      %sub3A_963 = arith.subf %get3A_959, %gather3A_962 : vector<16xf32>
      %abs3A_964 = math.absf %sub3A_963 : vector<16xf32>
      %add3A_965 = arith.addf %add3A_925, %abs3A_964 : vector<16xf32>
      %get3A_966 = arith.index_cast %scan3A_903 : i32 to index
      %get3A_967 = arith.constant 96 : index
      %get3A_968 = tpu.vector_load %arg11[%get3A_966, %get3A_967] {strides = array<i32>} : memref<32x128xf32, #tpu.memory_space<vmem>>, vector<16xf32>,
      %add3A_969 = vector.broadcast %add3A_947 : i32 to vector<16xi32>
      %add3A_970 = arith.addi %mul3A_399, %add3A_969 : vector<16xi32>
      %gather3A_971 = tpu.vector_load_idx %arg10[%add3A_970] : memref<4096xf32, #tpu.memory_space<vmem>>[vector<16xi32>], vector<16xf32>,
      %sub3A_972 = arith.subf %get3A_968, %gather3A_971 : vector<16xf32>
      %abs3A_973 = math.absf %sub3A_972 : vector<16xf32>
      %add3A_974 = arith.addf %add3A_934, %abs3A_973 : vector<16xf32>
      %get3A_975 = arith.index_cast %scan3A_903 : i32 to index
      %get3A_976 = arith.constant 112 : index
      %get3A_977 = tpu.vector_load %arg11[%get3A_975, %get3A_976] {strides = array<i32>} : memref<32x128xf32, #tpu.memory_space<vmem>>, vector<16xf32>,
      %add3A_978 = vector.broadcast %add3A_947 : i32 to vector<16xi32>
      %add3A_979 = arith.addi %mul3A_405, %add3A_978 : vector<16xi32>
      %gather3A_980 = tpu.vector_load_idx %arg10[%add3A_979] : memref<4096xf32, #tpu.memory_space<vmem>>[vector<16xi32>], vector<16xf32>,
      %sub3A_981 = arith.subf %get3A_977, %gather3A_980 : vector<16xf32>
      %abs3A_982 = math.absf %sub3A_981 : vector<16xf32>
      %add3A_983 = arith.addf %add3A_943, %abs3A_982 : vector<16xf32>
      scf.yield %add3A_956, %add3A_965, %add3A_974, %add3A_983 : vector<16xf32>, vector<16xf32>, vector<16xf32>, vector<16xf32>
    }
    %scan3A_664 = arith.constant 8 : i32
    %dma_wait3A_665 = arith.constant 24 : i32
    %dma_wait3A_666 = arith.constant 24 : i32
    %dma_wait3A_667 = arith.constant 0 : i32
    %dma_wait3A_668 = tpu.memref_slice %arg11[%dma_wait3A_666, %dma_wait3A_667] : memref<32x128xf32, #tpu.memory_space<vmem>> -> memref<1x128xf32, #tpu.memory_space<vmem>>
    %dma_wait3A_669 = tpu.memref_squeeze %dma_wait3A_668 : memref<1x128xf32, #tpu.memory_space<vmem>> -> memref<128xf32, #tpu.memory_space<vmem>>
    %dma_wait3A_670 = arith.constant 0 : i32
    %dma_wait3A_671 = tpu.memref_slice %arg9[%dma_wait3A_665, %dma_wait3A_670] : memref<32x128xi32, #tpu.memory_space<vmem>> -> memref<1x128xi32, #tpu.memory_space<vmem>>
    %dma_wait3A_672 = tpu.memref_squeeze %dma_wait3A_671 : memref<1x128xi32, #tpu.memory_space<vmem>> -> memref<128xi32, #tpu.memory_space<vmem>>
    %dma_wait3A_673 = arith.constant 0 : i32
    %dma_wait3A_674 = tpu.memref_slice %arg2[%dma_wait3A_673] : memref<16777216xf32, #tpu.memory_space<hbm>> -> memref<16777216xf32, #tpu.memory_space<hbm>>
    tpu.wait_indirect_dma semaphore(%arg16 : memref<!tpu.dma_semaphore, #tpu.memory_space<semaphore_mem>>) src(%dma_wait3A_674 : memref<16777216xf32, #tpu.memory_space<hbm>>) dst(%dma_wait3A_669 : memref<128xf32, #tpu.memory_space<vmem>>)
    %dma_wait3A_675 = arith.constant 25 : i32
    %dma_wait3A_676 = arith.constant 25 : i32
    %dma_wait3A_677 = arith.constant 0 : i32
    %dma_wait3A_678 = tpu.memref_slice %arg11[%dma_wait3A_676, %dma_wait3A_677] : memref<32x128xf32, #tpu.memory_space<vmem>> -> memref<1x128xf32, #tpu.memory_space<vmem>>
    %dma_wait3A_679 = tpu.memref_squeeze %dma_wait3A_678 : memref<1x128xf32, #tpu.memory_space<vmem>> -> memref<128xf32, #tpu.memory_space<vmem>>
    %dma_wait3A_680 = arith.constant 0 : i32
    %dma_wait3A_681 = tpu.memref_slice %arg9[%dma_wait3A_675, %dma_wait3A_680] : memref<32x128xi32, #tpu.memory_space<vmem>> -> memref<1x128xi32, #tpu.memory_space<vmem>>
    %dma_wait3A_682 = tpu.memref_squeeze %dma_wait3A_681 : memref<1x128xi32, #tpu.memory_space<vmem>> -> memref<128xi32, #tpu.memory_space<vmem>>
    %dma_wait3A_683 = arith.constant 0 : i32
    %dma_wait3A_684 = tpu.memref_slice %arg2[%dma_wait3A_683] : memref<16777216xf32, #tpu.memory_space<hbm>> -> memref<16777216xf32, #tpu.memory_space<hbm>>
    tpu.wait_indirect_dma semaphore(%arg16 : memref<!tpu.dma_semaphore, #tpu.memory_space<semaphore_mem>>) src(%dma_wait3A_684 : memref<16777216xf32, #tpu.memory_space<hbm>>) dst(%dma_wait3A_679 : memref<128xf32, #tpu.memory_space<vmem>>)
    %dma_wait3A_685 = arith.constant 26 : i32
    %dma_wait3A_686 = arith.constant 26 : i32
    %dma_wait3A_687 = arith.constant 0 : i32
    %dma_wait3A_688 = tpu.memref_slice %arg11[%dma_wait3A_686, %dma_wait3A_687] : memref<32x128xf32, #tpu.memory_space<vmem>> -> memref<1x128xf32, #tpu.memory_space<vmem>>
    %dma_wait3A_689 = tpu.memref_squeeze %dma_wait3A_688 : memref<1x128xf32, #tpu.memory_space<vmem>> -> memref<128xf32, #tpu.memory_space<vmem>>
    %dma_wait3A_690 = arith.constant 0 : i32
    %dma_wait3A_691 = tpu.memref_slice %arg9[%dma_wait3A_685, %dma_wait3A_690] : memref<32x128xi32, #tpu.memory_space<vmem>> -> memref<1x128xi32, #tpu.memory_space<vmem>>
    %dma_wait3A_692 = tpu.memref_squeeze %dma_wait3A_691 : memref<1x128xi32, #tpu.memory_space<vmem>> -> memref<128xi32, #tpu.memory_space<vmem>>
    %dma_wait3A_693 = arith.constant 0 : i32
    %dma_wait3A_694 = tpu.memref_slice %arg2[%dma_wait3A_693] : memref<16777216xf32, #tpu.memory_space<hbm>> -> memref<16777216xf32, #tpu.memory_space<hbm>>
    tpu.wait_indirect_dma semaphore(%arg16 : memref<!tpu.dma_semaphore, #tpu.memory_space<semaphore_mem>>) src(%dma_wait3A_694 : memref<16777216xf32, #tpu.memory_space<hbm>>) dst(%dma_wait3A_689 : memref<128xf32, #tpu.memory_space<vmem>>)
    %dma_wait3A_695 = arith.constant 27 : i32
    %dma_wait3A_696 = arith.constant 27 : i32
    %dma_wait3A_697 = arith.constant 0 : i32
    %dma_wait3A_698 = tpu.memref_slice %arg11[%dma_wait3A_696, %dma_wait3A_697] : memref<32x128xf32, #tpu.memory_space<vmem>> -> memref<1x128xf32, #tpu.memory_space<vmem>>
    %dma_wait3A_699 = tpu.memref_squeeze %dma_wait3A_698 : memref<1x128xf32, #tpu.memory_space<vmem>> -> memref<128xf32, #tpu.memory_space<vmem>>
    %dma_wait3A_700 = arith.constant 0 : i32
    %dma_wait3A_701 = tpu.memref_slice %arg9[%dma_wait3A_695, %dma_wait3A_700] : memref<32x128xi32, #tpu.memory_space<vmem>> -> memref<1x128xi32, #tpu.memory_space<vmem>>
    %dma_wait3A_702 = tpu.memref_squeeze %dma_wait3A_701 : memref<1x128xi32, #tpu.memory_space<vmem>> -> memref<128xi32, #tpu.memory_space<vmem>>
    %dma_wait3A_703 = arith.constant 0 : i32
    %dma_wait3A_704 = tpu.memref_slice %arg2[%dma_wait3A_703] : memref<16777216xf32, #tpu.memory_space<hbm>> -> memref<16777216xf32, #tpu.memory_space<hbm>>
    tpu.wait_indirect_dma semaphore(%arg16 : memref<!tpu.dma_semaphore, #tpu.memory_space<semaphore_mem>>) src(%dma_wait3A_704 : memref<16777216xf32, #tpu.memory_space<hbm>>) dst(%dma_wait3A_699 : memref<128xf32, #tpu.memory_space<vmem>>)
    %dma_wait3A_705 = arith.constant 28 : i32
    %dma_wait3A_706 = arith.constant 28 : i32
    %dma_wait3A_707 = arith.constant 0 : i32
    %dma_wait3A_708 = tpu.memref_slice %arg11[%dma_wait3A_706, %dma_wait3A_707] : memref<32x128xf32, #tpu.memory_space<vmem>> -> memref<1x128xf32, #tpu.memory_space<vmem>>
    %dma_wait3A_709 = tpu.memref_squeeze %dma_wait3A_708 : memref<1x128xf32, #tpu.memory_space<vmem>> -> memref<128xf32, #tpu.memory_space<vmem>>
    %dma_wait3A_710 = arith.constant 0 : i32
    %dma_wait3A_711 = tpu.memref_slice %arg9[%dma_wait3A_705, %dma_wait3A_710] : memref<32x128xi32, #tpu.memory_space<vmem>> -> memref<1x128xi32, #tpu.memory_space<vmem>>
    %dma_wait3A_712 = tpu.memref_squeeze %dma_wait3A_711 : memref<1x128xi32, #tpu.memory_space<vmem>> -> memref<128xi32, #tpu.memory_space<vmem>>
    %dma_wait3A_713 = arith.constant 0 : i32
    %dma_wait3A_714 = tpu.memref_slice %arg2[%dma_wait3A_713] : memref<16777216xf32, #tpu.memory_space<hbm>> -> memref<16777216xf32, #tpu.memory_space<hbm>>
    tpu.wait_indirect_dma semaphore(%arg16 : memref<!tpu.dma_semaphore, #tpu.memory_space<semaphore_mem>>) src(%dma_wait3A_714 : memref<16777216xf32, #tpu.memory_space<hbm>>) dst(%dma_wait3A_709 : memref<128xf32, #tpu.memory_space<vmem>>)
    %dma_wait3A_715 = arith.constant 29 : i32
    %dma_wait3A_716 = arith.constant 29 : i32
    %dma_wait3A_717 = arith.constant 0 : i32
    %dma_wait3A_718 = tpu.memref_slice %arg11[%dma_wait3A_716, %dma_wait3A_717] : memref<32x128xf32, #tpu.memory_space<vmem>> -> memref<1x128xf32, #tpu.memory_space<vmem>>
    %dma_wait3A_719 = tpu.memref_squeeze %dma_wait3A_718 : memref<1x128xf32, #tpu.memory_space<vmem>> -> memref<128xf32, #tpu.memory_space<vmem>>
    %dma_wait3A_720 = arith.constant 0 : i32
    %dma_wait3A_721 = tpu.memref_slice %arg9[%dma_wait3A_715, %dma_wait3A_720] : memref<32x128xi32, #tpu.memory_space<vmem>> -> memref<1x128xi32, #tpu.memory_space<vmem>>
    %dma_wait3A_722 = tpu.memref_squeeze %dma_wait3A_721 : memref<1x128xi32, #tpu.memory_space<vmem>> -> memref<128xi32, #tpu.memory_space<vmem>>
    %dma_wait3A_723 = arith.constant 0 : i32
    %dma_wait3A_724 = tpu.memref_slice %arg2[%dma_wait3A_723] : memref<16777216xf32, #tpu.memory_space<hbm>> -> memref<16777216xf32, #tpu.memory_space<hbm>>
    tpu.wait_indirect_dma semaphore(%arg16 : memref<!tpu.dma_semaphore, #tpu.memory_space<semaphore_mem>>) src(%dma_wait3A_724 : memref<16777216xf32, #tpu.memory_space<hbm>>) dst(%dma_wait3A_719 : memref<128xf32, #tpu.memory_space<vmem>>)
    %dma_wait3A_725 = arith.constant 30 : i32
    %dma_wait3A_726 = arith.constant 30 : i32
    %dma_wait3A_727 = arith.constant 0 : i32
    %dma_wait3A_728 = tpu.memref_slice %arg11[%dma_wait3A_726, %dma_wait3A_727] : memref<32x128xf32, #tpu.memory_space<vmem>> -> memref<1x128xf32, #tpu.memory_space<vmem>>
    %dma_wait3A_729 = tpu.memref_squeeze %dma_wait3A_728 : memref<1x128xf32, #tpu.memory_space<vmem>> -> memref<128xf32, #tpu.memory_space<vmem>>
    %dma_wait3A_730 = arith.constant 0 : i32
    %dma_wait3A_731 = tpu.memref_slice %arg9[%dma_wait3A_725, %dma_wait3A_730] : memref<32x128xi32, #tpu.memory_space<vmem>> -> memref<1x128xi32, #tpu.memory_space<vmem>>
    %dma_wait3A_732 = tpu.memref_squeeze %dma_wait3A_731 : memref<1x128xi32, #tpu.memory_space<vmem>> -> memref<128xi32, #tpu.memory_space<vmem>>
    %dma_wait3A_733 = arith.constant 0 : i32
    %dma_wait3A_734 = tpu.memref_slice %arg2[%dma_wait3A_733] : memref<16777216xf32, #tpu.memory_space<hbm>> -> memref<16777216xf32, #tpu.memory_space<hbm>>
    tpu.wait_indirect_dma semaphore(%arg16 : memref<!tpu.dma_semaphore, #tpu.memory_space<semaphore_mem>>) src(%dma_wait3A_734 : memref<16777216xf32, #tpu.memory_space<hbm>>) dst(%dma_wait3A_729 : memref<128xf32, #tpu.memory_space<vmem>>)
    %dma_wait3A_735 = arith.constant 31 : i32
    %dma_wait3A_736 = arith.constant 31 : i32
    %dma_wait3A_737 = arith.constant 0 : i32
    %dma_wait3A_738 = tpu.memref_slice %arg11[%dma_wait3A_736, %dma_wait3A_737] : memref<32x128xf32, #tpu.memory_space<vmem>> -> memref<1x128xf32, #tpu.memory_space<vmem>>
    %dma_wait3A_739 = tpu.memref_squeeze %dma_wait3A_738 : memref<1x128xf32, #tpu.memory_space<vmem>> -> memref<128xf32, #tpu.memory_space<vmem>>
    %dma_wait3A_740 = arith.constant 0 : i32
    %dma_wait3A_741 = tpu.memref_slice %arg9[%dma_wait3A_735, %dma_wait3A_740] : memref<32x128xi32, #tpu.memory_space<vmem>> -> memref<1x128xi32, #tpu.memory_space<vmem>>
    %dma_wait3A_742 = tpu.memref_squeeze %dma_wait3A_741 : memref<1x128xi32, #tpu.memory_space<vmem>> -> memref<128xi32, #tpu.memory_space<vmem>>
    %dma_wait3A_743 = arith.constant 0 : i32
    %dma_wait3A_744 = tpu.memref_slice %arg2[%dma_wait3A_743] : memref<16777216xf32, #tpu.memory_space<hbm>> -> memref<16777216xf32, #tpu.memory_space<hbm>>
    tpu.wait_indirect_dma semaphore(%arg16 : memref<!tpu.dma_semaphore, #tpu.memory_space<semaphore_mem>>) src(%dma_wait3A_744 : memref<16777216xf32, #tpu.memory_space<hbm>>) dst(%dma_wait3A_739 : memref<128xf32, #tpu.memory_space<vmem>>)
    %scan3A_745 = arith.constant 24 : i32
    %scan3A_746 = arith.constant 8 : i32
    %scan3A_747 = arith.addi %scan3A_745, %scan3A_746 : i32
    %scan3A_748 = arith.constant 2 : i32
    %scan3A_749:4 = scf.for %scan3A_818 = %scan3A_745 to %scan3A_747 step %scan3A_748 iter_args(%scan3A_819 = %scan3A_663#0, %scan3A_820 = %scan3A_663#1, %scan3A_821 = %scan3A_663#2, %scan3A_822 = %scan3A_663#3) -> (vector<16xf32>, vector<16xf32>, vector<16xf32>, vector<16xf32>)  : i32 {
      %mul3A_823 = arith.constant 2 : i32
      %mul3A_824 = arith.muli %mul3A_823, %scan3A_818 : i32
      %add3A_825 = arith.constant 0 : i32
      %add3A_826 = arith.addi %mul3A_824, %add3A_825 : i32
      %get3A_827 = arith.index_cast %scan3A_818 : i32 to index
      %get3A_828 = arith.constant 0 : index
      %get3A_829 = tpu.vector_load %arg11[%get3A_827, %get3A_828] {strides = array<i32>} : memref<32x128xf32, #tpu.memory_space<vmem>>, vector<16xf32>,
      %add3A_830 = vector.broadcast %add3A_826 : i32 to vector<16xi32>
      %add3A_831 = arith.addi %mul3A_387, %add3A_830 : vector<16xi32>
      %gather3A = tpu.vector_load_idx %arg10[%add3A_831] : memref<4096xf32, #tpu.memory_space<vmem>>[vector<16xi32>], vector<16xf32>,
      %sub3A_832 = arith.subf %get3A_829, %gather3A : vector<16xf32>
      %abs3A_833 = math.absf %sub3A_832 : vector<16xf32>
      %add3A_834 = arith.addf %scan3A_819, %abs3A_833 : vector<16xf32>
      %get3A_835 = arith.index_cast %scan3A_818 : i32 to index
      %get3A_836 = arith.constant 16 : index
      %get3A_837 = tpu.vector_load %arg11[%get3A_835, %get3A_836] {strides = array<i32>} : memref<32x128xf32, #tpu.memory_space<vmem>>, vector<16xf32>,
      %add3A_838 = vector.broadcast %add3A_826 : i32 to vector<16xi32>
      %add3A_839 = arith.addi %mul3A_393, %add3A_838 : vector<16xi32>
      %gather3A_840 = tpu.vector_load_idx %arg10[%add3A_839] : memref<4096xf32, #tpu.memory_space<vmem>>[vector<16xi32>], vector<16xf32>,
      %sub3A_841 = arith.subf %get3A_837, %gather3A_840 : vector<16xf32>
      %abs3A_842 = math.absf %sub3A_841 : vector<16xf32>
      %add3A_843 = arith.addf %scan3A_820, %abs3A_842 : vector<16xf32>
      %get3A_844 = arith.index_cast %scan3A_818 : i32 to index
      %get3A_845 = arith.constant 32 : index
      %get3A_846 = tpu.vector_load %arg11[%get3A_844, %get3A_845] {strides = array<i32>} : memref<32x128xf32, #tpu.memory_space<vmem>>, vector<16xf32>,
      %add3A_847 = vector.broadcast %add3A_826 : i32 to vector<16xi32>
      %add3A_848 = arith.addi %mul3A_399, %add3A_847 : vector<16xi32>
      %gather3A_849 = tpu.vector_load_idx %arg10[%add3A_848] : memref<4096xf32, #tpu.memory_space<vmem>>[vector<16xi32>], vector<16xf32>,
      %sub3A_850 = arith.subf %get3A_846, %gather3A_849 : vector<16xf32>
      %abs3A_851 = math.absf %sub3A_850 : vector<16xf32>
      %add3A_852 = arith.addf %scan3A_821, %abs3A_851 : vector<16xf32>
      %get3A_853 = arith.index_cast %scan3A_818 : i32 to index
      %get3A_854 = arith.constant 48 : index
      %get3A_855 = tpu.vector_load %arg11[%get3A_853, %get3A_854] {strides = array<i32>} : memref<32x128xf32, #tpu.memory_space<vmem>>, vector<16xf32>,
      %add3A_856 = vector.broadcast %add3A_826 : i32 to vector<16xi32>
      %add3A_857 = arith.addi %mul3A_405, %add3A_856 : vector<16xi32>
      %gather3A_858 = tpu.vector_load_idx %arg10[%add3A_857] : memref<4096xf32, #tpu.memory_space<vmem>>[vector<16xi32>], vector<16xf32>,
      %sub3A_859 = arith.subf %get3A_855, %gather3A_858 : vector<16xf32>
      %abs3A_860 = math.absf %sub3A_859 : vector<16xf32>
      %add3A_861 = arith.addf %scan3A_822, %abs3A_860 : vector<16xf32>
      %mul3A_862 = arith.constant 2 : i32
      %mul3A_863 = arith.muli %mul3A_862, %scan3A_818 : i32
      %add3A_864 = arith.constant 1 : i32
      %add3A_865 = arith.addi %mul3A_863, %add3A_864 : i32
      %get3A_866 = arith.index_cast %scan3A_818 : i32 to index
      %get3A_867 = arith.constant 64 : index
      %get3A_868 = tpu.vector_load %arg11[%get3A_866, %get3A_867] {strides = array<i32>} : memref<32x128xf32, #tpu.memory_space<vmem>>, vector<16xf32>,
      %add3A_869 = vector.broadcast %add3A_865 : i32 to vector<16xi32>
      %add3A_870 = arith.addi %mul3A_387, %add3A_869 : vector<16xi32>
      %gather3A_871 = tpu.vector_load_idx %arg10[%add3A_870] : memref<4096xf32, #tpu.memory_space<vmem>>[vector<16xi32>], vector<16xf32>,
      %sub3A_872 = arith.subf %get3A_868, %gather3A_871 : vector<16xf32>
      %abs3A_873 = math.absf %sub3A_872 : vector<16xf32>
      %add3A_874 = arith.addf %add3A_834, %abs3A_873 : vector<16xf32>
      %get3A_875 = arith.index_cast %scan3A_818 : i32 to index
      %get3A_876 = arith.constant 80 : index
      %get3A_877 = tpu.vector_load %arg11[%get3A_875, %get3A_876] {strides = array<i32>} : memref<32x128xf32, #tpu.memory_space<vmem>>, vector<16xf32>,
      %add3A_878 = vector.broadcast %add3A_865 : i32 to vector<16xi32>
      %add3A_879 = arith.addi %mul3A_393, %add3A_878 : vector<16xi32>
      %gather3A_880 = tpu.vector_load_idx %arg10[%add3A_879] : memref<4096xf32, #tpu.memory_space<vmem>>[vector<16xi32>], vector<16xf32>,
      %sub3A_881 = arith.subf %get3A_877, %gather3A_880 : vector<16xf32>
      %abs3A_882 = math.absf %sub3A_881 : vector<16xf32>
      %add3A_883 = arith.addf %add3A_843, %abs3A_882 : vector<16xf32>
      %get3A_884 = arith.index_cast %scan3A_818 : i32 to index
      %get3A_885 = arith.constant 96 : index
      %get3A_886 = tpu.vector_load %arg11[%get3A_884, %get3A_885] {strides = array<i32>} : memref<32x128xf32, #tpu.memory_space<vmem>>, vector<16xf32>,
      %add3A_887 = vector.broadcast %add3A_865 : i32 to vector<16xi32>
      %add3A_888 = arith.addi %mul3A_399, %add3A_887 : vector<16xi32>
      %gather3A_889 = tpu.vector_load_idx %arg10[%add3A_888] : memref<4096xf32, #tpu.memory_space<vmem>>[vector<16xi32>], vector<16xf32>,
      %sub3A_890 = arith.subf %get3A_886, %gather3A_889 : vector<16xf32>
      %abs3A_891 = math.absf %sub3A_890 : vector<16xf32>
      %add3A_892 = arith.addf %add3A_852, %abs3A_891 : vector<16xf32>
      %get3A_893 = arith.index_cast %scan3A_818 : i32 to index
      %get3A_894 = arith.constant 112 : index
      %get3A_895 = tpu.vector_load %arg11[%get3A_893, %get3A_894] {strides = array<i32>} : memref<32x128xf32, #tpu.memory_space<vmem>>, vector<16xf32>,
      %add3A_896 = vector.broadcast %add3A_865 : i32 to vector<16xi32>
      %add3A_897 = arith.addi %mul3A_405, %add3A_896 : vector<16xi32>
      %gather3A_898 = tpu.vector_load_idx %arg10[%add3A_897] : memref<4096xf32, #tpu.memory_space<vmem>>[vector<16xi32>], vector<16xf32>,
      %sub3A_899 = arith.subf %get3A_895, %gather3A_898 : vector<16xf32>
      %abs3A_900 = math.absf %sub3A_899 : vector<16xf32>
      %add3A_901 = arith.addf %add3A_861, %abs3A_900 : vector<16xf32>
      %scan3A_902 = arith.constant 1 : i32
      %scan3A_903 = arith.addi %scan3A_818, %scan3A_902 : i32
      %mul3A_904 = arith.constant 2 : i32
      %mul3A_905 = arith.muli %mul3A_904, %scan3A_903 : i32
      %add3A_906 = arith.constant 0 : i32
      %add3A_907 = arith.addi %mul3A_905, %add3A_906 : i32
      %get3A_908 = arith.index_cast %scan3A_903 : i32 to index
      %get3A_909 = arith.constant 0 : index
      %get3A_910 = tpu.vector_load %arg11[%get3A_908, %get3A_909] {strides = array<i32>} : memref<32x128xf32, #tpu.memory_space<vmem>>, vector<16xf32>,
      %add3A_911 = vector.broadcast %add3A_907 : i32 to vector<16xi32>
      %add3A_912 = arith.addi %mul3A_387, %add3A_911 : vector<16xi32>
      %gather3A_913 = tpu.vector_load_idx %arg10[%add3A_912] : memref<4096xf32, #tpu.memory_space<vmem>>[vector<16xi32>], vector<16xf32>,
      %sub3A_914 = arith.subf %get3A_910, %gather3A_913 : vector<16xf32>
      %abs3A_915 = math.absf %sub3A_914 : vector<16xf32>
      %add3A_916 = arith.addf %add3A_874, %abs3A_915 : vector<16xf32>
      %get3A_917 = arith.index_cast %scan3A_903 : i32 to index
      %get3A_918 = arith.constant 16 : index
      %get3A_919 = tpu.vector_load %arg11[%get3A_917, %get3A_918] {strides = array<i32>} : memref<32x128xf32, #tpu.memory_space<vmem>>, vector<16xf32>,
      %add3A_920 = vector.broadcast %add3A_907 : i32 to vector<16xi32>
      %add3A_921 = arith.addi %mul3A_393, %add3A_920 : vector<16xi32>
      %gather3A_922 = tpu.vector_load_idx %arg10[%add3A_921] : memref<4096xf32, #tpu.memory_space<vmem>>[vector<16xi32>], vector<16xf32>,
      %sub3A_923 = arith.subf %get3A_919, %gather3A_922 : vector<16xf32>
      %abs3A_924 = math.absf %sub3A_923 : vector<16xf32>
      %add3A_925 = arith.addf %add3A_883, %abs3A_924 : vector<16xf32>
      %get3A_926 = arith.index_cast %scan3A_903 : i32 to index
      %get3A_927 = arith.constant 32 : index
      %get3A_928 = tpu.vector_load %arg11[%get3A_926, %get3A_927] {strides = array<i32>} : memref<32x128xf32, #tpu.memory_space<vmem>>, vector<16xf32>,
      %add3A_929 = vector.broadcast %add3A_907 : i32 to vector<16xi32>
      %add3A_930 = arith.addi %mul3A_399, %add3A_929 : vector<16xi32>
      %gather3A_931 = tpu.vector_load_idx %arg10[%add3A_930] : memref<4096xf32, #tpu.memory_space<vmem>>[vector<16xi32>], vector<16xf32>,
      %sub3A_932 = arith.subf %get3A_928, %gather3A_931 : vector<16xf32>
      %abs3A_933 = math.absf %sub3A_932 : vector<16xf32>
      %add3A_934 = arith.addf %add3A_892, %abs3A_933 : vector<16xf32>
      %get3A_935 = arith.index_cast %scan3A_903 : i32 to index
      %get3A_936 = arith.constant 48 : index
      %get3A_937 = tpu.vector_load %arg11[%get3A_935, %get3A_936] {strides = array<i32>} : memref<32x128xf32, #tpu.memory_space<vmem>>, vector<16xf32>,
      %add3A_938 = vector.broadcast %add3A_907 : i32 to vector<16xi32>
      %add3A_939 = arith.addi %mul3A_405, %add3A_938 : vector<16xi32>
      %gather3A_940 = tpu.vector_load_idx %arg10[%add3A_939] : memref<4096xf32, #tpu.memory_space<vmem>>[vector<16xi32>], vector<16xf32>,
      %sub3A_941 = arith.subf %get3A_937, %gather3A_940 : vector<16xf32>
      %abs3A_942 = math.absf %sub3A_941 : vector<16xf32>
      %add3A_943 = arith.addf %add3A_901, %abs3A_942 : vector<16xf32>
      %mul3A_944 = arith.constant 2 : i32
      %mul3A_945 = arith.muli %mul3A_944, %scan3A_903 : i32
      %add3A_946 = arith.constant 1 : i32
      %add3A_947 = arith.addi %mul3A_945, %add3A_946 : i32
      %get3A_948 = arith.index_cast %scan3A_903 : i32 to index
      %get3A_949 = arith.constant 64 : index
      %get3A_950 = tpu.vector_load %arg11[%get3A_948, %get3A_949] {strides = array<i32>} : memref<32x128xf32, #tpu.memory_space<vmem>>, vector<16xf32>,
      %add3A_951 = vector.broadcast %add3A_947 : i32 to vector<16xi32>
      %add3A_952 = arith.addi %mul3A_387, %add3A_951 : vector<16xi32>
      %gather3A_953 = tpu.vector_load_idx %arg10[%add3A_952] : memref<4096xf32, #tpu.memory_space<vmem>>[vector<16xi32>], vector<16xf32>,
      %sub3A_954 = arith.subf %get3A_950, %gather3A_953 : vector<16xf32>
      %abs3A_955 = math.absf %sub3A_954 : vector<16xf32>
      %add3A_956 = arith.addf %add3A_916, %abs3A_955 : vector<16xf32>
      %get3A_957 = arith.index_cast %scan3A_903 : i32 to index
      %get3A_958 = arith.constant 80 : index
      %get3A_959 = tpu.vector_load %arg11[%get3A_957, %get3A_958] {strides = array<i32>} : memref<32x128xf32, #tpu.memory_space<vmem>>, vector<16xf32>,
      %add3A_960 = vector.broadcast %add3A_947 : i32 to vector<16xi32>
      %add3A_961 = arith.addi %mul3A_393, %add3A_960 : vector<16xi32>
      %gather3A_962 = tpu.vector_load_idx %arg10[%add3A_961] : memref<4096xf32, #tpu.memory_space<vmem>>[vector<16xi32>], vector<16xf32>,
      %sub3A_963 = arith.subf %get3A_959, %gather3A_962 : vector<16xf32>
      %abs3A_964 = math.absf %sub3A_963 : vector<16xf32>
      %add3A_965 = arith.addf %add3A_925, %abs3A_964 : vector<16xf32>
      %get3A_966 = arith.index_cast %scan3A_903 : i32 to index
      %get3A_967 = arith.constant 96 : index
      %get3A_968 = tpu.vector_load %arg11[%get3A_966, %get3A_967] {strides = array<i32>} : memref<32x128xf32, #tpu.memory_space<vmem>>, vector<16xf32>,
      %add3A_969 = vector.broadcast %add3A_947 : i32 to vector<16xi32>
      %add3A_970 = arith.addi %mul3A_399, %add3A_969 : vector<16xi32>
      %gather3A_971 = tpu.vector_load_idx %arg10[%add3A_970] : memref<4096xf32, #tpu.memory_space<vmem>>[vector<16xi32>], vector<16xf32>,
      %sub3A_972 = arith.subf %get3A_968, %gather3A_971 : vector<16xf32>
      %abs3A_973 = math.absf %sub3A_972 : vector<16xf32>
      %add3A_974 = arith.addf %add3A_934, %abs3A_973 : vector<16xf32>
      %get3A_975 = arith.index_cast %scan3A_903 : i32 to index
      %get3A_976 = arith.constant 112 : index
      %get3A_977 = tpu.vector_load %arg11[%get3A_975, %get3A_976] {strides = array<i32>} : memref<32x128xf32, #tpu.memory_space<vmem>>, vector<16xf32>,
      %add3A_978 = vector.broadcast %add3A_947 : i32 to vector<16xi32>
      %add3A_979 = arith.addi %mul3A_405, %add3A_978 : vector<16xi32>
      %gather3A_980 = tpu.vector_load_idx %arg10[%add3A_979] : memref<4096xf32, #tpu.memory_space<vmem>>[vector<16xi32>], vector<16xf32>,
      %sub3A_981 = arith.subf %get3A_977, %gather3A_980 : vector<16xf32>
      %abs3A_982 = math.absf %sub3A_981 : vector<16xf32>
      %add3A_983 = arith.addf %add3A_943, %abs3A_982 : vector<16xf32>
      scf.yield %add3A_956, %add3A_965, %add3A_974, %add3A_983 : vector<16xf32>, vector<16xf32>, vector<16xf32>, vector<16xf32>
    }
    %scan3A_750 = arith.constant 8 : i32
    %get3A = arith.constant 0 : index
    %get3A_751 = tpu.vector_load %arg8[%get3A] {strides = array<i32>} : memref<64xf32, #tpu.memory_space<vmem>>, vector<16xf32>,
    %abs3A = math.absf %get3A_751 : vector<16xf32>
    %mul3A_752 = arith.mulf %scan3A_749#0, %abs3A : vector<16xf32>
    %reduce_sum3A = arith.constant true
    %reduce_sum3A_753 = vector.broadcast %reduce_sum3A : i1 to vector<16xi1>
    %reduce_sum3A_754 = tpu.scan <sum>, %mul3A_752 masked %reduce_sum3A_753 : vector<16xf32>, vector<16xi1> -> vector<16xf32>
    %reduce_sum3A_755 = vector.extract %reduce_sum3A_754[15] : f32 from vector<16xf32>
    %add3A_756 = arith.constant 0.000000e+00 : f32
    %add3A_757 = arith.addf %add3A_756, %reduce_sum3A_755 : f32
    %reduce_sum3A_758 = arith.constant true
    %reduce_sum3A_759 = vector.broadcast %reduce_sum3A_758 : i1 to vector<16xi1>
    %reduce_sum3A_760 = tpu.scan <sum>, %get3A_751 masked %reduce_sum3A_759 : vector<16xf32>, vector<16xi1> -> vector<16xf32>
    %reduce_sum3A_761 = vector.extract %reduce_sum3A_760[15] : f32 from vector<16xf32>
    %add3A_762 = arith.constant 0.000000e+00 : f32
    %add3A_763 = arith.addf %add3A_762, %reduce_sum3A_761 : f32
    %get3A_764 = arith.constant 16 : index
    %get3A_765 = tpu.vector_load %arg8[%get3A_764] {strides = array<i32>} : memref<64xf32, #tpu.memory_space<vmem>>, vector<16xf32>,
    %abs3A_766 = math.absf %get3A_765 : vector<16xf32>
    %mul3A_767 = arith.mulf %scan3A_749#1, %abs3A_766 : vector<16xf32>
    %reduce_sum3A_768 = arith.constant true
    %reduce_sum3A_769 = vector.broadcast %reduce_sum3A_768 : i1 to vector<16xi1>
    %reduce_sum3A_770 = tpu.scan <sum>, %mul3A_767 masked %reduce_sum3A_769 : vector<16xf32>, vector<16xi1> -> vector<16xf32>
    %reduce_sum3A_771 = vector.extract %reduce_sum3A_770[15] : f32 from vector<16xf32>
    %add3A_772 = arith.addf %add3A_757, %reduce_sum3A_771 : f32
    %reduce_sum3A_773 = arith.constant true
    %reduce_sum3A_774 = vector.broadcast %reduce_sum3A_773 : i1 to vector<16xi1>
    %reduce_sum3A_775 = tpu.scan <sum>, %get3A_765 masked %reduce_sum3A_774 : vector<16xf32>, vector<16xi1> -> vector<16xf32>
    %reduce_sum3A_776 = vector.extract %reduce_sum3A_775[15] : f32 from vector<16xf32>
    %add3A_777 = arith.addf %add3A_763, %reduce_sum3A_776 : f32
    %get3A_778 = arith.constant 32 : index
    %get3A_779 = tpu.vector_load %arg8[%get3A_778] {strides = array<i32>} : memref<64xf32, #tpu.memory_space<vmem>>, vector<16xf32>,
    %abs3A_780 = math.absf %get3A_779 : vector<16xf32>
    %mul3A_781 = arith.mulf %scan3A_749#2, %abs3A_780 : vector<16xf32>
    %reduce_sum3A_782 = arith.constant true
    %reduce_sum3A_783 = vector.broadcast %reduce_sum3A_782 : i1 to vector<16xi1>
    %reduce_sum3A_784 = tpu.scan <sum>, %mul3A_781 masked %reduce_sum3A_783 : vector<16xf32>, vector<16xi1> -> vector<16xf32>
    %reduce_sum3A_785 = vector.extract %reduce_sum3A_784[15] : f32 from vector<16xf32>
    %add3A_786 = arith.addf %add3A_772, %reduce_sum3A_785 : f32
    %reduce_sum3A_787 = arith.constant true
    %reduce_sum3A_788 = vector.broadcast %reduce_sum3A_787 : i1 to vector<16xi1>
    %reduce_sum3A_789 = tpu.scan <sum>, %get3A_779 masked %reduce_sum3A_788 : vector<16xf32>, vector<16xi1> -> vector<16xf32>
    %reduce_sum3A_790 = vector.extract %reduce_sum3A_789[15] : f32 from vector<16xf32>
    %add3A_791 = arith.addf %add3A_777, %reduce_sum3A_790 : f32
    %get3A_792 = arith.constant 48 : index
    %get3A_793 = tpu.vector_load %arg8[%get3A_792] {strides = array<i32>} : memref<64xf32, #tpu.memory_space<vmem>>, vector<16xf32>,
    %abs3A_794 = math.absf %get3A_793 : vector<16xf32>
    %mul3A_795 = arith.mulf %scan3A_749#3, %abs3A_794 : vector<16xf32>
    %reduce_sum3A_796 = arith.constant true
    %reduce_sum3A_797 = vector.broadcast %reduce_sum3A_796 : i1 to vector<16xi1>
    %reduce_sum3A_798 = tpu.scan <sum>, %mul3A_795 masked %reduce_sum3A_797 : vector<16xf32>, vector<16xi1> -> vector<16xf32>
    %reduce_sum3A_799 = vector.extract %reduce_sum3A_798[15] : f32 from vector<16xf32>
    %add3A_800 = arith.addf %add3A_786, %reduce_sum3A_799 : f32
    %reduce_sum3A_801 = arith.constant true
    %reduce_sum3A_802 = vector.broadcast %reduce_sum3A_801 : i1 to vector<16xi1>
    %reduce_sum3A_803 = tpu.scan <sum>, %get3A_793 masked %reduce_sum3A_802 : vector<16xf32>, vector<16xi1> -> vector<16xf32>
    %reduce_sum3A_804 = vector.extract %reduce_sum3A_803[15] : f32 from vector<16xf32>
    %add3A_805 = arith.addf %add3A_791, %reduce_sum3A_804 : f32
    %eq3A = arith.constant 0 : i32
    %eq3A_806 = vector.broadcast %eq3A : i32 to vector<16xi32>
    %eq3A_807 = arith.cmpi eq, %iota3A, %eq3A_806 : vector<16xi32>
    %eq3A_808 = arith.constant 1 : i32
    %eq3A_809 = vector.broadcast %eq3A_808 : i32 to vector<16xi32>
    %eq3A_810 = arith.cmpi eq, %iota3A, %eq3A_809 : vector<16xi32>
    %jit3A_811 = arith.constant 0.000000e+00 : f32
    %broadcast_in_dim3A_812 = vector.broadcast %add3A_805 : f32 to vector<16xf32>
    %broadcast_in_dim3A_813 = vector.broadcast %jit3A_811 : f32 to vector<16xf32>
    %select_n3A_814 = arith.select %eq3A_810, %broadcast_in_dim3A_812, %broadcast_in_dim3A_813 : vector<16xi1>, vector<16xf32>
    %broadcast_in_dim3A_815 = vector.broadcast %add3A_800 : f32 to vector<16xf32>
    %select_n3A_816 = arith.select %eq3A_807, %broadcast_in_dim3A_815, %select_n3A_814 : vector<16xi1>, vector<16xf32>
    %swap3A = arith.constant 0 : index
    %swap3A_817 = tpu.vector_load %arg12[%swap3A] {strides = array<i32>} : memref<16xf32, #tpu.memory_space<vmem>>, vector<16xf32>,
    tpu.vector_store %arg12[%swap3A], %select_n3A_816 {strides = array<i32>} : memref<16xf32, #tpu.memory_space<vmem>>, vector<16xf32>,
    "tpu.region"() ({
      %run_scoped3A = tpu.sem_alloc : memref<!tpu.dma_semaphore, #tpu.memory_space<semaphore_mem>>
      %dma_start3A_818 = arith.constant 0 : i32
      %dma_start3A_819 = tpu.memref_slice %arg6[%add3A, %dma_start3A_818] : memref<32x16xf32, #tpu.memory_space<hbm>> -> memref<1x16xf32, #tpu.memory_space<hbm>>
      %dma_start3A_820 = tpu.memref_squeeze %dma_start3A_819 : memref<1x16xf32, #tpu.memory_space<hbm>> -> memref<16xf32, #tpu.memory_space<hbm>>
      %dma_start3A_821 = arith.constant 0 : i32
      %dma_start3A_822 = tpu.memref_slice %arg6[%add3A, %dma_start3A_821] : memref<32x16xf32, #tpu.memory_space<hbm>> -> memref<1x16xf32, #tpu.memory_space<hbm>>
      %dma_start3A_823 = tpu.memref_squeeze %dma_start3A_822 : memref<1x16xf32, #tpu.memory_space<hbm>> -> memref<16xf32, #tpu.memory_space<hbm>>
      tpu.enqueue_dma source(%arg12 : memref<16xf32, #tpu.memory_space<vmem>>) target(%dma_start3A_823 : memref<16xf32, #tpu.memory_space<hbm>>) target_semaphore(%run_scoped3A : memref<!tpu.dma_semaphore, #tpu.memory_space<semaphore_mem>>)
      %dma_wait3A_824 = arith.constant 0 : i32
      %dma_wait3A_825 = tpu.memref_slice %arg6[%add3A, %dma_wait3A_824] : memref<32x16xf32, #tpu.memory_space<hbm>> -> memref<1x16xf32, #tpu.memory_space<hbm>>
      %dma_wait3A_826 = tpu.memref_squeeze %dma_wait3A_825 : memref<1x16xf32, #tpu.memory_space<hbm>> -> memref<16xf32, #tpu.memory_space<hbm>>
      %dma_wait3A_827 = arith.constant 0 : i32
      %dma_wait3A_828 = tpu.memref_slice %arg6[%add3A, %dma_wait3A_827] : memref<32x16xf32, #tpu.memory_space<hbm>> -> memref<1x16xf32, #tpu.memory_space<hbm>>
      %dma_wait3A_829 = tpu.memref_squeeze %dma_wait3A_828 : memref<1x16xf32, #tpu.memory_space<hbm>> -> memref<16xf32, #tpu.memory_space<hbm>>
      tpu.wait_dma2 semaphore(%run_scoped3A : memref<!tpu.dma_semaphore, #tpu.memory_space<semaphore_mem>>) src(%arg12 : memref<16xf32, #tpu.memory_space<vmem>>) dst(%dma_wait3A_829 : memref<16xf32, #tpu.memory_space<hbm>>)
      tpu.yield
    }) : () -> ()
    return
  }
}

</mosaic_0001>

<sc_bundles>
// kernel: kernel.3.cloned.1.call-start
scs
__scs_entry_jumppad:
0x0: {  	(pc) =	sbr.rel $0x88, $3  }
0x1: {  	(tag) =	ssettag $0x0;
	lr =	simm.s32 $0x1  }
0x2: {  	[smem:$0x3F9D] =	sst lr;
	_ =	strace $0xD0000000  }
0x3: {  	_ = 	snop  }
0x4: {  	_ = 	snop  }
0x5: {  	_ = 	snop  }
0x6: {  	_ = 	snop  }
0x7: {  	_ = 	snop  }
__scs_overlays_trampoline_lowered:
0x8: {  	[smem:$0x3FAC] =	sst s0  }
0x9: {  	[smem:$0x3FAD] =	sst s1  }
0xa: {  	[smem:$0x3FAE] =	sst s2  }
0xb: {  	[smem:$0x3FAF] =	sst s3  }
0xc: {  	[smem:$0x3FB0] =	sst s4  }
0xd: {  	[smem:$0x3FB1] =	sst s5  }
0xe: {  	[smem:$0x3FB2] =	sst s6  }
0xf: {  	[smem:$0x3FB3] =	sst s7  }
0x10: {  	[smem:$0x3FB4] =	sst s8  }
0x11: {  	[smem:$0x3FB5] =	sst s9;
	s0 =	simm.s32 @!p0 $0x0  }
0x12: {  	s1 =	sld [smem:$0x3F9B];
	s0 =	simm.s32 @p0 $0x1  }
0x13: {  	[smem:$0x3FB6] =	sst s0;
	s0 =	simm.s32 @!p1 $0x0  }
0x14: {  	s2 =	sld [smem:$0x3F9A];
	s0 =	simm.s32 @p1 $0x1  }
0x15: {  	[smem:$0x3FB7] =	sst s0;
	s0 =	simm.s32 @!p2 $0x0  }
0x16: {  	s3 =	sld [smem:$0x3FDB];
	s0 =	simm.s32 @p2 $0x1  }
0x17: {  	s4 =	simm.s32 $0x1BF5;
	[smem:$0x3FB9] =	sst s0  }
0x18: {  	s0 =	sld [smem:$0x3F9C];
	_ =	swait.ge [sflag:s4], $0x0  }
0x19: {  	s7 =	sld [smem:$0x3F9D]  }
0x1a: {  	s8 =	sadd.s32 $0xFFFFE003, lr  }
0x1b: {  	s9 =	sadd.s32 $0xFFFFFEF7, lr;
	s5 =	simm.s32 $0xFFFFFFFF;
	p2 =	slt.u32 s8, $0xFFFFF086  }
0x1c: {  	p1 =	slt.u32 s9, $0xF7A;
	s5 =	simm.s32 @!p2 $0x0  }
0x1d: {  	s5 =	simm.s32 @p1 $0x1;
	p0 =	seq.s32 s7, s2  }
0x1e: {  	s7 =	smul.u32 @!p0 $0xF7A, s2;
	p2 =	seq.s32 @!p0 s5, $0x0  }
0x1f: {  	s9 =	smul.u32 $0xF7A, s1;
	s8 =	simm.s32 @!p0 $0x1BF5;
	p2 =	por !p2, p0  }
0x20: {  	[sflag:s8] =	ssyncset.s32 @!p0 $0xFFFFF086;
	s6 =	sadd.s32 @!p0 s3, s7;
	s7 =	simm.s32 @!p0 $0x108  }
0x21: {  	s3 =	sadd.s32 s3, s9;
	s6 =	sadd.s32 @!p0 $0x88, s6;
	s7 =	simm.s32 @p2 $0x1082  }
0x22: {  	[simem:s7], [sflag:s8] =	dma.local @!p0 [hbm:s6], $0xF7A  }
0x23: {  	s9 =	sor.u32 $0xD0000000, s2;
	s6 =	simm.s32 $0x108;
	_ =	swait.ge @!p0 [sflag:s8], $0x0  }
0x24: {  	s3 =	sadd.s32 $0x88, s3;
	s6 =	simm.s32 @!p1 $0x1082;
	[sflag:s4] =	ssyncset.s32 $0xFFFFF086  }
0x25: {  	[simem:s6], [sflag:s4] =	dma.local [hbm:s3], $0xF7A  }
0x26: {  	[smem:$0x3F9D] =	sst s1;
	(tag) =	ssettag s2;
	_ =	strace s9  }
0x27: {  	s1 =	sld [smem:$0x3FAD]  }
0x28: {  	s2 =	sld [smem:$0x3FAE]  }
0x29: {  	s4 =	sld [smem:$0x3FB0]  }
0x2a: {  	p0 =	seq.s32 s5, $0x0;
	s5 =	sld [smem:$0x3FB1]  }
0x2b: {  	s6 =	sld [smem:$0x3FB2]  }
0x2c: {  	s7 =	sld [smem:$0x3FB3]  }
0x2d: {  	s3 =	simm.s32 $0x108;
	s8 =	sld [smem:$0x3FB4]  }
0x2e: {  	s3 =	simm.s32 @!p0 $0x1082;
	s9 =	sld [smem:$0x3FB5]  }
0x2f: {  	lr =	sadd.s32 s0, s3;
	s0 =	sld [smem:$0x3FAC]  }
0x30: {  	s3 =	sld [smem:$0x3FAF]  }
0x31: {  	[smem:$0x3FB8] =	sst s10  }
0x32: {  	s10 =	sld [smem:$0x3FB6];
	_ =	sdelay $0x3  }
0x33: {  	p0 =	seq.s32 s10, $0x1;
	s10 =	sld [smem:$0x3FB8];
	_ =	sdelay $0x3  }
0x34: {  	[smem:$0x3FB8] =	sst s10  }
0x35: {  	s10 =	sld [smem:$0x3FB7];
	_ =	sdelay $0x3  }
0x36: {  	p1 =	seq.s32 s10, $0x1;
	s10 =	sld [smem:$0x3FB8];
	_ =	sdelay $0x3  }
0x37: {  	[smem:$0x3FB8] =	sst s10  }
0x38: {  	s10 =	sld [smem:$0x3FB9]  }
0x39: {  	_ = 	snop;
	(pc) =	sbr.ind lr, $3  }
0x3a: {  	_ = 	snop  }
0x3b: {  	_ = 	snop  }
0x3c: {  	p2 =	seq.s32 s10, $0x1;
	s10 =	sld [smem:$0x3FB8]  }
0x3d: {  	_ =	shalt  }
0x3e: {  	_ =	shalt  }
0x3f: {  	_ =	shalt  }
0x40: {  	_ =	shalt  }
0x41: {  	_ =	shalt  }
0x42: {  	_ =	shalt  }
0x43: {  	_ =	shalt  }
0x44: {  	_ =	shalt  }
0x45: {  	_ =	shalt  }
0x46: {  	_ =	shalt  }
0x47: {  	_ =	shalt  }
0x48: {  	_ =	shalt  }
0x49: {  	_ =	shalt  }
0x4a: {  	_ =	shalt  }
0x4b: {  	_ =	shalt  }
0x4c: {  	_ =	shalt  }
0x4d: {  	_ =	shalt  }
0x4e: {  	_ =	shalt  }
0x4f: {  	_ =	shalt  }
0x50: {  	_ =	shalt  }
0x51: {  	_ =	shalt  }
0x52: {  	_ =	shalt  }
0x53: {  	_ =	shalt  }
0x54: {  	_ =	shalt  }
0x55: {  	_ =	shalt  }
0x56: {  	_ =	shalt  }
0x57: {  	_ =	shalt  }
0x58: {  	_ =	shalt  }
0x59: {  	_ =	shalt  }
0x5a: {  	_ =	shalt  }
0x5b: {  	_ =	shalt  }
0x5c: {  	_ =	shalt  }
0x5d: {  	_ =	shalt  }
0x5e: {  	_ =	shalt  }
0x5f: {  	_ =	shalt  }
0x60: {  	_ =	shalt  }
0x61: {  	_ =	shalt  }
0x62: {  	_ =	shalt  }
0x63: {  	_ =	shalt  }
0x64: {  	_ =	shalt  }
0x65: {  	_ =	shalt  }
0x66: {  	_ =	shalt  }
0x67: {  	_ =	shalt  }
0x68: {  	_ =	shalt  }
0x69: {  	_ =	shalt  }
0x6a: {  	_ =	shalt  }
0x6b: {  	_ =	shalt  }
0x6c: {  	_ =	shalt  }
0x6d: {  	_ =	shalt  }
0x6e: {  	_ =	shalt  }
0x6f: {  	_ =	shalt  }
0x70: {  	_ =	shalt  }
0x71: {  	_ =	shalt  }
0x72: {  	_ =	shalt  }
0x73: {  	_ =	shalt  }
0x74: {  	_ =	shalt  }
0x75: {  	_ =	shalt  }
0x76: {  	_ =	shalt  }
0x77: {  	_ =	shalt  }
0x78: {  	_ =	shalt  }
0x79: {  	_ =	shalt  }
0x7a: {  	_ =	shalt  }
0x7b: {  	_ =	shalt  }
0x7c: {  	_ =	shalt  }
0x7d: {  	_ =	shalt  }
0x7e: {  	_ =	shalt  }
0x7f: {  	_ =	shalt  }
0x80: {  	_ =	shalt  }
0x81: {  	_ =	shalt  }
0x82: {  	_ =	shalt  }
0x83: {  	_ =	shalt  }
0x84: {  	_ =	shalt  }
0x85: {  	_ =	shalt  }
0x86: {  	_ =	shalt  }
0x87: {  	_ =	shalt  }
.Lfunc_end0:
.L_simem_size_0:
called_computation_lowered:
.L_overlay_start_0:
0x88: {  	s2 =	sld [smem:$0x3FD9]  }
0x89: {  	s3 =	sld [smem:$0x3FFE];
	_ =	sdelay $0x1  }
0x8a: {  	s1 =	srdreg.scid  }
0x8b: {  	s0 =	sand.u32 $0x1, s1  }
0x8c: {  	s17 =	sshll.u32 s0, $0xA;
	s2 =	sadd.s32 s3, s2  }
0x8d: {  	s2 =	sadd.s32 s2, s17  }
0x8e: {  	[smem:$0x3FC4] =	sst s2  }
0x8f: {  	_ = 	snop  }
0x90: {  	s2 =	sld [smem:$0x3FC9]  }
0x91: {  	s18 =	sld [smem:$0x3FC8]  }
0x92: {  	s4 =	sld [smem:$0x3FC7];
	(tm) =	ssettm $0x1  }
0x93: {  	s5 =	sld [smem:$0x3FFB];
	_ =	sdelay $0x3  }
0x94: {  	_ =	strace s5  }
0x95: {  	s5 =	sld [smem:$0x3FFC];
	_ =	sdelay $0x3  }
0x96: {  	_ =	strace s5  }
0x97: {  	s5 =	sld [smem:$0x3FFD];
	_ =	sdelay $0x3  }
0x98: {  	_ =	strace s5  }
0x99: {  	_ =	strace $0x8FFFFFFF  }
0x9a: {  	s19 =	sld [smem:$0x3FDB];
	_ =	sdelay $0x1  }
0x9b: {  	s6 =	simm.s32 $_scs_section_size  }
0x9c: {  	s7 =	simm.s32 $_size__tile_overlayer_lowered;
	s8 =	simm.s32 $_tile_overlayer_lowered  }
0x9d: {  	s22 =	simm.s32 $0x1BFF;
	s21 =	sshll.u32 s8, $0x1;
	s5 =	sadd.s32 s6, s19  }
0x9e: {  	s9 =	simm.s32 $0x0;
	s20 =	sshll.u32 s7, $0x1;
	s7 =	sadd.s32 s21, s5  }
0x9f: {  	[timem:s9], [sflag:s22] =	dma.local [hbm:s7], s20  }
0xa0: {  	_ =	swait.ge [sflag:s22], s20  }
0xa1: {  	s6 =	ssub.s32 $0x0, s20;
	[sflag:s22] =	ssyncset.done $0x0  }
0xa2: {  	[sflag:s22] =	ssyncadd.s32 s6;
	_ =	sdelay $0x1  }
0xa3: {  	s23 =	simm.s32 $0x1B8B  }
0xa4: {  	_ =	swait.ge [sflag:s23], $0x1  }
0xa5: {  	[sflag:s23] =	ssyncset.done $0x0  }
0xa6: {  	s25 =	simm.s32 $0x1B8E;
	s24 =	sld [smem:$0x3FFE];
	[sflag:s23] =	ssyncadd.s32 $0xFFFFFFFF  }
0xa7: {  	s26 =	simm.s32 $execute0_lowered;
	[smem:$0x3FD2] =	sst s25  }
0xa8: {  	s7 =	sshll.u32 s26, $0x1;
	_ =	strace $0x80000046;
	[dreg:$0x1] =	wrdreg $0xFFFFFFFF  }
0xa9: {  	s28 =	simm.s32 $_size_execute0_lowered;
	s5 =	sadd.s32 s5, s7;
	[dreg:$0x0] =	wrdreg $0x0  }
0xaa: {  	s7 =	sshll.u32 s28, $0x1;
	[dreg:$0x2] =	wrdreg s5  }
0xab: {  	[dreg:$0x3] =	wrdreg s7  }
0xac: {  	[dreg:$0x4] =	wrdreg $0xC0  }
0xad: {  	_ =	task [dreg:s9], $0x5FFFF  }
0xae: {  	[dreg:$0x1] =	wrdreg $0xFFFFFFFF  }
0xaf: {  	[dreg:$0x0] =	wrdreg $0x60  }
0xb0: {  	[dreg:$0x2] =	wrdreg s2  }
0xb1: {  	[dreg:$0x3] =	wrdreg s24  }
0xb2: {  	[dreg:$0x4] =	wrdreg s4  }
0xb3: {  	[dreg:$0x5] =	wrdreg s18  }
0xb4: {  	[dreg:$0x6] =	wrdreg $0x9  }
0xb5: {  	_ =	task.clear_ibuf [dreg:s9], $0x7FFFF;
	_ =	strace $0x90000046  }
0xb6: {  	s29 =	simm.s32 $0x9;
	_ =	strace $0x80000048  }
0xb7: {  	_ =	swait.ge [sflag:s29], $0x1  }
0xb8: {  	[sflag:s29] =	ssyncadd.s32 $0xFFFFFFFF  }
0xb9: {  	_ =	strace $0x90000048  }
0xba: {  	_ =	sfence  }
0xbb: {  	s30 =	sld [smem:$0x0];
	_ =	sdelay $0x2  }
0xbc: {  	s31 =	sshll.u32 s1, $0xD;
	s1 =	sshrl.u32 s1, $0x2  }
0xbd: {  	s3 =	sand.u32 $0x4000, s31;
	s1 =	sadd.s32 s1, s30  }
0xbe: {  	s0 =	sor.u32 s3, s0;
	s1 =	sshll.u32 s1, $0x11  }
0xbf: {  	s0 =	sor.u32 s1, s0  }
0xc0: {  	s0 =	sadd.s32 $0x8F2B, s0  }
0xc1: {  	[sflag:s0] =	ssyncadd.remote.s32 $0x1  }
0xc2: {  	_ =	sfence.sel $0xFFFF  }
0xc3: {  	[dreg:$0x0] =	wrdreg $0xFFFFFFFF;
	(pc) =	sbr.abs _section_cstart, $3  }
0xc4: {  	[dreg:$0x1] =	wrdreg $0xFFFFFFFF  }
0xc5: {  	_ =	task.clear_ibuf [dreg:s9], $0x2FFFF;
	_ =	strace $0x9FFFFFFF  }
0xc6: {  	(tm) =	ssettm $0x7FFFFFFF  }
0xc7: {  	_ =	shalt  }
tec
execute0_lowered:
.L_overlay_start_1:
0x0: {  	(tag) =	ssettag $0x1  }
0x1: {  	s1 =	rddreg [dreg:$0x0]  }
0x2: {  	s0 =	rddreg [dreg:$0x1]  }
0x3: {  	s2 =	rddreg [dreg:$0x2]  }
0x4: {  	s6 =	rddreg [dreg:$0x3]  }
0x5: {  	s4 =	srdreg.scid;
	s11 =	stileid.u32;
	s3 =	simm.s32 $0x0  }
0x6: {  	s12 =	simm.s32 $0x6;
	s31 =	simm.s32 $0x2F00;
	s13 =	simm.s32 $0x1000  }
0x7: {  	s14 =	simm.s32 $0x3000;
	s15 =	simm.s32 $0x1080;
	s16 =	simm.s32 $0x3080  }
0x8: {  	s17 =	simm.s32 $0x5;
	s18 =	simm.s32 $0x1;
	s19 =	simm.s32 $0x2  }
0x9: {  	s20 =	simm.s32 $0x3;
	s21 =	simm.s32 $0x4;
	s22 =	simm.s32 $0x3100  }
0xa: {  	s23 =	simm.s32 $0x7;
	s24 =	simm.s32 $0x0;
	s4 =	sand.u32 $0x1, s4  }
0xb: {  	s5 =	sshll.u32 s11, $0x1;
	[smem:$0x7FF] =	sst s3;
	s30 =	sshll.u32 s11, $0x14  }
0xc: {  	s11 =	simm.s32 $0x80;
	s5 =	sor.u32 s4, s5;
	_ =	strace $0x80000047  }
0xd: {  	s9 =	ssub.s32 $0x2, s4;
	p1 =	seq.s32 s4, $0x1;
	s7 =	sshll.u32 s5, $0x9  }
0xe: {  	s8 =	sshll.u32 s5, $0x4;
	s10 =	sshrl.u32 s9, $0x1;
	p0 =	seq.s32 s5, $0x0  }
0xf: {  	s29 =	sshll.u32 s5, $0x3;
	s7 =	sadd.s32 s7, s0;
	s0 =	sadd.s32 s8, s0  }
0x10: {  	s28 =	ssub.s32 s9, s10;
	p0 =	por !p0, !p1;
	s9 =	simm.s32 $0xFFFFFFFF  }
0x11: {  	v0 =	vlaneseq.u32;
	s4 =	sadd.s32 s2, s29;
	s6 =	sadd.s32 s6, s29;
	p0 =	por !p0, !p0  }
0x12: {  	v0 =	vmul.u32 $0x40, v0;
	s10 =	simm.s32 $0x1100;
	s2 =	simm.s32 $0x2F80;
	s9 =	simm.s32 @!p0 $0x0  }
0x13: {  	vm0 =	vcmask $0x300;
	vm1 =	vcmask $0x704;
	s5 =	sadd.s32 $0x200, s7;
	s7 =	sadd.s32 $0x4200, s0;
	s9 =	sshll.u32 s9, $0x14  }
0x14: {  	v1 =	vor.u32 $0x400, v0;
	v2 =	vor.u32 $0x800, v0;
	v3 =	vor.u32 $0xC00, v0;
	s8 =	smax.u32 s28, $0x1;
	s0 =	simm.s32 $0xF80;
	s9 =	sadd.s32 s9, s30  }
.LBB2_1:
0x15: {  	[tilespmem:s3], [sflag:$0x6] =	stream.linear.gather [hbm4b:s4+s3], $0x40, $0x38;
	[tilespmem:$0x3180] =	vst v63  }
0x16: {  	_ = 	snop  }
0x17: {  	[tilespmem:s10], [sflag:$0x5] =	stream.linear.gather [hbm4b:s5+s3], $0x1000, $0x38;
	[tilespmem:$0x3180] =	vst v63  }
0x18: {  	_ = 	snop  }
0x19: {  	[tilespmem:s11], [sflag:$0x5] =	stream.linear.gather [hbm4b:s6+s3], $0x40, $0x38;
	[tilespmem:$0x3180] =	vst v63  }
0x1a: {  	_ =	swait.ge [sflag:s12], $0x40  }
0x1b: {  	[sflag:s12] =	ssyncset.done $0x0  }
0x1c: {  	[sflag:s12] =	ssyncadd.s32 $0xFFFFFFC0  }
0x1d: {  	v4 =	vld [tilespmem:$0x0];
	_ =	sdelay $0x3  }
0x1e: {  	s26 =	sadd.s32 $0x0, s9  }
0x1f: {  	s25 =	simm.s32 $0x140;
	v4 =	vadd.s32 s26, v4  }
0x20: {  	[tilespmem:s25+$0xFFFFFFC0] =	vst v4  }
0x21: {  	v4 =	vld [tilespmem:$0x10];
	_ =	sdelay $0x4  }
0x22: {  	v4 =	vadd.s32 s26, v4  }
0x23: {  	[tilespmem:s25+$0xFFFFFFD0] =	vst v4  }
0x24: {  	v4 =	vld [tilespmem:$0x20];
	_ =	sdelay $0x4  }
0x25: {  	v4 =	vadd.s32 s26, v4  }
0x26: {  	[tilespmem:s25+$0xFFFFFFE0] =	vst v4  }
0x27: {  	v4 =	vld [tilespmem:$0x30];
	_ =	sdelay $0x4  }
0x28: {  	v4 =	vadd.s32 s26, v4  }
0x29: {  	[tilespmem:s25+$0xFFFFFFF0] =	vst v4  }
0x2a: {  	v4 =	vld [tilespmem:$0x0];
	_ =	sdelay $0x3  }
0x2b: {  	s26 =	sadd.s32 $0x4000, s26  }
0x2c: {  	v4 =	vadd.s32 s26, v4  }
0x2d: {  	[tilespmem:s25+$0x0] =	vst v4  }
0x2e: {  	v4 =	vld [tilespmem:$0x10];
	_ =	sdelay $0x4  }
0x2f: {  	v4 =	vadd.s32 s26, v4  }
0x30: {  	[tilespmem:s25+$0x10] =	vst v4  }
0x31: {  	v4 =	vld [tilespmem:$0x20];
	_ =	sdelay $0x4  }
0x32: {  	v4 =	vadd.s32 s26, v4  }
0x33: {  	[tilespmem:s25+$0x20] =	vst v4  }
0x34: {  	v4 =	vld [tilespmem:$0x30];
	_ =	sdelay $0x4  }
0x35: {  	v4 =	vadd.s32 s26, v4  }
0x36: {  	[tilespmem:s25+$0x30] =	vst v4  }
0x37: {  	s28 =	simm.s32 $0x10000;
	s26 =	simm.s32 $0x8000;
	v4 =	vld [tilespmem:$0x0]  }
.LBB2_2:
0x38: {  	p0 =	sne.s32 s28, $0x38000;
	_ =	sdelay $0x2  }
0x39: {  	s29 =	sadd.s32 s26, s9;
	s26 =	smov.u32 s28  }
0x3a: {  	s25 =	sadd.s32 $0x80, s25;
	v4 =	vadd.s32 s29, v4  }
0x3b: {  	[tilespmem:s25+$0xFFFFFFC0] =	vst v4  }
0x3c: {  	v4 =	vld [tilespmem:$0x10];
	_ =	sdelay $0x4  }
0x3d: {  	v4 =	vadd.s32 s29, v4  }
0x3e: {  	[tilespmem:s25+$0xFFFFFFD0] =	vst v4  }
0x3f: {  	v4 =	vld [tilespmem:$0x20];
	_ =	sdelay $0x4  }
0x40: {  	v4 =	vadd.s32 s29, v4  }
0x41: {  	[tilespmem:s25+$0xFFFFFFE0] =	vst v4  }
0x42: {  	v4 =	vld [tilespmem:$0x30];
	_ =	sdelay $0x4  }
0x43: {  	v4 =	vadd.s32 s29, v4  }
0x44: {  	[tilespmem:s25+$0xFFFFFFF0] =	vst v4  }
0x45: {  	v4 =	vld [tilespmem:$0x0];
	_ =	sdelay $0x3  }
0x46: {  	s29 =	sadd.s32 $0x4000, s29  }
0x47: {  	v4 =	vadd.s32 s29, v4  }
0x48: {  	[tilespmem:s25+$0x0] =	vst v4  }
0x49: {  	v4 =	vld [tilespmem:$0x10];
	_ =	sdelay $0x4  }
0x4a: {  	v4 =	vadd.s32 s29, v4  }
0x4b: {  	[tilespmem:s25+$0x10] =	vst v4  }
0x4c: {  	v4 =	vld [tilespmem:$0x20];
	_ =	sdelay $0x4  }
0x4d: {  	v4 =	vadd.s32 s29, v4  }
0x4e: {  	[tilespmem:s25+$0x20] =	vst v4  }
0x4f: {  	v4 =	vld [tilespmem:$0x30];
	_ =	sdelay $0x2  }
.Ltmp0:
0x50: {  	(pc) =	sbr.rel @p0 .LBB2_2-.Ltmp0, $4  }
0x51: {  	_ = 	snop  }
0x52: {  	v4 =	vadd.s32 s29, v4  }
0x53: {  	[tilespmem:s25+$0x30] =	vst v4  }
0x54: {  	s28 =	sadd.s32 $0x8000, s28;
	v4 =	vld [tilespmem:$0x0]  }
0x55: {  	_ =	sdelay $0x2  }
0x56: {  	s26 =	sadd.s32 s26, s9  }
0x57: {  	s25 =	sadd.s32 $0x80, s25;
	v4 =	vadd.s32 s26, v4  }
0x58: {  	[tilespmem:s25+$0xFFFFFFC0] =	vst v4  }
0x59: {  	v4 =	vld [tilespmem:$0x10];
	_ =	sdelay $0x4  }
0x5a: {  	v4 =	vadd.s32 s26, v4  }
0x5b: {  	[tilespmem:s25+$0xFFFFFFD0] =	vst v4  }
0x5c: {  	v4 =	vld [tilespmem:$0x20];
	_ =	sdelay $0x4  }
0x5d: {  	v4 =	vadd.s32 s26, v4  }
0x5e: {  	[tilespmem:s25+$0xFFFFFFE0] =	vst v4  }
0x5f: {  	v4 =	vld [tilespmem:$0x30];
	_ =	sdelay $0x4  }
0x60: {  	v4 =	vadd.s32 s26, v4  }
0x61: {  	[tilespmem:s25+$0xFFFFFFF0] =	vst v4  }
0x62: {  	v4 =	vld [tilespmem:$0x0];
	_ =	sdelay $0x3  }
0x63: {  	s26 =	sadd.s32 $0x4000, s26  }
0x64: {  	v4 =	vadd.s32 s26, v4  }
0x65: {  	[tilespmem:s25+$0x0] =	vst v4  }
0x66: {  	v4 =	vld [tilespmem:$0x10];
	_ =	sdelay $0x4  }
0x67: {  	v4 =	vadd.s32 s26, v4  }
0x68: {  	[tilespmem:s25+$0x10] =	vst v4  }
0x69: {  	v4 =	vld [tilespmem:$0x20];
	_ =	sdelay $0x4  }
0x6a: {  	v4 =	vadd.s32 s26, v4  }
0x6b: {  	[tilespmem:s25+$0x20] =	vst v4  }
0x6c: {  	v4 =	vld [tilespmem:$0x30];
	_ =	sdelay $0x4  }
0x6d: {  	v4 =	vadd.s32 s26, v4  }
0x6e: {  	s29 =	simm.s32 $0x100;
	s30 =	simm.s32 $0x2100;
	[tilespmem:s25+$0x30] =	vst v4  }
0x6f: {  	[tilespmem:s30], [sflag:$0x1] =	stream.indirect.gather [hbm4b:s1+s11], $0x1, s29, s11, $0xb8;
	[tilespmem:$0x3180] =	vst v63  }
0x70: {  	s29 =	simm.s32 $0x180;
	s30 =	simm.s32 $0x2180  }
0x71: {  	[tilespmem:s30], [sflag:$0x1] =	stream.indirect.gather [hbm4b:s1+s11], $0x1, s29, s11, $0xb8;
	[tilespmem:$0x3180] =	vst v63  }
0x72: {  	s29 =	simm.s32 $0x200;
	s30 =	simm.s32 $0x2200  }
0x73: {  	[tilespmem:s30], [sflag:$0x1] =	stream.indirect.gather [hbm4b:s1+s11], $0x1, s29, s11, $0xb8;
	[tilespmem:$0x3180] =	vst v63  }
0x74: {  	s29 =	simm.s32 $0x280;
	s30 =	simm.s32 $0x2280  }
0x75: {  	[tilespmem:s30], [sflag:$0x1] =	stream.indirect.gather [hbm4b:s1+s11], $0x1, s29, s11, $0xb8;
	[tilespmem:$0x3180] =	vst v63  }
0x76: {  	s29 =	simm.s32 $0x300;
	s30 =	simm.s32 $0x2300  }
0x77: {  	[tilespmem:s30], [sflag:$0x1] =	stream.indirect.gather [hbm4b:s1+s11], $0x1, s29, s11, $0xb8;
	[tilespmem:$0x3180] =	vst v63  }
0x78: {  	s29 =	simm.s32 $0x380;
	s30 =	simm.s32 $0x2380  }
0x79: {  	[tilespmem:s30], [sflag:$0x1] =	stream.indirect.gather [hbm4b:s1+s11], $0x1, s29, s11, $0xb8;
	[tilespmem:$0x3180] =	vst v63  }
0x7a: {  	s29 =	simm.s32 $0x400;
	s30 =	simm.s32 $0x2400  }
0x7b: {  	[tilespmem:s30], [sflag:$0x1] =	stream.indirect.gather [hbm4b:s1+s11], $0x1, s29, s11, $0xb8;
	[tilespmem:$0x3180] =	vst v63  }
0x7c: {  	s26 =	simm.s32 $0x480;
	s29 =	simm.s32 $0x2480  }
0x7d: {  	[tilespmem:s29], [sflag:$0x1] =	stream.indirect.gather [hbm4b:s1+s11], $0x1, s26, s11, $0xb8;
	[tilespmem:$0x3180] =	vst v63  }
0x7e: {  	v4 =	vld [tilespmem:$0x0];
	_ =	sdelay $0x2  }
0x7f: {  	s30 =	sadd.s32 $0xFFFC0000, s9  }
0x80: {  	s28 =	sadd.s32 $0x80000, s30  }
0x81: {  	s25 =	simm.s32 $0x570;
	v4 =	vadd.s32 s28, v4  }
0x82: {  	[tilespmem:s25+$0xFFFFFF90] =	vst v4  }
0x83: {  	v4 =	vld [tilespmem:$0x10];
	_ =	sdelay $0x4  }
0x84: {  	v4 =	vadd.s32 s28, v4  }
0x85: {  	[tilespmem:s25+$0xFFFFFFA0] =	vst v4  }
0x86: {  	v4 =	vld [tilespmem:$0x20];
	_ =	sdelay $0x4  }
0x87: {  	v4 =	vadd.s32 s28, v4  }
0x88: {  	[tilespmem:s25+$0xFFFFFFB0] =	vst v4  }
0x89: {  	v4 =	vld [tilespmem:$0x30];
	_ =	sdelay $0x4  }
0x8a: {  	v4 =	vadd.s32 s28, v4  }
0x8b: {  	[tilespmem:s25+$0xFFFFFFC0] =	vst v4  }
0x8c: {  	v4 =	vld [tilespmem:$0x0];
	_ =	sdelay $0x3  }
0x8d: {  	s26 =	sadd.s32 $0x84000, s30  }
0x8e: {  	v4 =	vadd.s32 s26, v4  }
0x8f: {  	[tilespmem:s25+$0xFFFFFFD0] =	vst v4  }
0x90: {  	v4 =	vld [tilespmem:$0x10];
	_ =	sdelay $0x4  }
0x91: {  	v4 =	vadd.s32 s26, v4  }
0x92: {  	[tilespmem:s25+$0xFFFFFFE0] =	vst v4  }
0x93: {  	v4 =	vld [tilespmem:$0x20];
	_ =	sdelay $0x4  }
0x94: {  	v4 =	vadd.s32 s26, v4  }
0x95: {  	[tilespmem:s25+$0xFFFFFFF0] =	vst v4  }
0x96: {  	v4 =	vld [tilespmem:$0x30];
	_ =	sdelay $0x4  }
0x97: {  	v4 =	vadd.s32 s26, v4  }
0x98: {  	[tilespmem:s25+$0x0] =	vst v4  }
0x99: {  	s28 =	simm.s32 $0xFFFD0000;
	s26 =	simm.s32 $0xFFFC8000;
	v4 =	vld [tilespmem:$0x0]  }
.LBB2_4:
0x9a: {  	p0 =	sne.s32 s28, $0xFFFF8000;
	_ =	sdelay $0x1  }
0x9b: {  	s29 =	sadd.s32 s26, s9;
	s26 =	smov.u32 s28  }
0x9c: {  	s30 =	sadd.s32 $0x80000, s29  }
0x9d: {  	s25 =	sadd.s32 $0x80, s25;
	v4 =	vadd.s32 s30, v4  }
0x9e: {  	[tilespmem:s25+$0xFFFFFF90] =	vst v4  }
0x9f: {  	v4 =	vld [tilespmem:$0x10];
	_ =	sdelay $0x4  }
0xa0: {  	v4 =	vadd.s32 s30, v4  }
0xa1: {  	[tilespmem:s25+$0xFFFFFFA0] =	vst v4  }
0xa2: {  	v4 =	vld [tilespmem:$0x20];
	_ =	sdelay $0x4  }
0xa3: {  	v4 =	vadd.s32 s30, v4  }
0xa4: {  	[tilespmem:s25+$0xFFFFFFB0] =	vst v4  }
0xa5: {  	v4 =	vld [tilespmem:$0x30];
	_ =	sdelay $0x4  }
0xa6: {  	v4 =	vadd.s32 s30, v4  }
0xa7: {  	[tilespmem:s25+$0xFFFFFFC0] =	vst v4  }
0xa8: {  	v4 =	vld [tilespmem:$0x0];
	_ =	sdelay $0x3  }
0xa9: {  	s29 =	sadd.s32 $0x84000, s29  }
0xaa: {  	v4 =	vadd.s32 s29, v4  }
0xab: {  	[tilespmem:s25+$0xFFFFFFD0] =	vst v4  }
0xac: {  	v4 =	vld [tilespmem:$0x10];
	_ =	sdelay $0x4  }
0xad: {  	v4 =	vadd.s32 s29, v4  }
0xae: {  	[tilespmem:s25+$0xFFFFFFE0] =	vst v4  }
0xaf: {  	v4 =	vld [tilespmem:$0x20];
	_ =	sdelay $0x4  }
0xb0: {  	v4 =	vadd.s32 s29, v4  }
0xb1: {  	[tilespmem:s25+$0xFFFFFFF0] =	vst v4  }
0xb2: {  	v4 =	vld [tilespmem:$0x30];
	_ =	sdelay $0x2  }
.Ltmp1:
0xb3: {  	(pc) =	sbr.rel @p0 .LBB2_4-.Ltmp1, $4  }
0xb4: {  	_ = 	snop  }
0xb5: {  	v4 =	vadd.s32 s29, v4  }
0xb6: {  	[tilespmem:s25+$0x0] =	vst v4  }
0xb7: {  	s28 =	sadd.s32 $0x8000, s28;
	v4 =	vld [tilespmem:$0x0]  }
0xb8: {  	_ =	sdelay $0x1  }
0xb9: {  	s26 =	sadd.s32 s26, s9  }
0xba: {  	s28 =	sadd.s32 $0x80000, s26  }
0xbb: {  	s25 =	sadd.s32 $0x80, s25;
	v4 =	vadd.s32 s28, v4  }
0xbc: {  	[tilespmem:s25+$0xFFFFFF90] =	vst v4  }
0xbd: {  	v4 =	vld [tilespmem:$0x10];
	_ =	sdelay $0x4  }
0xbe: {  	v4 =	vadd.s32 s28, v4  }
0xbf: {  	[tilespmem:s25+$0xFFFFFFA0] =	vst v4  }
0xc0: {  	v4 =	vld [tilespmem:$0x20];
	_ =	sdelay $0x4  }
0xc1: {  	v4 =	vadd.s32 s28, v4  }
0xc2: {  	[tilespmem:s25+$0xFFFFFFB0] =	vst v4  }
0xc3: {  	v4 =	vld [tilespmem:$0x30];
	_ =	sdelay $0x4  }
0xc4: {  	v4 =	vadd.s32 s28, v4  }
0xc5: {  	[tilespmem:s25+$0xFFFFFFC0] =	vst v4  }
0xc6: {  	v4 =	vld [tilespmem:$0x0];
	_ =	sdelay $0x3  }
0xc7: {  	s26 =	sadd.s32 $0x84000, s26  }
0xc8: {  	v4 =	vadd.s32 s26, v4  }
0xc9: {  	[tilespmem:s25+$0xFFFFFFD0] =	vst v4  }
0xca: {  	v4 =	vld [tilespmem:$0x10];
	_ =	sdelay $0x4  }
0xcb: {  	v4 =	vadd.s32 s26, v4  }
0xcc: {  	[tilespmem:s25+$0xFFFFFFE0] =	vst v4  }
0xcd: {  	v4 =	vld [tilespmem:$0x20];
	_ =	sdelay $0x4  }
0xce: {  	v4 =	vadd.s32 s26, v4  }
0xcf: {  	[tilespmem:s25+$0xFFFFFFF0] =	vst v4  }
0xd0: {  	v4 =	vld [tilespmem:$0x30];
	_ =	sdelay $0x4  }
0xd1: {  	v4 =	vadd.s32 s26, v4  }
0xd2: {  	s29 =	simm.s32 $0x500;
	s30 =	simm.s32 $0x2500;
	[tilespmem:s25+$0x0] =	vst v4  }
0xd3: {  	[tilespmem:s30], [sflag:$0x2] =	stream.indirect.gather [hbm4b:s1+s11], $0x1, s29, s11, $0xb8;
	[tilespmem:$0x3180] =	vst v63  }
0xd4: {  	s29 =	simm.s32 $0x580;
	s30 =	simm.s32 $0x2580  }
0xd5: {  	[tilespmem:s30], [sflag:$0x2] =	stream.indirect.gather [hbm4b:s1+s11], $0x1, s29, s11, $0xb8;
	[tilespmem:$0x3180] =	vst v63  }
0xd6: {  	s29 =	simm.s32 $0x600;
	s30 =	simm.s32 $0x2600  }
0xd7: {  	[tilespmem:s30], [sflag:$0x2] =	stream.indirect.gather [hbm4b:s1+s11], $0x1, s29, s11, $0xb8;
	[tilespmem:$0x3180] =	vst v63  }
0xd8: {  	s29 =	simm.s32 $0x680;
	s30 =	simm.s32 $0x2680  }
0xd9: {  	[tilespmem:s30], [sflag:$0x2] =	stream.indirect.gather [hbm4b:s1+s11], $0x1, s29, s11, $0xb8;
	[tilespmem:$0x3180] =	vst v63  }
0xda: {  	s29 =	simm.s32 $0x700;
	s30 =	simm.s32 $0x2700  }
0xdb: {  	[tilespmem:s30], [sflag:$0x2] =	stream.indirect.gather [hbm4b:s1+s11], $0x1, s29, s11, $0xb8;
	[tilespmem:$0x3180] =	vst v63  }
0xdc: {  	s29 =	simm.s32 $0x780;
	s30 =	simm.s32 $0x2780  }
0xdd: {  	[tilespmem:s30], [sflag:$0x2] =	stream.indirect.gather [hbm4b:s1+s11], $0x1, s29, s11, $0xb8;
	[tilespmem:$0x3180] =	vst v63  }
0xde: {  	s29 =	simm.s32 $0x800;
	s30 =	simm.s32 $0x2800  }
0xdf: {  	[tilespmem:s30], [sflag:$0x2] =	stream.indirect.gather [hbm4b:s1+s11], $0x1, s29, s11, $0xb8;
	[tilespmem:$0x3180] =	vst v63  }
0xe0: {  	s26 =	simm.s32 $0x880;
	s29 =	simm.s32 $0x2880  }
0xe1: {  	[tilespmem:s29], [sflag:$0x2] =	stream.indirect.gather [hbm4b:s1+s11], $0x1, s26, s11, $0xb8;
	[tilespmem:$0x3180] =	vst v63  }
0xe2: {  	v4 =	vld [tilespmem:$0x0];
	_ =	sdelay $0x2  }
0xe3: {  	s30 =	sadd.s32 $0xFFFC0000, s9  }
0xe4: {  	s28 =	sadd.s32 $0xC0000, s30  }
0xe5: {  	s25 =	simm.s32 $0x970;
	v4 =	vadd.s32 s28, v4  }
0xe6: {  	[tilespmem:s25+$0xFFFFFF90] =	vst v4  }
0xe7: {  	v4 =	vld [tilespmem:$0x10];
	_ =	sdelay $0x4  }
0xe8: {  	v4 =	vadd.s32 s28, v4  }
0xe9: {  	[tilespmem:s25+$0xFFFFFFA0] =	vst v4  }
0xea: {  	v4 =	vld [tilespmem:$0x20];
	_ =	sdelay $0x4  }
0xeb: {  	v4 =	vadd.s32 s28, v4  }
0xec: {  	[tilespmem:s25+$0xFFFFFFB0] =	vst v4  }
0xed: {  	v4 =	vld [tilespmem:$0x30];
	_ =	sdelay $0x4  }
0xee: {  	v4 =	vadd.s32 s28, v4  }
0xef: {  	[tilespmem:s25+$0xFFFFFFC0] =	vst v4  }
0xf0: {  	v4 =	vld [tilespmem:$0x0];
	_ =	sdelay $0x3  }
0xf1: {  	s26 =	sadd.s32 $0xC4000, s30  }
0xf2: {  	v4 =	vadd.s32 s26, v4  }
0xf3: {  	[tilespmem:s25+$0xFFFFFFD0] =	vst v4  }
0xf4: {  	v4 =	vld [tilespmem:$0x10];
	_ =	sdelay $0x4  }
0xf5: {  	v4 =	vadd.s32 s26, v4  }
0xf6: {  	[tilespmem:s25+$0xFFFFFFE0] =	vst v4  }
0xf7: {  	v4 =	vld [tilespmem:$0x20];
	_ =	sdelay $0x4  }
0xf8: {  	v4 =	vadd.s32 s26, v4  }
0xf9: {  	[tilespmem:s25+$0xFFFFFFF0] =	vst v4  }
0xfa: {  	v4 =	vld [tilespmem:$0x30];
	_ =	sdelay $0x4  }
0xfb: {  	v4 =	vadd.s32 s26, v4  }
0xfc: {  	[tilespmem:s25+$0x0] =	vst v4  }
0xfd: {  	s28 =	simm.s32 $0xFFFD0000;
	s26 =	simm.s32 $0xFFFC8000;
	v4 =	vld [tilespmem:$0x0]  }
.LBB2_6:
0xfe: {  	p0 =	sne.s32 s28, $0xFFFF8000;
	_ =	sdelay $0x1  }
0xff: {  	s29 =	sadd.s32 s26, s9;
	s26 =	smov.u32 s28  }
0x100: {  	s30 =	sadd.s32 $0xC0000, s29  }
0x101: {  	s25 =	sadd.s32 $0x80, s25;
	v4 =	vadd.s32 s30, v4  }
0x102: {  	[tilespmem:s25+$0xFFFFFF90] =	vst v4  }
0x103: {  	v4 =	vld [tilespmem:$0x10];
	_ =	sdelay $0x4  }
0x104: {  	v4 =	vadd.s32 s30, v4  }
0x105: {  	[tilespmem:s25+$0xFFFFFFA0] =	vst v4  }
0x106: {  	v4 =	vld [tilespmem:$0x20];
	_ =	sdelay $0x4  }
0x107: {  	v4 =	vadd.s32 s30, v4  }
0x108: {  	[tilespmem:s25+$0xFFFFFFB0] =	vst v4  }
0x109: {  	v4 =	vld [tilespmem:$0x30];
	_ =	sdelay $0x4  }
0x10a: {  	v4 =	vadd.s32 s30, v4  }
0x10b: {  	[tilespmem:s25+$0xFFFFFFC0] =	vst v4  }
0x10c: {  	v4 =	vld [tilespmem:$0x0];
	_ =	sdelay $0x3  }
0x10d: {  	s29 =	sadd.s32 $0xC4000, s29  }
0x10e: {  	v4 =	vadd.s32 s29, v4  }
0x10f: {  	[tilespmem:s25+$0xFFFFFFD0] =	vst v4  }
0x110: {  	v4 =	vld [tilespmem:$0x10];
	_ =	sdelay $0x4  }
0x111: {  	v4 =	vadd.s32 s29, v4  }
0x112: {  	[tilespmem:s25+$0xFFFFFFE0] =	vst v4  }
0x113: {  	v4 =	vld [tilespmem:$0x20];
	_ =	sdelay $0x4  }
0x114: {  	v4 =	vadd.s32 s29, v4  }
0x115: {  	[tilespmem:s25+$0xFFFFFFF0] =	vst v4  }
0x116: {  	v4 =	vld [tilespmem:$0x30];
	_ =	sdelay $0x2  }
.Ltmp2:
0x117: {  	(pc) =	sbr.rel @p0 .LBB2_6-.Ltmp2, $4  }
0x118: {  	_ = 	snop  }
0x119: {  	v4 =	vadd.s32 s29, v4  }
0x11a: {  	[tilespmem:s25+$0x0] =	vst v4  }
0x11b: {  	s28 =	sadd.s32 $0x8000, s28;
	v4 =	vld [tilespmem:$0x0]  }
0x11c: {  	_ =	sdelay $0x1  }
0x11d: {  	s26 =	sadd.s32 s26, s9  }
0x11e: {  	s28 =	sadd.s32 $0xC0000, s26  }
0x11f: {  	s25 =	sadd.s32 $0x80, s25;
	v4 =	vadd.s32 s28, v4  }
0x120: {  	[tilespmem:s25+$0xFFFFFF90] =	vst v4  }
0x121: {  	v4 =	vld [tilespmem:$0x10];
	_ =	sdelay $0x4  }
0x122: {  	v4 =	vadd.s32 s28, v4  }
0x123: {  	[tilespmem:s25+$0xFFFFFFA0] =	vst v4  }
0x124: {  	v4 =	vld [tilespmem:$0x20];
	_ =	sdelay $0x4  }
0x125: {  	v4 =	vadd.s32 s28, v4  }
0x126: {  	[tilespmem:s25+$0xFFFFFFB0] =	vst v4  }
0x127: {  	v4 =	vld [tilespmem:$0x30];
	_ =	sdelay $0x4  }
0x128: {  	v4 =	vadd.s32 s28, v4  }
0x129: {  	[tilespmem:s25+$0xFFFFFFC0] =	vst v4  }
0x12a: {  	v4 =	vld [tilespmem:$0x0];
	_ =	sdelay $0x3  }
0x12b: {  	s26 =	sadd.s32 $0xC4000, s26  }
0x12c: {  	v4 =	vadd.s32 s26, v4  }
0x12d: {  	[tilespmem:s25+$0xFFFFFFD0] =	vst v4  }
0x12e: {  	v4 =	vld [tilespmem:$0x10];
	_ =	sdelay $0x4  }
0x12f: {  	v4 =	vadd.s32 s26, v4  }
0x130: {  	[tilespmem:s25+$0xFFFFFFE0] =	vst v4  }
0x131: {  	v4 =	vld [tilespmem:$0x20];
	_ =	sdelay $0x4  }
0x132: {  	v4 =	vadd.s32 s26, v4  }
0x133: {  	[tilespmem:s25+$0xFFFFFFF0] =	vst v4  }
0x134: {  	v4 =	vld [tilespmem:$0x30];
	_ =	sdelay $0x4  }
0x135: {  	v4 =	vadd.s32 s26, v4  }
0x136: {  	s29 =	simm.s32 $0x900;
	s30 =	simm.s32 $0x2900;
	[tilespmem:s25+$0x0] =	vst v4  }
0x137: {  	[tilespmem:s30], [sflag:$0x3] =	stream.indirect.gather [hbm4b:s1+s11], $0x1, s29, s11, $0xb8;
	[tilespmem:$0x3180] =	vst v63  }
0x138: {  	s29 =	simm.s32 $0x980;
	s30 =	simm.s32 $0x2980  }
0x139: {  	[tilespmem:s30], [sflag:$0x3] =	stream.indirect.gather [hbm4b:s1+s11], $0x1, s29, s11, $0xb8;
	[tilespmem:$0x3180] =	vst v63  }
0x13a: {  	s29 =	simm.s32 $0xA00;
	s30 =	simm.s32 $0x2A00  }
0x13b: {  	[tilespmem:s30], [sflag:$0x3] =	stream.indirect.gather [hbm4b:s1+s11], $0x1, s29, s11, $0xb8;
	[tilespmem:$0x3180] =	vst v63  }
0x13c: {  	s29 =	simm.s32 $0xA80;
	s30 =	simm.s32 $0x2A80  }
0x13d: {  	[tilespmem:s30], [sflag:$0x3] =	stream.indirect.gather [hbm4b:s1+s11], $0x1, s29, s11, $0xb8;
	[tilespmem:$0x3180] =	vst v63  }
0x13e: {  	s29 =	simm.s32 $0xB00;
	s30 =	simm.s32 $0x2B00  }
0x13f: {  	[tilespmem:s30], [sflag:$0x3] =	stream.indirect.gather [hbm4b:s1+s11], $0x1, s29, s11, $0xb8;
	[tilespmem:$0x3180] =	vst v63  }
0x140: {  	s29 =	simm.s32 $0xB80;
	s30 =	simm.s32 $0x2B80  }
0x141: {  	[tilespmem:s30], [sflag:$0x3] =	stream.indirect.gather [hbm4b:s1+s11], $0x1, s29, s11, $0xb8;
	[tilespmem:$0x3180] =	vst v63  }
0x142: {  	s29 =	simm.s32 $0xC00;
	s30 =	simm.s32 $0x2C00  }
0x143: {  	[tilespmem:s30], [sflag:$0x3] =	stream.indirect.gather [hbm4b:s1+s11], $0x1, s29, s11, $0xb8;
	[tilespmem:$0x3180] =	vst v63  }
0x144: {  	s26 =	simm.s32 $0xC80;
	s29 =	simm.s32 $0x2C80  }
0x145: {  	[tilespmem:s29], [sflag:$0x3] =	stream.indirect.gather [hbm4b:s1+s11], $0x1, s26, s11, $0xb8;
	[tilespmem:$0x3180] =	vst v63  }
0x146: {  	v4 =	vld [tilespmem:$0x0];
	_ =	sdelay $0x2  }
0x147: {  	s30 =	sadd.s32 $0xFFFC0000, s9  }
0x148: {  	s28 =	sadd.s32 $0x100000, s30  }
0x149: {  	s25 =	simm.s32 $0xD70;
	v4 =	vadd.s32 s28, v4  }
0x14a: {  	[tilespmem:s25+$0xFFFFFF90] =	vst v4  }
0x14b: {  	v4 =	vld [tilespmem:$0x10];
	_ =	sdelay $0x4  }
0x14c: {  	v4 =	vadd.s32 s28, v4  }
0x14d: {  	[tilespmem:s25+$0xFFFFFFA0] =	vst v4  }
0x14e: {  	v4 =	vld [tilespmem:$0x20];
	_ =	sdelay $0x4  }
0x14f: {  	v4 =	vadd.s32 s28, v4  }
0x150: {  	[tilespmem:s25+$0xFFFFFFB0] =	vst v4  }
0x151: {  	v4 =	vld [tilespmem:$0x30];
	_ =	sdelay $0x4  }
0x152: {  	v4 =	vadd.s32 s28, v4  }
0x153: {  	[tilespmem:s25+$0xFFFFFFC0] =	vst v4  }
0x154: {  	v4 =	vld [tilespmem:$0x0];
	_ =	sdelay $0x3  }
0x155: {  	s26 =	sadd.s32 $0x104000, s30  }
0x156: {  	v4 =	vadd.s32 s26, v4  }
0x157: {  	[tilespmem:s25+$0xFFFFFFD0] =	vst v4  }
0x158: {  	v4 =	vld [tilespmem:$0x10];
	_ =	sdelay $0x4  }
0x159: {  	v4 =	vadd.s32 s26, v4  }
0x15a: {  	[tilespmem:s25+$0xFFFFFFE0] =	vst v4  }
0x15b: {  	v4 =	vld [tilespmem:$0x20];
	_ =	sdelay $0x4  }
0x15c: {  	v4 =	vadd.s32 s26, v4  }
0x15d: {  	[tilespmem:s25+$0xFFFFFFF0] =	vst v4  }
0x15e: {  	v4 =	vld [tilespmem:$0x30];
	_ =	sdelay $0x4  }
0x15f: {  	v4 =	vadd.s32 s26, v4  }
0x160: {  	[tilespmem:s25+$0x0] =	vst v4  }
0x161: {  	s28 =	simm.s32 $0xFFFD0000;
	s26 =	simm.s32 $0xFFFC8000;
	v4 =	vld [tilespmem:$0x0]  }
.LBB2_8:
0x162: {  	p0 =	sne.s32 s28, $0xFFFF8000;
	_ =	sdelay $0x1  }
0x163: {  	s29 =	sadd.s32 s26, s9;
	s26 =	smov.u32 s28  }
0x164: {  	s30 =	sadd.s32 $0x100000, s29  }
0x165: {  	s25 =	sadd.s32 $0x80, s25;
	v4 =	vadd.s32 s30, v4  }
0x166: {  	[tilespmem:s25+$0xFFFFFF90] =	vst v4  }
0x167: {  	v4 =	vld [tilespmem:$0x10];
	_ =	sdelay $0x4  }
0x168: {  	v4 =	vadd.s32 s30, v4  }
0x169: {  	[tilespmem:s25+$0xFFFFFFA0] =	vst v4  }
0x16a: {  	v4 =	vld [tilespmem:$0x20];
	_ =	sdelay $0x4  }
0x16b: {  	v4 =	vadd.s32 s30, v4  }
0x16c: {  	[tilespmem:s25+$0xFFFFFFB0] =	vst v4  }
0x16d: {  	v4 =	vld [tilespmem:$0x30];
	_ =	sdelay $0x4  }
0x16e: {  	v4 =	vadd.s32 s30, v4  }
0x16f: {  	[tilespmem:s25+$0xFFFFFFC0] =	vst v4  }
0x170: {  	v4 =	vld [tilespmem:$0x0];
	_ =	sdelay $0x3  }
0x171: {  	s29 =	sadd.s32 $0x104000, s29  }
0x172: {  	v4 =	vadd.s32 s29, v4  }
0x173: {  	[tilespmem:s25+$0xFFFFFFD0] =	vst v4  }
0x174: {  	v4 =	vld [tilespmem:$0x10];
	_ =	sdelay $0x4  }
0x175: {  	v4 =	vadd.s32 s29, v4  }
0x176: {  	[tilespmem:s25+$0xFFFFFFE0] =	vst v4  }
0x177: {  	v4 =	vld [tilespmem:$0x20];
	_ =	sdelay $0x4  }
0x178: {  	v4 =	vadd.s32 s29, v4  }
0x179: {  	[tilespmem:s25+$0xFFFFFFF0] =	vst v4  }
0x17a: {  	v4 =	vld [tilespmem:$0x30];
	_ =	sdelay $0x2  }
.Ltmp3:
0x17b: {  	(pc) =	sbr.rel @p0 .LBB2_8-.Ltmp3, $4  }
0x17c: {  	_ = 	snop  }
0x17d: {  	v4 =	vadd.s32 s29, v4  }
0x17e: {  	[tilespmem:s25+$0x0] =	vst v4  }
0x17f: {  	s28 =	sadd.s32 $0x8000, s28;
	v4 =	vld [tilespmem:$0x0]  }
0x180: {  	_ =	sdelay $0x1  }
0x181: {  	s26 =	sadd.s32 s26, s9  }
0x182: {  	s28 =	sadd.s32 $0x100000, s26  }
0x183: {  	s25 =	sadd.s32 $0x80, s25;
	v4 =	vadd.s32 s28, v4  }
0x184: {  	[tilespmem:s25+$0xFFFFFF90] =	vst v4  }
0x185: {  	v4 =	vld [tilespmem:$0x10];
	_ =	sdelay $0x4  }
0x186: {  	v4 =	vadd.s32 s28, v4  }
0x187: {  	[tilespmem:s25+$0xFFFFFFA0] =	vst v4  }
0x188: {  	v4 =	vld [tilespmem:$0x20];
	_ =	sdelay $0x4  }
0x189: {  	v4 =	vadd.s32 s28, v4  }
0x18a: {  	[tilespmem:s25+$0xFFFFFFB0] =	vst v4  }
0x18b: {  	v4 =	vld [tilespmem:$0x30];
	_ =	sdelay $0x4  }
0x18c: {  	v4 =	vadd.s32 s28, v4  }
0x18d: {  	[tilespmem:s25+$0xFFFFFFC0] =	vst v4  }
0x18e: {  	v4 =	vld [tilespmem:$0x0];
	_ =	sdelay $0x3  }
0x18f: {  	s26 =	sadd.s32 $0x104000, s26  }
0x190: {  	v4 =	vadd.s32 s26, v4  }
0x191: {  	[tilespmem:s25+$0xFFFFFFD0] =	vst v4  }
0x192: {  	v4 =	vld [tilespmem:$0x10];
	_ =	sdelay $0x4  }
0x193: {  	v4 =	vadd.s32 s26, v4  }
0x194: {  	[tilespmem:s25+$0xFFFFFFE0] =	vst v4  }
0x195: {  	v4 =	vld [tilespmem:$0x20];
	_ =	sdelay $0x4  }
0x196: {  	v4 =	vadd.s32 s26, v4  }
0x197: {  	[tilespmem:s25+$0xFFFFFFF0] =	vst v4  }
0x198: {  	v4 =	vld [tilespmem:$0x30];
	_ =	sdelay $0x4  }
0x199: {  	v4 =	vadd.s32 s26, v4  }
0x19a: {  	s29 =	simm.s32 $0xD00;
	s30 =	simm.s32 $0x2D00;
	[tilespmem:s25+$0x0] =	vst v4  }
0x19b: {  	[tilespmem:s30], [sflag:$0x4] =	stream.indirect.gather [hbm4b:s1+s11], $0x1, s29, s11, $0xb8;
	[tilespmem:$0x3180] =	vst v63  }
0x19c: {  	s29 =	simm.s32 $0xD80;
	s30 =	simm.s32 $0x2D80  }
0x19d: {  	[tilespmem:s30], [sflag:$0x4] =	stream.indirect.gather [hbm4b:s1+s11], $0x1, s29, s11, $0xb8;
	[tilespmem:$0x3180] =	vst v63  }
0x19e: {  	s29 =	simm.s32 $0xE00;
	s30 =	simm.s32 $0x2E00  }
0x19f: {  	[tilespmem:s30], [sflag:$0x4] =	stream.indirect.gather [hbm4b:s1+s11], $0x1, s29, s11, $0xb8;
	[tilespmem:$0x3180] =	vst v63  }
0x1a0: {  	s29 =	simm.s32 $0xE80;
	s30 =	simm.s32 $0x2E80  }
0x1a1: {  	[tilespmem:s30], [sflag:$0x4] =	stream.indirect.gather [hbm4b:s1+s11], $0x1, s29, s11, $0xb8;
	[tilespmem:$0x3180] =	vst v63  }
0x1a2: {  	s29 =	simm.s32 $0xF00  }
0x1a3: {  	[tilespmem:s31], [sflag:$0x4] =	stream.indirect.gather [hbm4b:s1+s11], $0x1, s29, s11, $0xb8;
	[tilespmem:$0x3180] =	vst v63  }
0x1a4: {  	_ = 	snop  }
0x1a5: {  	[tilespmem:s2], [sflag:$0x4] =	stream.indirect.gather [hbm4b:s1+s11], $0x1, s0, s11, $0xb8;
	[tilespmem:$0x3180] =	vst v63  }
0x1a6: {  	_ = 	snop  }
0x1a7: {  	[tilespmem:s14], [sflag:$0x4] =	stream.indirect.gather [hbm4b:s1+s11], $0x1, s13, s11, $0xb8;
	[tilespmem:$0x3180] =	vst v63  }
0x1a8: {  	_ = 	snop  }
0x1a9: {  	[tilespmem:s16], [sflag:$0x4] =	stream.indirect.gather [hbm4b:s1+s11], $0x1, s15, s11, $0xb8;
	[tilespmem:$0x3180] =	vst v63  }
0x1aa: {  	_ =	swait.ge [sflag:s17], $0x1000  }
0x1ab: {  	[sflag:s17] =	ssyncset.done $0x0  }
0x1ac: {  	[sflag:s17] =	ssyncadd.s32 $0xFFFFF000  }
0x1ad: {  	_ =	swait.ge [sflag:s17], $0x40  }
0x1ae: {  	[sflag:s17] =	ssyncset.done $0x0  }
0x1af: {  	[sflag:s17] =	ssyncadd.s32 $0xFFFFFFC0  }
0x1b0: {  	_ =	swait.ge [sflag:s18], $0x80  }
0x1b1: {  	[sflag:s18] =	ssyncset.done $0x0  }
0x1b2: {  	[sflag:s18] =	ssyncadd.s32 $0xFFFFFF80  }
0x1b3: {  	_ =	swait.ge [sflag:s18], $0x80  }
0x1b4: {  	[sflag:s18] =	ssyncset.done $0x0  }
0x1b5: {  	[sflag:s18] =	ssyncadd.s32 $0xFFFFFF80  }
0x1b6: {  	_ =	swait.ge [sflag:s18], $0x80  }
0x1b7: {  	[sflag:s18] =	ssyncset.done $0x0  }
0x1b8: {  	[sflag:s18] =	ssyncadd.s32 $0xFFFFFF80  }
0x1b9: {  	_ =	swait.ge [sflag:s18], $0x80  }
0x1ba: {  	[sflag:s18] =	ssyncset.done $0x0  }
0x1bb: {  	[sflag:s18] =	ssyncadd.s32 $0xFFFFFF80  }
0x1bc: {  	_ =	swait.ge [sflag:s18], $0x80  }
0x1bd: {  	[sflag:s18] =	ssyncset.done $0x0  }
0x1be: {  	[sflag:s18] =	ssyncadd.s32 $0xFFFFFF80  }
0x1bf: {  	_ =	swait.ge [sflag:s18], $0x80  }
0x1c0: {  	[sflag:s18] =	ssyncset.done $0x0  }
0x1c1: {  	[sflag:s18] =	ssyncadd.s32 $0xFFFFFF80  }
0x1c2: {  	_ =	swait.ge [sflag:s18], $0x80  }
0x1c3: {  	[sflag:s18] =	ssyncset.done $0x0  }
0x1c4: {  	[sflag:s18] =	ssyncadd.s32 $0xFFFFFF80  }
0x1c5: {  	_ =	swait.ge [sflag:s18], $0x80  }
0x1c6: {  	[sflag:s18] =	ssyncset.done $0x0  }
0x1c7: {  	s26 =	simm.s32 $0x2180;
	[sflag:s18] =	ssyncadd.s32 $0xFFFFFF80  }
0x1c8: {  	v4 =	vld [tilespmem:s26+$0x40]  }
0x1c9: {  	v6 =	vld [tilespmem:s26+$0x50]  }
0x1ca: {  	v5 =	vld [tilespmem:s26+$0x60]  }
0x1cb: {  	v9 =	vld [tilespmem:s26+$0x70]  }
0x1cc: {  	v7 =	vld [tilespmem:s26+$0x0]  }
0x1cd: {  	v13 =	vld [tilespmem:s26+$0x10]  }
0x1ce: {  	v11 =	vld [tilespmem:s26+$0x20]  }
0x1cf: {  	v17 =	vld [tilespmem:s26+$0x30]  }
0x1d0: {  	v15 =	vld [tilespmem:s26+$0xFFFFFFC0]  }
0x1d1: {  	s30 =	simm.s32 $0x0;
	v20 =	vld [tilespmem:s26+$0xFFFFFFD0]  }
0x1d2: {  	v8 =	vor.u32 s30, v0;
	v21 =	vld [tilespmem:s26+$0xFFFFFFE0]  }
0x1d3: {  	v10 =	vor.u32 s30, v1;
	v12 =	vld [tilespmem:s26+$0xFFFFFF80]  }
0x1d4: {  	v14 =	vor.u32 s30, v2;
	v16 =	vld [tilespmem:s26+$0xFFFFFF90]  }
0x1d5: {  	v18 =	vor.u32 s30, v3;
	s29 =	simm.s32 $0x3;
	v22 =	vld [tilespmem:s26+$0xFFFFFFA0]  }
0x1d6: {  	v19 =	vor.u32 s29, v0;
	v23 =	vld [tilespmem:s26+$0xFFFFFFB0]  }
0x1d7: {  	v24 =	vor.u32 s29, v1;
	v8 =	vld.idx.msk [tilespmem:v8+s10+$0x0], $0xffff  }
0x1d8: {  	v25 =	vor.u32 s29, v2;
	v10 =	vld.idx.msk [tilespmem:v10+s10+$0x0], $0xffff  }
0x1d9: {  	s28 =	simm.s32 $0x2;
	v26 =	vor.u32 s29, v3;
	v14 =	vld.idx.msk [tilespmem:v14+s10+$0x0], $0xffff  }
0x1da: {  	v28 =	vor.u32 s28, v0;
	v27 =	vld.idx.msk [tilespmem:v18+s10+$0x0], $0xffff  }
0x1db: {  	v29 =	vor.u32 s28, v1;
	v40 =	vld.idx.msk [tilespmem:v19+s10+$0x0], $0xffff  }
0x1dc: {  	v30 =	vor.u32 s28, v2;
	v24 =	vld.idx.msk [tilespmem:v24+s10+$0x0], $0xffff  }
0x1dd: {  	v31 =	vor.u32 s28, v3;
	s30 =	simm.s32 $0x1;
	v18 =	vld.idx.msk [tilespmem:v25+s10+$0x0], $0xffff  }
0x1de: {  	v39 =	vor.u32 s30, v3;
	v36 =	vld.idx.msk [tilespmem:v26+s10+$0x0], $0xffff  }
0x1df: {  	v25 =	vor.u32 s30, v0;
	v19 =	vld.idx.msk [tilespmem:v28+s10+$0x0], $0xffff  }
0x1e0: {  	v26 =	vor.u32 s30, v1;
	v38 =	vld.idx.msk [tilespmem:v29+s10+$0x0], $0xffff  }
0x1e1: {  	v28 =	vor.u32 s30, v2;
	v35 =	vld.idx.msk [tilespmem:v30+s10+$0x0], $0xffff  }
0x1e2: {  	v37 =	vld.idx.msk [tilespmem:v31+s10+$0x0], $0xffff  }
0x1e3: {  	v39 =	vld.idx.msk [tilespmem:v39+s10+$0x0], $0xffff  }
0x1e4: {  	v32 =	vld.idx.msk [tilespmem:v25+s10+$0x0], $0xffff;
	v29 =	vsub.f32 v12, v8;
	v30 =	vsub.f32 v16, v10  }
0x1e5: {  	v33 =	vld.idx.msk [tilespmem:v26+s10+$0x0], $0xffff;
	v31 =	vsub.f32 v22, v14;
	v27 =	vsub.f32 v23, v27  }
0x1e6: {  	v34 =	vld.idx.msk [tilespmem:v28+s10+$0x0], $0xffff;
	v23 =	vimm.f32 $0.0e+00;
	v28 =	vsub.f32 v4, v40;
	v26 =	vsub.f32 v6, v24  }
0x1e7: {  	s28 =	simm.s32 $0x2280;
	s25 =	simm.s32 $0x0;
	v40 =	vld [tilespmem:s26+$0xFFFFFFF0];
	s26 =	simm.s32 $0x4;
	v25 =	vimm.f32 $0.0e+00;
	v24 =	vimm.f32 $0.0e+00;
	v22 =	vimm.f32 $0.0e+00  }
.LBB2_10:
0x1e8: {  	v6 =	vor.u32 s26, v0;
	v4 =	vld [tilespmem:s28+$0x40];
	v8 =	vsub.f32 v5, v18;
	v10 =	vsub.f32 v9, v36  }
0x1e9: {  	v12 =	vor.u32 s26, v1;
	v16 =	vsub.f32 v7, v19;
	v18 =	vsub.f32 v13, v38;
	v14 =	vld [tilespmem:s28+$0x50]  }
0x1ea: {  	v19 =	vor.u32 s26, v2;
	v35 =	vsub.f32 v11, v35;
	v36 =	vsub.f32 v17, v37;
	v5 =	vld [tilespmem:s28+$0x60]  }
0x1eb: {  	v37 =	vor.u32 s26, v3;
	s29 =	sadd.s32 $0x3, s26;
	v15 =	vsub.f32 v15, v32;
	v20 =	vsub.f32 v20, v33;
	v9 =	vld [tilespmem:s28+$0x70]  }
0x1ec: {  	v32 =	vor.u32 s29, v0;
	v21 =	vsub.f32 v21, v34;
	v7 =	vld [tilespmem:s28+$0x0];
	v33 =	vsub.f32 v40, v39  }
0x1ed: {  	v29 =	vand.u32 $0x7FFFFFFF, v29;
	v30 =	vand.u32 $0x7FFFFFFF, v30;
	v31 =	vand.u32 $0x7FFFFFFF, v31;
	v13 =	vld [tilespmem:s28+$0x10]  }
0x1ee: {  	v27 =	vand.u32 $0x7FFFFFFF, v27;
	v28 =	vand.u32 $0x7FFFFFFF, v28;
	v26 =	vand.u32 $0x7FFFFFFF, v26;
	v11 =	vld [tilespmem:s28+$0x20]  }
0x1ef: {  	v34 =	vand.u32 $0x7FFFFFFF, v15;
	v16 =	vand.u32 $0x7FFFFFFF, v16;
	v18 =	vand.u32 $0x7FFFFFFF, v18;
	v17 =	vld [tilespmem:s28+$0x30]  }
0x1f0: {  	v23 =	vadd.f32 v29, v23;
	v25 =	vadd.f32 v30, v25;
	v29 =	vand.u32 $0x7FFFFFFF, v20;
	v15 =	vld [tilespmem:s28+$0xFFFFFFC0]  }
0x1f1: {  	v24 =	vadd.f32 v31, v24;
	v22 =	vadd.f32 v27, v22;
	v27 =	vand.u32 $0x7FFFFFFF, v21;
	v20 =	vld [tilespmem:s28+$0xFFFFFFD0]  }
0x1f2: {  	v23 =	vadd.f32 v34, v23;
	v25 =	vadd.f32 v29, v25;
	v29 =	vand.u32 $0x7FFFFFFF, v33;
	v21 =	vld [tilespmem:s28+$0xFFFFFFE0]  }
0x1f3: {  	v24 =	vadd.f32 v27, v24;
	v27 =	vand.u32 $0x7FFFFFFF, v35;
	v22 =	vadd.f32 v29, v22;
	v30 =	vld [tilespmem:s28+$0xFFFFFF80]  }
0x1f4: {  	v16 =	vadd.f32 v16, v23;
	v23 =	vand.u32 $0x7FFFFFFF, v36;
	v18 =	vadd.f32 v18, v25;
	v31 =	vld [tilespmem:s28+$0xFFFFFF90]  }
0x1f5: {  	v8 =	vand.u32 $0x7FFFFFFF, v8;
	v24 =	vadd.f32 v27, v24;
	v22 =	vadd.f32 v23, v22;
	v39 =	vld [tilespmem:s28+$0xFFFFFFA0]  }
0x1f6: {  	v10 =	vand.u32 $0x7FFFFFFF, v10;
	v25 =	vadd.f32 v26, v18;
	v23 =	vadd.f32 v28, v16;
	v27 =	vld [tilespmem:s28+$0xFFFFFFB0]  }
0x1f7: {  	v16 =	vor.u32 s29, v1;
	v24 =	vadd.f32 v8, v24;
	v22 =	vadd.f32 v10, v22;
	v6 =	vld.idx.msk [tilespmem:v6+s10+$0x0], $0xffff  }
0x1f8: {  	v10 =	vor.u32 s29, v2;
	v8 =	vld.idx.msk [tilespmem:v12+s10+$0x0], $0xffff  }
0x1f9: {  	s30 =	sadd.s32 $0x2, s26;
	v12 =	vld.idx.msk [tilespmem:v19+s10+$0x0], $0xffff;
	v19 =	vor.u32 s29, v3  }
0x1fa: {  	v28 =	vor.u32 s30, v0;
	v26 =	vld.idx.msk [tilespmem:v37+s10+$0x0], $0xffff  }
0x1fb: {  	v29 =	vor.u32 s30, v1;
	v41 =	vld.idx.msk [tilespmem:v32+s10+$0x0], $0xffff  }
0x1fc: {  	v32 =	vor.u32 s30, v2;
	v16 =	vld.idx.msk [tilespmem:v16+s10+$0x0], $0xffff  }
0x1fd: {  	v33 =	vor.u32 s30, v3;
	s29 =	sadd.s32 $0x1, s26;
	v18 =	vld.idx.msk [tilespmem:v10+s10+$0x0], $0xffff  }
0x1fe: {  	v10 =	vor.u32 s29, v0;
	v36 =	vld.idx.msk [tilespmem:v19+s10+$0x0], $0xffff  }
0x1ff: {  	v34 =	vor.u32 s29, v1;
	v19 =	vld.idx.msk [tilespmem:v28+s10+$0x0], $0xffff  }
0x200: {  	v28 =	vor.u32 s29, v2;
	v38 =	vld.idx.msk [tilespmem:v29+s10+$0x0], $0xffff  }
0x201: {  	s25 =	sadd.s32 $0x2, s25;
	v40 =	vor.u32 s29, v3;
	v35 =	vld.idx.msk [tilespmem:v32+s10+$0x0], $0xffff  }
0x202: {  	p0 =	slt.u32 s25, $0x6;
	v37 =	vld.idx.msk [tilespmem:v33+s10+$0x0], $0xffff  }
.Ltmp4:
0x203: {  	v32 =	vld.idx.msk [tilespmem:v10+s10+$0x0], $0xffff;
	(pc) =	sbr.rel @p0 .LBB2_10-.Ltmp4, $4  }
0x204: {  	v33 =	vld.idx.msk [tilespmem:v34+s10+$0x0], $0xffff  }
0x205: {  	v29 =	vsub.f32 v30, v6;
	v30 =	vsub.f32 v31, v8;
	v34 =	vld.idx.msk [tilespmem:v28+s10+$0x0], $0xffff  }
0x206: {  	v27 =	vsub.f32 v27, v26;
	v31 =	vsub.f32 v39, v12;
	v39 =	vld.idx.msk [tilespmem:v40+s10+$0x0], $0xffff  }
0x207: {  	s26 =	sadd.s32 $0x4, s26;
	v26 =	vsub.f32 v14, v16;
	v28 =	vsub.f32 v4, v41;
	v40 =	vld [tilespmem:s28+$0xFFFFFFF0];
	s28 =	sadd.s32 $0x100, s28  }
0x208: {  	_ =	swait.ge [sflag:s19], $0x80  }
0x209: {  	[sflag:s19] =	ssyncset.done $0x0  }
0x20a: {  	[sflag:s19] =	ssyncadd.s32 $0xFFFFFF80  }
0x20b: {  	_ =	swait.ge [sflag:s19], $0x80  }
0x20c: {  	[sflag:s19] =	ssyncset.done $0x0  }
0x20d: {  	[sflag:s19] =	ssyncadd.s32 $0xFFFFFF80  }
0x20e: {  	_ =	swait.ge [sflag:s19], $0x80  }
0x20f: {  	[sflag:s19] =	ssyncset.done $0x0  }
0x210: {  	[sflag:s19] =	ssyncadd.s32 $0xFFFFFF80  }
0x211: {  	_ =	swait.ge [sflag:s19], $0x80  }
0x212: {  	[sflag:s19] =	ssyncset.done $0x0  }
0x213: {  	[sflag:s19] =	ssyncadd.s32 $0xFFFFFF80  }
0x214: {  	_ =	swait.ge [sflag:s19], $0x80  }
0x215: {  	[sflag:s19] =	ssyncset.done $0x0  }
0x216: {  	[sflag:s19] =	ssyncadd.s32 $0xFFFFFF80  }
0x217: {  	_ =	swait.ge [sflag:s19], $0x80  }
0x218: {  	[sflag:s19] =	ssyncset.done $0x0  }
0x219: {  	[sflag:s19] =	ssyncadd.s32 $0xFFFFFF80  }
0x21a: {  	_ =	swait.ge [sflag:s19], $0x80  }
0x21b: {  	[sflag:s19] =	ssyncset.done $0x0  }
0x21c: {  	[sflag:s19] =	ssyncadd.s32 $0xFFFFFF80  }
0x21d: {  	_ =	swait.ge [sflag:s19], $0x80  }
0x21e: {  	[sflag:s19] =	ssyncset.done $0x0  }
0x21f: {  	s26 =	simm.s32 $0x25F0;
	[sflag:s19] =	ssyncadd.s32 $0xFFFFFF80  }
0x220: {  	v41 =	vld [tilespmem:s26+$0xFFFFFFD0]  }
0x221: {  	v42 =	vld [tilespmem:s26+$0xFFFFFFE0]  }
0x222: {  	v4 =	vld [tilespmem:s26+$0xFFFFFFF0]  }
0x223: {  	v8 =	vld [tilespmem:s26+$0x0]  }
0x224: {  	v6 =	vld [tilespmem:s26+$0xFFFFFF90]  }
0x225: {  	v12 =	vld [tilespmem:s26+$0xFFFFFFA0]  }
0x226: {  	v10 =	vld [tilespmem:s26+$0xFFFFFFB0]  }
0x227: {  	v16 =	vld [tilespmem:s26+$0xFFFFFFC0]  }
0x228: {  	v14 =	vld [tilespmem:s26+$0xFFFFFF50]  }
0x229: {  	v5 =	vsub.f32 v5, v18;
	v9 =	vsub.f32 v9, v36;
	s25 =	simm.s32 $0x10;
	v18 =	vld [tilespmem:s26+$0xFFFFFF60]  }
0x22a: {  	v7 =	vsub.f32 v7, v19;
	v13 =	vsub.f32 v13, v38;
	v51 =	vor.u32 s25, v0;
	v19 =	vld [tilespmem:s26+$0xFFFFFF70]  }
0x22b: {  	v11 =	vsub.f32 v11, v35;
	v17 =	vsub.f32 v17, v37;
	v52 =	vor.u32 s25, v1;
	v53 =	vld [tilespmem:s26+$0xFFFFFF10]  }
0x22c: {  	v15 =	vsub.f32 v15, v32;
	v29 =	vand.u32 $0x7FFFFFFF, v29;
	v54 =	vor.u32 s25, v2;
	v43 =	vld [tilespmem:s26+$0xFFFFFF20]  }
0x22d: {  	s29 =	simm.s32 $0x13;
	v30 =	vand.u32 $0x7FFFFFFF, v30;
	v31 =	vand.u32 $0x7FFFFFFF, v31;
	v56 =	vor.u32 s25, v3;
	v57 =	vld [tilespmem:s26+$0xFFFFFF30]  }
0x22e: {  	v27 =	vand.u32 $0x7FFFFFFF, v27;
	v20 =	vsub.f32 v20, v33;
	v58 =	vor.u32 s29, v0;
	v59 =	vld [tilespmem:s26+$0xFFFFFF40]  }
0x22f: {  	v23 =	vadd.f32 v29, v23;
	v60 =	vor.u32 s29, v1;
	v25 =	vadd.f32 v30, v25;
	v29 =	vld.idx.msk [tilespmem:v51+s10+$0x0], $0xffff  }
0x230: {  	s28 =	simm.s32 $0x12;
	v30 =	vor.u32 s29, v2;
	v28 =	vand.u32 $0x7FFFFFFF, v28;
	v24 =	vadd.f32 v31, v24;
	v44 =	vld.idx.msk [tilespmem:v52+s10+$0x0], $0xffff  }
0x231: {  	v31 =	vor.u32 s29, v3;
	v22 =	vadd.f32 v27, v22;
	v61 =	vor.u32 s28, v0;
	v32 =	vld.idx.msk [tilespmem:v54+s10+$0x0], $0xffff  }
0x232: {  	s30 =	simm.s32 $0x11;
	v62 =	vor.u32 s28, v2;
	v21 =	vsub.f32 v21, v34;
	v15 =	vand.u32 $0x7FFFFFFF, v15;
	v27 =	vld.idx.msk [tilespmem:v56+s10+$0x0], $0xffff  }
0x233: {  	v63 =	vor.u32 s30, v0;
	v15 =	vadd.f32 v15, v23;
	v23 =	vor.u32 s28, v1;
	v45 =	vld.idx.msk [tilespmem:v58+s10+$0x0], $0xffff  }
0x234: {  	v20 =	vand.u32 $0x7FFFFFFF, v20;
	v55 =	vsub.f32 v40, v39;
	v21 =	vand.u32 $0x7FFFFFFF, v21;
	v46 =	vld.idx.msk [tilespmem:v60+s10+$0x0], $0xffff  }
0x235: {  	v20 =	vadd.f32 v20, v25;
	v21 =	vadd.f32 v21, v24;
	v24 =	vor.u32 s28, v3;
	v25 =	vld.idx.msk [tilespmem:v30+s10+$0x0], $0xffff  }
0x236: {  	v47 =	vor.u32 s30, v2;
	v48 =	vor.u32 s30, v3;
	v7 =	vand.u32 $0x7FFFFFFF, v7;
	v30 =	vld.idx.msk [tilespmem:v31+s10+$0x0], $0xffff  }
0x237: {  	v7 =	vadd.f32 v7, v15;
	v15 =	vor.u32 s30, v1;
	v33 =	vand.u32 $0x7FFFFFFF, v55;
	v31 =	vld.idx.msk [tilespmem:v61+s10+$0x0], $0xffff  }
0x238: {  	v13 =	vand.u32 $0x7FFFFFFF, v13;
	v11 =	vand.u32 $0x7FFFFFFF, v11;
	v22 =	vadd.f32 v33, v22;
	v33 =	vld.idx.msk [tilespmem:v23+s10+$0x0], $0xffff  }
0x239: {  	v17 =	vand.u32 $0x7FFFFFFF, v17;
	v13 =	vadd.f32 v13, v20;
	v11 =	vadd.f32 v11, v21;
	v34 =	vld.idx.msk [tilespmem:v62+s10+$0x0], $0xffff  }
0x23a: {  	v17 =	vadd.f32 v17, v22;
	v22 =	vadd.f32 v28, v7;
	v7 =	vand.u32 $0x7FFFFFFF, v26;
	v36 =	vld.idx.msk [tilespmem:v24+s10+$0x0], $0xffff  }
0x23b: {  	v5 =	vand.u32 $0x7FFFFFFF, v5;
	v21 =	vadd.f32 v7, v13;
	v7 =	vand.u32 $0x7FFFFFFF, v9;
	v35 =	vld.idx.msk [tilespmem:v63+s10+$0x0], $0xffff  }
0x23c: {  	v20 =	vadd.f32 v7, v17;
	v23 =	vadd.f32 v5, v11;
	v37 =	vld.idx.msk [tilespmem:v15+s10+$0x0], $0xffff  }
0x23d: {  	v38 =	vld.idx.msk [tilespmem:v47+s10+$0x0], $0xffff;
	v28 =	vsub.f32 v53, v29;
	v29 =	vsub.f32 v43, v44  }
0x23e: {  	v39 =	vld.idx.msk [tilespmem:v48+s10+$0x0], $0xffff;
	v32 =	vsub.f32 v57, v32;
	v26 =	vsub.f32 v59, v27  }
0x23f: {  	s25 =	simm.s32 $0x8;
	s28 =	simm.s32 $0x26F0;
	v40 =	vld [tilespmem:s26+$0xFFFFFF80];
	s26 =	simm.s32 $0x14;
	v27 =	vsub.f32 v41, v45;
	v24 =	vsub.f32 v42, v46  }
.LBB2_12:
0x240: {  	v7 =	vor.u32 s26, v0;
	v5 =	vld [tilespmem:s28+$0xFFFFFFD0];
	v9 =	vsub.f32 v4, v25;
	v11 =	vsub.f32 v8, v30  }
0x241: {  	v13 =	vor.u32 s26, v1;
	v17 =	vsub.f32 v6, v31;
	v25 =	vsub.f32 v12, v33;
	v15 =	vld [tilespmem:s28+$0xFFFFFFE0]  }
0x242: {  	v30 =	vor.u32 s26, v2;
	v31 =	vsub.f32 v10, v34;
	v33 =	vsub.f32 v16, v36;
	v4 =	vld [tilespmem:s28+$0xFFFFFFF0]  }
0x243: {  	v34 =	vor.u32 s26, v3;
	s29 =	sadd.s32 $0x3, s26;
	v14 =	vsub.f32 v14, v35;
	v18 =	vsub.f32 v18, v37;
	v8 =	vld [tilespmem:s28+$0x0]  }
0x244: {  	v35 =	vor.u32 s29, v0;
	v19 =	vsub.f32 v19, v38;
	v6 =	vld [tilespmem:s28+$0xFFFFFF90];
	v36 =	vsub.f32 v40, v39  }
0x245: {  	v28 =	vand.u32 $0x7FFFFFFF, v28;
	v29 =	vand.u32 $0x7FFFFFFF, v29;
	v32 =	vand.u32 $0x7FFFFFFF, v32;
	v12 =	vld [tilespmem:s28+$0xFFFFFFA0]  }
0x246: {  	v26 =	vand.u32 $0x7FFFFFFF, v26;
	v27 =	vand.u32 $0x7FFFFFFF, v27;
	v24 =	vand.u32 $0x7FFFFFFF, v24;
	v10 =	vld [tilespmem:s28+$0xFFFFFFB0]  }
0x247: {  	v37 =	vand.u32 $0x7FFFFFFF, v14;
	v17 =	vand.u32 $0x7FFFFFFF, v17;
	v25 =	vand.u32 $0x7FFFFFFF, v25;
	v16 =	vld [tilespmem:s28+$0xFFFFFFC0]  }
0x248: {  	v22 =	vadd.f32 v28, v22;
	v21 =	vadd.f32 v29, v21;
	v28 =	vand.u32 $0x7FFFFFFF, v18;
	v14 =	vld [tilespmem:s28+$0xFFFFFF50]  }
0x249: {  	v23 =	vadd.f32 v32, v23;
	v20 =	vadd.f32 v26, v20;
	v26 =	vand.u32 $0x7FFFFFFF, v19;
	v18 =	vld [tilespmem:s28+$0xFFFFFF60]  }
0x24a: {  	v22 =	vadd.f32 v37, v22;
	v21 =	vadd.f32 v28, v21;
	v28 =	vand.u32 $0x7FFFFFFF, v36;
	v19 =	vld [tilespmem:s28+$0xFFFFFF70]  }
0x24b: {  	v23 =	vadd.f32 v26, v23;
	v26 =	vand.u32 $0x7FFFFFFF, v31;
	v20 =	vadd.f32 v28, v20;
	v29 =	vld [tilespmem:s28+$0xFFFFFF10]  }
0x24c: {  	v17 =	vadd.f32 v17, v22;
	v22 =	vand.u32 $0x7FFFFFFF, v33;
	v21 =	vadd.f32 v25, v21;
	v32 =	vld [tilespmem:s28+$0xFFFFFF20]  }
0x24d: {  	v9 =	vand.u32 $0x7FFFFFFF, v9;
	v23 =	vadd.f32 v26, v23;
	v20 =	vadd.f32 v22, v20;
	v39 =	vld [tilespmem:s28+$0xFFFFFF30]  }
0x24e: {  	v11 =	vand.u32 $0x7FFFFFFF, v11;
	v21 =	vadd.f32 v24, v21;
	v22 =	vadd.f32 v27, v17;
	v26 =	vld [tilespmem:s28+$0xFFFFFF40]  }
0x24f: {  	v17 =	vor.u32 s29, v1;
	v23 =	vadd.f32 v9, v23;
	v20 =	vadd.f32 v11, v20;
	v7 =	vld.idx.msk [tilespmem:v7+s10+$0x0], $0xffff  }
0x250: {  	v11 =	vor.u32 s29, v2;
	v9 =	vld.idx.msk [tilespmem:v13+s10+$0x0], $0xffff  }
0x251: {  	s30 =	sadd.s32 $0x2, s26;
	v24 =	vor.u32 s29, v3;
	v13 =	vld.idx.msk [tilespmem:v30+s10+$0x0], $0xffff  }
0x252: {  	v28 =	vor.u32 s30, v0;
	v27 =	vld.idx.msk [tilespmem:v34+s10+$0x0], $0xffff  }
0x253: {  	v33 =	vor.u32 s30, v1;
	v41 =	vld.idx.msk [tilespmem:v35+s10+$0x0], $0xffff  }
0x254: {  	v34 =	vor.u32 s30, v2;
	v17 =	vld.idx.msk [tilespmem:v17+s10+$0x0], $0xffff  }
0x255: {  	s29 =	sadd.s32 $0x1, s26;
	v35 =	vor.u32 s30, v3;
	v25 =	vld.idx.msk [tilespmem:v11+s10+$0x0], $0xffff  }
0x256: {  	v11 =	vor.u32 s29, v0;
	v30 =	vld.idx.msk [tilespmem:v24+s10+$0x0], $0xffff  }
0x257: {  	v24 =	vor.u32 s29, v1;
	v31 =	vld.idx.msk [tilespmem:v28+s10+$0x0], $0xffff  }
0x258: {  	v38 =	vor.u32 s29, v2;
	v33 =	vld.idx.msk [tilespmem:v33+s10+$0x0], $0xffff  }
0x259: {  	s25 =	sadd.s32 $0x2, s25;
	v40 =	vor.u32 s29, v3;
	v34 =	vld.idx.msk [tilespmem:v34+s10+$0x0], $0xffff  }
0x25a: {  	p0 =	slt.u32 s25, $0xE;
	v36 =	vld.idx.msk [tilespmem:v35+s10+$0x0], $0xffff  }
.Ltmp5:
0x25b: {  	v35 =	vld.idx.msk [tilespmem:v11+s10+$0x0], $0xffff;
	(pc) =	sbr.rel @p0 .LBB2_12-.Ltmp5, $4  }
0x25c: {  	v37 =	vld.idx.msk [tilespmem:v24+s10+$0x0], $0xffff  }
0x25d: {  	v28 =	vsub.f32 v29, v7;
	v29 =	vsub.f32 v32, v9;
	v38 =	vld.idx.msk [tilespmem:v38+s10+$0x0], $0xffff  }
0x25e: {  	v32 =	vsub.f32 v39, v13;
	v26 =	vsub.f32 v26, v27;
	v39 =	vld.idx.msk [tilespmem:v40+s10+$0x0], $0xffff  }
0x25f: {  	s26 =	sadd.s32 $0x4, s26;
	v27 =	vsub.f32 v5, v41;
	v24 =	vsub.f32 v15, v17;
	v40 =	vld [tilespmem:s28+$0xFFFFFF80];
	s28 =	sadd.s32 $0x100, s28  }
0x260: {  	_ =	swait.ge [sflag:s20], $0x80  }
0x261: {  	[sflag:s20] =	ssyncset.done $0x0  }
0x262: {  	[sflag:s20] =	ssyncadd.s32 $0xFFFFFF80  }
0x263: {  	_ =	swait.ge [sflag:s20], $0x80  }
0x264: {  	[sflag:s20] =	ssyncset.done $0x0  }
0x265: {  	[sflag:s20] =	ssyncadd.s32 $0xFFFFFF80  }
0x266: {  	_ =	swait.ge [sflag:s20], $0x80  }
0x267: {  	[sflag:s20] =	ssyncset.done $0x0  }
0x268: {  	[sflag:s20] =	ssyncadd.s32 $0xFFFFFF80  }
0x269: {  	_ =	swait.ge [sflag:s20], $0x80  }
0x26a: {  	[sflag:s20] =	ssyncset.done $0x0  }
0x26b: {  	[sflag:s20] =	ssyncadd.s32 $0xFFFFFF80  }
0x26c: {  	_ =	swait.ge [sflag:s20], $0x80  }
0x26d: {  	[sflag:s20] =	ssyncset.done $0x0  }
0x26e: {  	[sflag:s20] =	ssyncadd.s32 $0xFFFFFF80  }
0x26f: {  	_ =	swait.ge [sflag:s20], $0x80  }
0x270: {  	[sflag:s20] =	ssyncset.done $0x0  }
0x271: {  	[sflag:s20] =	ssyncadd.s32 $0xFFFFFF80  }
0x272: {  	_ =	swait.ge [sflag:s20], $0x80  }
0x273: {  	[sflag:s20] =	ssyncset.done $0x0  }
0x274: {  	[sflag:s20] =	ssyncadd.s32 $0xFFFFFF80  }
0x275: {  	_ =	swait.ge [sflag:s20], $0x80  }
0x276: {  	[sflag:s20] =	ssyncset.done $0x0  }
0x277: {  	s26 =	simm.s32 $0x29F0;
	[sflag:s20] =	ssyncadd.s32 $0xFFFFFF80  }
0x278: {  	v41 =	vld [tilespmem:s26+$0xFFFFFFD0]  }
0x279: {  	v42 =	vld [tilespmem:s26+$0xFFFFFFE0]  }
0x27a: {  	v5 =	vld [tilespmem:s26+$0xFFFFFFF0]  }
0x27b: {  	v9 =	vld [tilespmem:s26+$0x0]  }
0x27c: {  	v7 =	vld [tilespmem:s26+$0xFFFFFF90]  }
0x27d: {  	v13 =	vld [tilespmem:s26+$0xFFFFFFA0]  }
0x27e: {  	v11 =	vld [tilespmem:s26+$0xFFFFFFB0]  }
0x27f: {  	v17 =	vld [tilespmem:s26+$0xFFFFFFC0]  }
0x280: {  	v43 =	vsub.f32 v4, v25;
	v15 =	vld [tilespmem:s26+$0xFFFFFF50]  }
0x281: {  	v8 =	vsub.f32 v8, v30;
	s25 =	simm.s32 $0x20;
	v30 =	vsub.f32 v6, v31;
	v4 =	vld [tilespmem:s26+$0xFFFFFF60]  }
0x282: {  	v14 =	vsub.f32 v14, v35;
	v28 =	vand.u32 $0x7FFFFFFF, v28;
	v25 =	vor.u32 s25, v0;
	v6 =	vld [tilespmem:s26+$0xFFFFFF70]  }
0x283: {  	v29 =	vand.u32 $0x7FFFFFFF, v29;
	v32 =	vand.u32 $0x7FFFFFFF, v32;
	v31 =	vor.u32 s25, v1;
	v44 =	vld [tilespmem:s26+$0xFFFFFF10]  }
0x284: {  	s29 =	simm.s32 $0x23;
	v18 =	vsub.f32 v18, v37;
	v53 =	vor.u32 s25, v2;
	v55 =	vor.u32 s25, v3;
	v45 =	vld [tilespmem:s26+$0xFFFFFF20]  }
0x285: {  	v57 =	vor.u32 s29, v0;
	v22 =	vadd.f32 v28, v22;
	v21 =	vadd.f32 v29, v21;
	v56 =	vld [tilespmem:s26+$0xFFFFFF30]  }
0x286: {  	s28 =	simm.s32 $0x22;
	v23 =	vadd.f32 v32, v23;
	v19 =	vsub.f32 v19, v38;
	v14 =	vand.u32 $0x7FFFFFFF, v14;
	v58 =	vld [tilespmem:s26+$0xFFFFFF40]  }
0x287: {  	v18 =	vand.u32 $0x7FFFFFFF, v18;
	v14 =	vadd.f32 v14, v22;
	v22 =	vor.u32 s28, v1;
	v28 =	vld.idx.msk [tilespmem:v25+s10+$0x0], $0xffff  }
0x288: {  	v19 =	vand.u32 $0x7FFFFFFF, v19;
	v18 =	vadd.f32 v18, v21;
	v21 =	vor.u32 s28, v2;
	v29 =	vld.idx.msk [tilespmem:v31+s10+$0x0], $0xffff  }
0x289: {  	v26 =	vand.u32 $0x7FFFFFFF, v26;
	s30 =	simm.s32 $0x21;
	v19 =	vadd.f32 v19, v23;
	v23 =	vor.u32 s28, v3;
	v59 =	vld.idx.msk [tilespmem:v53+s10+$0x0], $0xffff  }
0x28a: {  	v20 =	vadd.f32 v26, v20;
	v62 =	vor.u32 s30, v0;
	v54 =	vsub.f32 v40, v39;
	v26 =	vld.idx.msk [tilespmem:v55+s10+$0x0], $0xffff  }
0x28b: {  	v12 =	vsub.f32 v12, v33;
	v63 =	vor.u32 s30, v1;
	v46 =	vld.idx.msk [tilespmem:v57+s10+$0x0], $0xffff  }
0x28c: {  	v10 =	vsub.f32 v10, v34;
	v34 =	vand.u32 $0x7FFFFFFF, v54;
	v25 =	vor.u32 s29, v1;
	v33 =	vld.idx.msk [tilespmem:v22+s10+$0x0], $0xffff  }
0x28d: {  	v16 =	vsub.f32 v16, v36;
	v20 =	vadd.f32 v34, v20;
	v31 =	vor.u32 s29, v2;
	v34 =	vld.idx.msk [tilespmem:v21+s10+$0x0], $0xffff  }
0x28e: {  	v60 =	vor.u32 s29, v3;
	v61 =	vor.u32 s28, v0;
	v36 =	vld.idx.msk [tilespmem:v23+s10+$0x0], $0xffff  }
0x28f: {  	v12 =	vand.u32 $0x7FFFFFFF, v12;
	v10 =	vand.u32 $0x7FFFFFFF, v10;
	v16 =	vand.u32 $0x7FFFFFFF, v16;
	v35 =	vld.idx.msk [tilespmem:v62+s10+$0x0], $0xffff  }
0x290: {  	v12 =	vadd.f32 v12, v18;
	v18 =	vor.u32 s30, v2;
	v16 =	vadd.f32 v16, v20;
	v37 =	vld.idx.msk [tilespmem:v63+s10+$0x0], $0xffff  }
0x291: {  	v8 =	vand.u32 $0x7FFFFFFF, v8;
	v10 =	vadd.f32 v10, v19;
	v19 =	vor.u32 s30, v3;
	v47 =	vld.idx.msk [tilespmem:v25+s10+$0x0], $0xffff  }
0x292: {  	v20 =	vadd.f32 v8, v16;
	v25 =	vld.idx.msk [tilespmem:v31+s10+$0x0], $0xffff;
	v31 =	vand.u32 $0x7FFFFFFF, v30  }
0x293: {  	v30 =	vld.idx.msk [tilespmem:v60+s10+$0x0], $0xffff;
	v28 =	vsub.f32 v44, v28;
	v14 =	vadd.f32 v31, v14  }
0x294: {  	v27 =	vand.u32 $0x7FFFFFFF, v27;
	v29 =	vsub.f32 v45, v29;
	v32 =	vsub.f32 v56, v59;
	v31 =	vld.idx.msk [tilespmem:v61+s10+$0x0], $0xffff  }
0x295: {  	v38 =	vld.idx.msk [tilespmem:v18+s10+$0x0], $0xffff;
	v26 =	vsub.f32 v58, v26;
	v22 =	vadd.f32 v27, v14;
	v14 =	vand.u32 $0x7FFFFFFF, v24  }
0x296: {  	v39 =	vld.idx.msk [tilespmem:v19+s10+$0x0], $0xffff;
	v27 =	vsub.f32 v41, v46;
	v21 =	vadd.f32 v14, v12;
	v12 =	vand.u32 $0x7FFFFFFF, v43  }
0x297: {  	s25 =	simm.s32 $0x10;
	s28 =	simm.s32 $0x2AF0;
	v40 =	vld [tilespmem:s26+$0xFFFFFF80];
	s26 =	simm.s32 $0x24;
	v23 =	vadd.f32 v12, v10;
	v24 =	vsub.f32 v42, v47  }
.LBB2_14:
0x298: {  	v10 =	vor.u32 s26, v0;
	v8 =	vld [tilespmem:s28+$0xFFFFFFD0];
	v12 =	vsub.f32 v5, v25;
	v14 =	vsub.f32 v9, v30  }
0x299: {  	v16 =	vor.u32 s26, v1;
	v19 =	vsub.f32 v7, v31;
	v25 =	vsub.f32 v13, v33;
	v18 =	vld [tilespmem:s28+$0xFFFFFFE0]  }
0x29a: {  	v30 =	vor.u32 s26, v2;
	v31 =	vsub.f32 v11, v34;
	v33 =	vsub.f32 v17, v36;
	v5 =	vld [tilespmem:s28+$0xFFFFFFF0]  }
0x29b: {  	v34 =	vor.u32 s26, v3;
	s29 =	sadd.s32 $0x3, s26;
	v15 =	vsub.f32 v15, v35;
	v4 =	vsub.f32 v4, v37;
	v9 =	vld [tilespmem:s28+$0x0]  }
0x29c: {  	v35 =	vor.u32 s29, v0;
	v6 =	vsub.f32 v6, v38;
	v7 =	vld [tilespmem:s28+$0xFFFFFF90];
	v36 =	vsub.f32 v40, v39  }
0x29d: {  	v28 =	vand.u32 $0x7FFFFFFF, v28;
	v29 =	vand.u32 $0x7FFFFFFF, v29;
	v32 =	vand.u32 $0x7FFFFFFF, v32;
	v13 =	vld [tilespmem:s28+$0xFFFFFFA0]  }
0x29e: {  	v26 =	vand.u32 $0x7FFFFFFF, v26;
	v27 =	vand.u32 $0x7FFFFFFF, v27;
	v24 =	vand.u32 $0x7FFFFFFF, v24;
	v11 =	vld [tilespmem:s28+$0xFFFFFFB0]  }
0x29f: {  	v37 =	vand.u32 $0x7FFFFFFF, v15;
	v19 =	vand.u32 $0x7FFFFFFF, v19;
	v25 =	vand.u32 $0x7FFFFFFF, v25;
	v17 =	vld [tilespmem:s28+$0xFFFFFFC0]  }
0x2a0: {  	v22 =	vadd.f32 v28, v22;
	v21 =	vadd.f32 v29, v21;
	v28 =	vand.u32 $0x7FFFFFFF, v4;
	v15 =	vld [tilespmem:s28+$0xFFFFFF50]  }
0x2a1: {  	v23 =	vadd.f32 v32, v23;
	v20 =	vadd.f32 v26, v20;
	v26 =	vand.u32 $0x7FFFFFFF, v6;
	v4 =	vld [tilespmem:s28+$0xFFFFFF60]  }
0x2a2: {  	v22 =	vadd.f32 v37, v22;
	v21 =	vadd.f32 v28, v21;
	v28 =	vand.u32 $0x7FFFFFFF, v36;
	v6 =	vld [tilespmem:s28+$0xFFFFFF70]  }
0x2a3: {  	v23 =	vadd.f32 v26, v23;
	v26 =	vand.u32 $0x7FFFFFFF, v31;
	v20 =	vadd.f32 v28, v20;
	v29 =	vld [tilespmem:s28+$0xFFFFFF10]  }
0x2a4: {  	v19 =	vadd.f32 v19, v22;
	v22 =	vand.u32 $0x7FFFFFFF, v33;
	v21 =	vadd.f32 v25, v21;
	v32 =	vld [tilespmem:s28+$0xFFFFFF20]  }
0x2a5: {  	v12 =	vand.u32 $0x7FFFFFFF, v12;
	v23 =	vadd.f32 v26, v23;
	v20 =	vadd.f32 v22, v20;
	v39 =	vld [tilespmem:s28+$0xFFFFFF30]  }
0x2a6: {  	v14 =	vand.u32 $0x7FFFFFFF, v14;
	v21 =	vadd.f32 v24, v21;
	v22 =	vadd.f32 v27, v19;
	v26 =	vld [tilespmem:s28+$0xFFFFFF40]  }
0x2a7: {  	v19 =	vor.u32 s29, v1;
	v23 =	vadd.f32 v12, v23;
	v20 =	vadd.f32 v14, v20;
	v10 =	vld.idx.msk [tilespmem:v10+s10+$0x0], $0xffff  }
0x2a8: {  	v14 =	vor.u32 s29, v2;
	v12 =	vld.idx.msk [tilespmem:v16+s10+$0x0], $0xffff  }
0x2a9: {  	s30 =	sadd.s32 $0x2, s26;
	v24 =	vor.u32 s29, v3;
	v16 =	vld.idx.msk [tilespmem:v30+s10+$0x0], $0xffff  }
0x2aa: {  	v28 =	vor.u32 s30, v0;
	v27 =	vld.idx.msk [tilespmem:v34+s10+$0x0], $0xffff  }
0x2ab: {  	v33 =	vor.u32 s30, v1;
	v41 =	vld.idx.msk [tilespmem:v35+s10+$0x0], $0xffff  }
0x2ac: {  	v34 =	vor.u32 s30, v2;
	v19 =	vld.idx.msk [tilespmem:v19+s10+$0x0], $0xffff  }
0x2ad: {  	s29 =	sadd.s32 $0x1, s26;
	v35 =	vor.u32 s30, v3;
	v25 =	vld.idx.msk [tilespmem:v14+s10+$0x0], $0xffff  }
0x2ae: {  	v14 =	vor.u32 s29, v0;
	v30 =	vld.idx.msk [tilespmem:v24+s10+$0x0], $0xffff  }
0x2af: {  	v24 =	vor.u32 s29, v1;
	v31 =	vld.idx.msk [tilespmem:v28+s10+$0x0], $0xffff  }
0x2b0: {  	v38 =	vor.u32 s29, v2;
	v33 =	vld.idx.msk [tilespmem:v33+s10+$0x0], $0xffff  }
0x2b1: {  	s25 =	sadd.s32 $0x2, s25;
	v40 =	vor.u32 s29, v3;
	v34 =	vld.idx.msk [tilespmem:v34+s10+$0x0], $0xffff  }
0x2b2: {  	p0 =	slt.u32 s25, $0x16;
	v36 =	vld.idx.msk [tilespmem:v35+s10+$0x0], $0xffff  }
.Ltmp6:
0x2b3: {  	v35 =	vld.idx.msk [tilespmem:v14+s10+$0x0], $0xffff;
	(pc) =	sbr.rel @p0 .LBB2_14-.Ltmp6, $4  }
0x2b4: {  	v37 =	vld.idx.msk [tilespmem:v24+s10+$0x0], $0xffff  }
0x2b5: {  	v28 =	vsub.f32 v29, v10;
	v29 =	vsub.f32 v32, v12;
	v38 =	vld.idx.msk [tilespmem:v38+s10+$0x0], $0xffff  }
0x2b6: {  	v32 =	vsub.f32 v39, v16;
	v26 =	vsub.f32 v26, v27;
	v39 =	vld.idx.msk [tilespmem:v40+s10+$0x0], $0xffff  }
0x2b7: {  	s26 =	sadd.s32 $0x4, s26;
	v27 =	vsub.f32 v8, v41;
	v24 =	vsub.f32 v18, v19;
	v40 =	vld [tilespmem:s28+$0xFFFFFF80];
	s28 =	sadd.s32 $0x100, s28  }
0x2b8: {  	_ =	swait.ge [sflag:s21], $0x80  }
0x2b9: {  	[sflag:s21] =	ssyncset.done $0x0  }
0x2ba: {  	[sflag:s21] =	ssyncadd.s32 $0xFFFFFF80  }
0x2bb: {  	_ =	swait.ge [sflag:s21], $0x80  }
0x2bc: {  	[sflag:s21] =	ssyncset.done $0x0  }
0x2bd: {  	[sflag:s21] =	ssyncadd.s32 $0xFFFFFF80  }
0x2be: {  	_ =	swait.ge [sflag:s21], $0x80  }
0x2bf: {  	[sflag:s21] =	ssyncset.done $0x0  }
0x2c0: {  	[sflag:s21] =	ssyncadd.s32 $0xFFFFFF80  }
0x2c1: {  	_ =	swait.ge [sflag:s21], $0x80  }
0x2c2: {  	[sflag:s21] =	ssyncset.done $0x0  }
0x2c3: {  	[sflag:s21] =	ssyncadd.s32 $0xFFFFFF80  }
0x2c4: {  	_ =	swait.ge [sflag:s21], $0x80  }
0x2c5: {  	[sflag:s21] =	ssyncset.done $0x0  }
0x2c6: {  	[sflag:s21] =	ssyncadd.s32 $0xFFFFFF80  }
0x2c7: {  	_ =	swait.ge [sflag:s21], $0x80  }
0x2c8: {  	[sflag:s21] =	ssyncset.done $0x0  }
0x2c9: {  	[sflag:s21] =	ssyncadd.s32 $0xFFFFFF80  }
0x2ca: {  	_ =	swait.ge [sflag:s21], $0x80  }
0x2cb: {  	[sflag:s21] =	ssyncset.done $0x0  }
0x2cc: {  	[sflag:s21] =	ssyncadd.s32 $0xFFFFFF80  }
0x2cd: {  	_ =	swait.ge [sflag:s21], $0x80  }
0x2ce: {  	[sflag:s21] =	ssyncset.done $0x0  }
0x2cf: {  	s26 =	simm.s32 $0x2DF0;
	[sflag:s21] =	ssyncadd.s32 $0xFFFFFF80  }
0x2d0: {  	v41 =	vld [tilespmem:s26+$0xFFFFFFD0]  }
0x2d1: {  	v42 =	vld [tilespmem:s26+$0xFFFFFFE0]  }
0x2d2: {  	v8 =	vld [tilespmem:s26+$0xFFFFFFF0]  }
0x2d3: {  	v10 =	vld [tilespmem:s26+$0x0]  }
0x2d4: {  	v12 =	vld [tilespmem:s26+$0xFFFFFF90]  }
0x2d5: {  	v14 =	vld [tilespmem:s26+$0xFFFFFFA0]  }
0x2d6: {  	v25 =	vsub.f32 v5, v25;
	v16 =	vld [tilespmem:s26+$0xFFFFFFB0]  }
0x2d7: {  	v9 =	vsub.f32 v9, v30;
	v30 =	vsub.f32 v7, v31;
	v18 =	vld [tilespmem:s26+$0xFFFFFFC0]  }
0x2d8: {  	v13 =	vsub.f32 v13, v33;
	v11 =	vsub.f32 v11, v34;
	v19 =	vld [tilespmem:s26+$0xFFFFFF50]  }
0x2d9: {  	s25 =	simm.s32 $0x30;
	v51 =	vsub.f32 v17, v36;
	v15 =	vsub.f32 v15, v35;
	v5 =	vld [tilespmem:s26+$0xFFFFFF60]  }
0x2da: {  	v28 =	vand.u32 $0x7FFFFFFF, v28;
	v29 =	vand.u32 $0x7FFFFFFF, v29;
	v31 =	vor.u32 s25, v0;
	v7 =	vld [tilespmem:s26+$0xFFFFFF70]  }
0x2db: {  	v32 =	vand.u32 $0x7FFFFFFF, v32;
	v26 =	vand.u32 $0x7FFFFFFF, v26;
	v17 =	vor.u32 s25, v1;
	v52 =	vld [tilespmem:s26+$0xFFFFFF10]  }
0x2dc: {  	s29 =	simm.s32 $0x33;
	v4 =	vsub.f32 v4, v37;
	v53 =	vor.u32 s25, v2;
	v56 =	vor.u32 s25, v3;
	v54 =	vld [tilespmem:s26+$0xFFFFFF20]  }
0x2dd: {  	s28 =	simm.s32 $0x32;
	v58 =	vor.u32 s29, v0;
	v22 =	vadd.f32 v28, v22;
	v21 =	vadd.f32 v29, v21;
	v57 =	vld [tilespmem:s26+$0xFFFFFF30]  }
0x2de: {  	s30 =	simm.s32 $0x31;
	v23 =	vadd.f32 v32, v23;
	v45 =	vor.u32 s28, v2;
	v4 =	vand.u32 $0x7FFFFFFF, v4;
	v43 =	vld [tilespmem:s26+$0xFFFFFF40]  }
0x2df: {  	v60 =	vor.u32 s30, v0;
	v63 =	vor.u32 s30, v3;
	v4 =	vadd.f32 v4, v21;
	v28 =	vld.idx.msk [tilespmem:v31+s10+$0x0], $0xffff  }
0x2e0: {  	v6 =	vsub.f32 v6, v38;
	v15 =	vand.u32 $0x7FFFFFFF, v15;
	v13 =	vand.u32 $0x7FFFFFFF, v13;
	v29 =	vld.idx.msk [tilespmem:v17+s10+$0x0], $0xffff  }
0x2e1: {  	v22 =	vadd.f32 v15, v22;
	v4 =	vadd.f32 v13, v4;
	v13 =	vor.u32 s30, v2;
	v35 =	vld.idx.msk [tilespmem:v53+s10+$0x0], $0xffff  }
0x2e2: {  	v30 =	vand.u32 $0x7FFFFFFF, v30;
	v55 =	vsub.f32 v40, v39;
	v6 =	vand.u32 $0x7FFFFFFF, v6;
	v38 =	vld.idx.msk [tilespmem:v56+s10+$0x0], $0xffff  }
0x2e3: {  	v6 =	vadd.f32 v6, v23;
	v30 =	vadd.f32 v30, v22;
	v31 =	vor.u32 s29, v1;
	v40 =	vld.idx.msk [tilespmem:v58+s10+$0x0], $0xffff  }
0x2e4: {  	v27 =	vand.u32 $0x7FFFFFFF, v27;
	v11 =	vand.u32 $0x7FFFFFFF, v11;
	v17 =	vor.u32 s29, v2;
	v22 =	vld.idx.msk [tilespmem:v45+s10+$0x0], $0xffff  }
0x2e5: {  	v59 =	vor.u32 s29, v3;
	v62 =	vadd.f32 v11, v6;
	v11 =	vadd.f32 v27, v30;
	v27 =	vld.idx.msk [tilespmem:v60+s10+$0x0], $0xffff  }
0x2e6: {  	v20 =	vadd.f32 v26, v20;
	v26 =	vor.u32 s28, v0;
	v32 =	vld.idx.msk [tilespmem:v13+s10+$0x0], $0xffff  }
0x2e7: {  	v44 =	vor.u32 s28, v1;
	v33 =	vld.idx.msk [tilespmem:v63+s10+$0x0], $0xffff  }
0x2e8: {  	v23 =	vor.u32 s28, v3;
	v46 =	vld.idx.msk [tilespmem:v31+s10+$0x0], $0xffff  }
0x2e9: {  	v61 =	vor.u32 s30, v1;
	v21 =	vand.u32 $0x7FFFFFFF, v55;
	v15 =	vld.idx.msk [tilespmem:v17+s10+$0x0], $0xffff  }
0x2ea: {  	v6 =	vand.u32 $0x7FFFFFFF, v24;
	v31 =	vadd.f32 v21, v20;
	v17 =	vld.idx.msk [tilespmem:v59+s10+$0x0], $0xffff  }
0x2eb: {  	v6 =	vadd.f32 v6, v4;
	v20 =	vld.idx.msk [tilespmem:v26+s10+$0x0], $0xffff;
	v26 =	vand.u32 $0x7FFFFFFF, v51;
	v24 =	vsub.f32 v54, v29  }
0x2ec: {  	v4 =	vand.u32 $0x7FFFFFFF, v25;
	v21 =	vld.idx.msk [tilespmem:v44+s10+$0x0], $0xffff;
	v25 =	vsub.f32 v43, v38;
	v31 =	vadd.f32 v26, v31  }
0x2ed: {  	v30 =	vsub.f32 v41, v40;
	v26 =	vld.idx.msk [tilespmem:v23+s10+$0x0], $0xffff;
	v23 =	vand.u32 $0x7FFFFFFF, v9;
	v9 =	vadd.f32 v4, v62  }
0x2ee: {  	v4 =	vadd.f32 v23, v31;
	v31 =	vld.idx.msk [tilespmem:v61+s10+$0x0], $0xffff;
	v23 =	vsub.f32 v52, v28  }
0x2ef: {  	s25 =	simm.s32 $0x18;
	s28 =	simm.s32 $0x2EF0;
	v34 =	vld [tilespmem:s26+$0xFFFFFF80];
	s26 =	simm.s32 $0x34;
	v28 =	vsub.f32 v57, v35;
	v29 =	vsub.f32 v42, v46  }
.LBB2_16:
0x2f0: {  	v35 =	vor.u32 s26, v0;
	v13 =	vld [tilespmem:s28+$0xFFFFFFD0];
	v15 =	vsub.f32 v8, v15;
	v17 =	vsub.f32 v10, v17  }
0x2f1: {  	v36 =	vor.u32 s26, v1;
	v20 =	vsub.f32 v12, v20;
	v21 =	vsub.f32 v14, v21;
	v37 =	vld [tilespmem:s28+$0xFFFFFFE0]  }
0x2f2: {  	v38 =	vor.u32 s26, v2;
	v22 =	vsub.f32 v16, v22;
	v26 =	vsub.f32 v18, v26;
	v8 =	vld [tilespmem:s28+$0xFFFFFFF0]  }
0x2f3: {  	v39 =	vor.u32 s26, v3;
	s29 =	sadd.s32 $0x3, s26;
	v19 =	vsub.f32 v19, v27;
	v5 =	vsub.f32 v5, v31;
	v10 =	vld [tilespmem:s28+$0x0]  }
0x2f4: {  	v27 =	vor.u32 s29, v0;
	v7 =	vsub.f32 v7, v32;
	v12 =	vld [tilespmem:s28+$0xFFFFFF90];
	v31 =	vsub.f32 v34, v33  }
0x2f5: {  	v23 =	vand.u32 $0x7FFFFFFF, v23;
	v24 =	vand.u32 $0x7FFFFFFF, v24;
	v28 =	vand.u32 $0x7FFFFFFF, v28;
	v14 =	vld [tilespmem:s28+$0xFFFFFFA0]  }
0x2f6: {  	v25 =	vand.u32 $0x7FFFFFFF, v25;
	v30 =	vand.u32 $0x7FFFFFFF, v30;
	v29 =	vand.u32 $0x7FFFFFFF, v29;
	v16 =	vld [tilespmem:s28+$0xFFFFFFB0]  }
0x2f7: {  	v32 =	vand.u32 $0x7FFFFFFF, v19;
	v20 =	vand.u32 $0x7FFFFFFF, v20;
	v21 =	vand.u32 $0x7FFFFFFF, v21;
	v18 =	vld [tilespmem:s28+$0xFFFFFFC0]  }
0x2f8: {  	v11 =	vadd.f32 v23, v11;
	v6 =	vadd.f32 v24, v6;
	v23 =	vand.u32 $0x7FFFFFFF, v5;
	v19 =	vld [tilespmem:s28+$0xFFFFFF50]  }
0x2f9: {  	v9 =	vadd.f32 v28, v9;
	v4 =	vadd.f32 v25, v4;
	v24 =	vand.u32 $0x7FFFFFFF, v7;
	v5 =	vld [tilespmem:s28+$0xFFFFFF60]  }
0x2fa: {  	v11 =	vadd.f32 v32, v11;
	v6 =	vadd.f32 v23, v6;
	v23 =	vand.u32 $0x7FFFFFFF, v31;
	v7 =	vld [tilespmem:s28+$0xFFFFFF70]  }
0x2fb: {  	v22 =	vand.u32 $0x7FFFFFFF, v22;
	v9 =	vadd.f32 v24, v9;
	v4 =	vadd.f32 v23, v4;
	v25 =	vld [tilespmem:s28+$0xFFFFFF10]  }
0x2fc: {  	v11 =	vadd.f32 v20, v11;
	v20 =	vand.u32 $0x7FFFFFFF, v26;
	v6 =	vadd.f32 v21, v6;
	v24 =	vld [tilespmem:s28+$0xFFFFFF20]  }
0x2fd: {  	v15 =	vand.u32 $0x7FFFFFFF, v15;
	v9 =	vadd.f32 v22, v9;
	v4 =	vadd.f32 v20, v4;
	v28 =	vld [tilespmem:s28+$0xFFFFFF30]  }
0x2fe: {  	v17 =	vand.u32 $0x7FFFFFFF, v17;
	v11 =	vadd.f32 v30, v11;
	v6 =	vadd.f32 v29, v6;
	v33 =	vld [tilespmem:s28+$0xFFFFFF40]  }
0x2ff: {  	v20 =	vor.u32 s29, v1;
	v9 =	vadd.f32 v15, v9;
	v4 =	vadd.f32 v17, v4;
	v23 =	vld.idx.msk [tilespmem:v35+s10+$0x0], $0xffff  }
0x300: {  	v15 =	vor.u32 s29, v2;
	v29 =	vld.idx.msk [tilespmem:v36+s10+$0x0], $0xffff  }
0x301: {  	s30 =	sadd.s32 $0x2, s26;
	v17 =	vor.u32 s29, v3;
	v30 =	vld.idx.msk [tilespmem:v38+s10+$0x0], $0xffff  }
0x302: {  	v21 =	vor.u32 s30, v0;
	v34 =	vld.idx.msk [tilespmem:v39+s10+$0x0], $0xffff  }
0x303: {  	v22 =	vor.u32 s30, v1;
	v35 =	vld.idx.msk [tilespmem:v27+s10+$0x0], $0xffff  }
0x304: {  	v26 =	vor.u32 s30, v2;
	v36 =	vld.idx.msk [tilespmem:v20+s10+$0x0], $0xffff  }
0x305: {  	s29 =	sadd.s32 $0x1, s26;
	v27 =	vor.u32 s30, v3;
	v15 =	vld.idx.msk [tilespmem:v15+s10+$0x0], $0xffff  }
0x306: {  	v31 =	vor.u32 s29, v0;
	v17 =	vld.idx.msk [tilespmem:v17+s10+$0x0], $0xffff  }
0x307: {  	v32 =	vor.u32 s29, v1;
	v20 =	vld.idx.msk [tilespmem:v21+s10+$0x0], $0xffff  }
0x308: {  	v38 =	vor.u32 s29, v2;
	v21 =	vld.idx.msk [tilespmem:v22+s10+$0x0], $0xffff  }
0x309: {  	s25 =	sadd.s32 $0x2, s25;
	v39 =	vor.u32 s29, v3;
	v22 =	vld.idx.msk [tilespmem:v26+s10+$0x0], $0xffff  }
0x30a: {  	p0 =	slt.u32 s25, $0x1E;
	v26 =	vld.idx.msk [tilespmem:v27+s10+$0x0], $0xffff  }
.Ltmp7:
0x30b: {  	v27 =	vld.idx.msk [tilespmem:v31+s10+$0x0], $0xffff;
	(pc) =	sbr.rel @p0 .LBB2_16-.Ltmp7, $4  }
0x30c: {  	v31 =	vld.idx.msk [tilespmem:v32+s10+$0x0], $0xffff  }
0x30d: {  	v23 =	vsub.f32 v25, v23;
	v24 =	vsub.f32 v24, v29;
	v32 =	vld.idx.msk [tilespmem:v38+s10+$0x0], $0xffff  }
0x30e: {  	v28 =	vsub.f32 v28, v30;
	v25 =	vsub.f32 v33, v34;
	v33 =	vld.idx.msk [tilespmem:v39+s10+$0x0], $0xffff  }
0x30f: {  	s26 =	sadd.s32 $0x4, s26;
	v30 =	vsub.f32 v13, v35;
	v29 =	vsub.f32 v37, v36;
	v34 =	vld [tilespmem:s28+$0xFFFFFF80];
	s28 =	sadd.s32 $0x100, s28  }
0x310: {  	v8 =	vsub.f32 v8, v15  }
0x311: {  	v10 =	vsub.f32 v10, v17;
	v12 =	vsub.f32 v12, v20  }
0x312: {  	v13 =	vsub.f32 v14, v21;
	v40 =	vsub.f32 v16, v22  }
0x313: {  	v41 =	vsub.f32 v18, v26;
	v42 =	vsub.f32 v19, v27;
	v44 =	vand.u32 $0x7FFFFFFF, v23  }
0x314: {  	v45 =	vand.u32 $0x7FFFFFFF, v24;
	v46 =	vand.u32 $0x7FFFFFFF, v28;
	v47 =	vand.u32 $0x7FFFFFFF, v25  }
0x315: {  	v5 =	vsub.f32 v5, v31;
	v11 =	vadd.f32 v44, v11;
	v48 =	vand.u32 $0x7FFFFFFF, v30  }
0x316: {  	v6 =	vadd.f32 v45, v6;
	v9 =	vadd.f32 v46, v9;
	v16 =	vand.u32 $0x7FFFFFFF, v42  }
0x317: {  	v50 =	vld [tilespmem:$0x80];
	v49 =	vand.u32 $0x7FFFFFFF, v29;
	v7 =	vsub.f32 v7, v32;
	v11 =	vadd.f32 v16, v11  }
0x318: {  	v12 =	vand.u32 $0x7FFFFFFF, v12;
	v5 =	vand.u32 $0x7FFFFFFF, v5;
	v43 =	vsub.f32 v34, v33  }
0x319: {  	v52 =	vld [tilespmem:$0x90];
	v7 =	vand.u32 $0x7FFFFFFF, v7;
	v5 =	vadd.f32 v5, v6;
	v51 =	vadd.f32 v12, v11  }
0x31a: {  	v4 =	vadd.f32 v47, v4;
	v53 =	vand.u32 $0x7FFFFFFF, v13;
	v7 =	vadd.f32 v7, v9  }
0x31b: {  	v55 =	vld [tilespmem:$0xA0];
	v54 =	vand.u32 $0x7FFFFFFF, v43;
	v5 =	vadd.f32 v53, v5;
	v6 =	vadd.f32 v48, v51  }
0x31c: {  	v56 =	vand.u32 $0x7FFFFFFF, v40;
	v57 =	vand.u32 $0x7FFFFFFF, v50;
	v4 =	vadd.f32 v54, v4  }
0x31d: {  	v58 =	vld [tilespmem:$0xB0];
	v7 =	vadd.f32 v56, v7;
	v5 =	vadd.f32 v49, v5;
	v6 =	vmul.f32 v57, v6  }
0x31e: {  	v59 =	vand.u32 $0x7FFFFFFF, v41;
	v8 =	vand.u32 $0x7FFFFFFF, v8;
	v60 =	vand.u32 $0x7FFFFFFF, v52  }
0x31f: {  	v4 =	vadd.f32 v59, v4;
	v7 =	vadd.f32 v8, v7;
	v5 =	vmul.f32 v60, v5;
	(xrf2) =	vadd.scan.msk.f32 $0xffff, v6  }
0x320: {  	v61 =	vand.u32 $0x7FFFFFFF, v10;
	v62 =	vand.u32 $0x7FFFFFFF, v55;
	(xrf2) =	vadd.scan.msk.f32 $0xffff, v50  }
0x321: {  	v4 =	vadd.f32 v61, v4;
	(xrf2) =	vadd.scan.msk.f32 $0xffff, v5;
	v5 =	vmul.f32 v62, v7  }
0x322: {  	v63 =	vand.u32 $0x7FFFFFFF, v58;
	(xrf2) =	vadd.scan.msk.f32 $0xffff, v52  }
0x323: {  	v4 =	vmul.f32 v63, v4;
	(xrf2) =	vadd.scan.msk.f32 $0xffff, v5  }
0x324: {  	(xrf2) =	vadd.scan.msk.f32 $0xffff, v55  }
0x325: {  	(xrf2) =	vadd.scan.msk.f32 $0xffff, v4;
	_ =	sdelay $0x1  }
0x326: {  	(xrf2) =	vadd.scan.msk.f32 $0xffff, v58;
	_ =	sdelay $0x1  }
0x327: {  	v4, _, _ =	vpop (xrf2)  }
0x328: {  	v5, _, _ =	vpop (xrf2);
	(v2sf) =	vpush v4, $0xF  }
0x329: {  	v4, _, _ =	vpop (xrf2);
	(v2sf) =	vpush v5, $0xF  }
0x32a: {  	v5, _, _ =	vpop (xrf2);
	(v2sf) =	vpush v4, $0xF  }
0x32b: {  	v4, _, _ =	vpop (xrf2);
	(v2sf) =	vpush v5, $0xF  }
0x32c: {  	v5, _, _ =	vpop (xrf2);
	(v2sf) =	vpush v4, $0xF  }
0x32d: {  	v4, _, _ =	vpop (xrf2);
	(v2sf) =	vpush v5, $0xF  }
0x32e: {  	(v2sf) =	vpush v4, $0xF  }
0x32f: {  	v4, _, _ =	vpop (xrf2)  }
0x330: {  	(v2sf) =	vpush v4, $0xF;
	_ =	sdelay $0x6  }
0x331: {  	s25 =	spop (v2sf)  }
0x332: {  	s26 =	spop (v2sf);
	s25 =	sadd.f32 $0.0e+00, s25  }
0x333: {  	s28 =	spop (v2sf);
	s26 =	sadd.f32 $0.0e+00, s26  }
0x334: {  	s25 =	sadd.f32 s28, s25;
	s30 =	spop (v2sf)  }
0x335: {  	s26 =	sadd.f32 s30, s26;
	s29 =	spop (v2sf)  }
0x336: {  	s25 =	sadd.f32 s29, s25;
	s30 =	spop (v2sf)  }
0x337: {  	s26 =	sadd.f32 s30, s26;
	s29 =	spop (v2sf)  }
0x338: {  	s25 =	sadd.f32 s29, s25  }
0x339: {  	s30 =	spop (v2sf)  }
0x33a: {  	s26 =	sadd.f32 s30, s26;
	v4 =	vmov s25  }
0x33b: {  	s24 =	sadd.s32 $0x1, s24;
	v4 =	vnsel vm0, $0x0, v4  }
0x33c: {  	p0 =	sne.s32 s24, s8;
	v4 =	vsel vm1, s26, v4  }
.Ltmp8:
0x33d: {  	[tilespmem:$0x3100] =	vst v4;
	(pc) =	sbr.rel @p0 .LBB2_1-.Ltmp8, $4  }
0x33e: {  	[hbm4b:s7+s3] =	stream.linear.scatter [tilespmem:s22], [sflag:$0x7], $0x80, $0x38;
	[tilespmem:$0x3180] =	vst v63  }
0x33f: {  	_ =	swait.ge [sflag:s23], $0x80  }
0x340: {  	[sflag:s23] =	ssyncset.done $0x0  }
0x341: {  	[sflag:s23] =	ssyncadd.s32 $0xFFFFFF80  }
0x342: {  	_ =	sfence.sel $0x180000  }
0x343: {  	[bflag:$0x0] =	sbarrier.arrive $0xFFFF  }
0x344: {  	_ =	strace $0x90000047  }
0x345: {  	s0 =	stileid.u32;
	[bflag:$0x2] =	sbarrier.arrive $0xFFFF  }
0x346: {  	p0 =	sne.s32 s0, $0x0;
	s0 =	rddreg [dreg:$0x4]  }
0x347: {  	s0 =	sadd.s32 @!p0 $0x100000, s0  }
0x348: {  	[sflag:s0] =	ssyncadd.tile.s32 @!p0 $0x1;
	_ =	shalt  }
.Lfunc_end2:
_tile_overlayer_lowered:
.L_overlay_start_2:
0x349: {  	(tag) =	ssettag $0x2  }
0x34a: {  	s0 =	rddreg [dreg:$0x0];
	s2 =	stileid.u32  }
0x34b: {  	s1 =	rddreg [dreg:$0x1];
	p0 =	sne.s32 s2, $0x0  }
0x34c: {  	s3 =	rddreg [dreg:$0x2];
	[bflag:$0x3] =	sbarrier.arrive $0xFFFF;
	s2 =	simm.s32 @!p0 $0x1C07  }
0x34d: {  	[timem:s3], [sflag:s2] =	dma.local @!p0 [hbm:s0], s1  }
0x34e: {  	s0 =	simm.s32 @!p0 $0x7  }
0x34f: {  	_ =	swait.ge @!p0 [sflag:s0], s1  }
0x350: {  	s1 =	ssub.s32 @!p0 $0x0, s1;
	[sflag:s0] =	ssyncset.done @!p0 $0x0  }
0x351: {  	[sflag:s0] =	ssyncadd.s32 @!p0 s1  }
0x352: {  	[bflag:$0x3] =	sbarrier.arrive $0xFFFF  }
0x353: {  	_ =	shalt  }

</sc_bundles>
